<compile_context>
chip_gen: v7x
topology: tpu7x:2x2x1
jax: 0.10.2.dev20260603
libtpu: 0.0.44.dev20260713+nightly
codegen_flags: <defaults>
</compile_context>

<pallas_src>
import functools

import jax
import jax.numpy as jnp
from jax import lax
from jax.experimental import pallas as pl
from jax.experimental.pallas import tpu as pltpu
from jax.experimental.pallas import tpu_sc as plsc

F32 = jnp.float32
I32 = jnp.int32

NCAM = 6
H, W, D = 32, 88, 88
HW = H * W
P = HW * D
RAYS = NCAM * HW
ROWS = P // 128
NBLK = 11
RBLK = ROWS // NBLK
IGNORE = 9

NWORK = 32
GROUPS = RAYS // 16
GPT = GROUPS // NWORK
RPT = RAYS // NWORK


def _tc_body(pri, i2c, rot, pt, ct, norm_ref, occ_ref):
    c = pl.program_id(0)
    j = pl.program_id(1)
    base = j * (RBLK * 128)
    row = lax.broadcasted_iota(I32, (RBLK, 128), 0)
    col = lax.broadcasted_iota(I32, (RBLK, 128), 1)
    p = base + row * 128 + col
    pf = p.astype(F32)
    hw = (pf * (1.0 / D)).astype(I32)
    d = p - hw * D
    hwf = hw.astype(F32)
    h = (hwf * (1.0 / W)).astype(I32)
    w = hw - h * W

    u0 = (w.astype(F32) + 0.5) * 8.0 - pt[c, 0]
    u1 = (h.astype(F32) + 0.5) * 8.0 - pt[c, 1]
    u2 = 1.0 - pt[c, 2]

    def rnd(x):
        return x.astype(jnp.bfloat16).astype(F32)

    def m3(m, i, a0, a1, a2):
        return (rnd(m[c, i, 0]) * a0 + rnd(m[c, i, 1]) * a1
                + rnd(m[c, i, 2]) * a2)

    u0r, u1r, u2r = rnd(u0), rnd(u1), rnd(u2)
    v0 = m3(pri, 0, u0r, u1r, u2r)
    v1 = m3(pri, 1, u0r, u1r, u2r)
    v2 = m3(pri, 2, u0r, u1r, u2r)
    dv = 1.0 + 0.5 * d.astype(F32)
    t0 = rnd(v0 * dv)
    t1 = rnd(v1 * dv)
    t2 = rnd(v2 * dv)
    w0 = m3(i2c, 0, t0, t1, t2)
    w1 = m3(i2c, 1, t0, t1, t2)
    w2 = m3(i2c, 2, t0, t1, t2)
    w0r, w1r, w2r = rnd(w0), rnd(w1), rnd(w2)
    e0 = m3(rot, 0, w0r, w1r, w2r) + ct[c, 0]
    e1 = m3(rot, 1, w0r, w1r, w2r) + ct[c, 1]
    e2 = m3(rot, 2, w0r, w1r, w2r) + ct[c, 2]

    n0 = (e0 * 2.5 + 100.0) / 200.0 * 2.0 - 1.0
    n1 = (e1 * 2.5 + 100.0) / 200.0 * 2.0 - 1.0
    n2 = (e2 * 2.5 + 3.0) / 16.0 * 2.0 - 1.0
    norm_ref[0, 0] = n0
    norm_ref[0, 1] = n1
    norm_ref[0, 2] = n2
    occ_ref[0] = ((n0 >= -1.0) & (n0 <= 1.0)
                  & (n1 >= -1.0) & (n1 <= 1.0)
                  & (n2 >= -1.0) & (n2 <= 1.0))


_tc_call = pl.pallas_call(
    _tc_body,
    grid=(NCAM, NBLK),
    in_specs=[pl.BlockSpec(memory_space=pltpu.SMEM)] * 5,
    out_specs=[
        pl.BlockSpec((1, 3, RBLK, 128), lambda c, j: (c, 0, j, 0)),
        pl.BlockSpec((1, RBLK, 128), lambda c, j: (c, j, 0)),
    ],
    out_shape=[
        jax.ShapeDtypeStruct((NCAM, 3, ROWS, 128), F32),
        jax.ShapeDtypeStruct((NCAM, ROWS, 128), jnp.bool_),
    ],
)


_SC_MESH = plsc.VectorSubcoreMesh(core_axis_name="c", subcore_axis_name="s")


@functools.partial(
    pl.kernel,
    mesh=_SC_MESH,
    out_type=[
        jax.ShapeDtypeStruct((RAYS,), I32),
        jax.ShapeDtypeStruct((RAYS,), F32),
    ],
    scratch_types=[
        pltpu.VMEM((NCAM * 528,), F32),
        pltpu.VMEM((8, 16), I32),
        pltpu.VMEM((RPT,), I32),
        pltpu.VMEM((RPT,), F32),
        pltpu.VMEM((16,), I32),
        pltpu.VMEM((16,), I32),
        pltpu.VMEM((16,), I32),
        pltpu.VMEM_SHARED((200 * 200 * 16,), I32),
        pltpu.VMEM((40000,), I32),
        pltpu.SemaphoreType.DMA,
    ],
)
def _sc_render(bcast_hbm, table_hbm, sem_hbm, dep_hbm,
               mat_v, val8_v, semo_v, depo_v,
               found_v, first_v, semg_v, table_sh, stage_v, dsem):
    sid = lax.axis_index("s")
    wid = sid * 2 + lax.axis_index("c")
    lane = lax.iota(I32, 16)
    pltpu.sync_copy(bcast_hbm, mat_v)
    pltpu.sync_copy(table_hbm.at[pl.ds(sid * 40000, 40000)], stage_v)
    pltpu.sync_copy(stage_v, table_sh.at[pl.ds(sid * 40000, 40000)])
    plsc.subcore_barrier()

    def group_body(gi, carry):
        r0 = wid * RPT + gi * 16
        cam = ((r0 >> 8) * 94) >> 10
        pixv = (r0 - cam * HW) + lane
        hh = (pixv.astype(F32) * (1.0 / W)).astype(I32)
        ww = pixv - hh * W

        cbase = cam * 528

        def mrow(j):
            return mat_v[pl.ds(cbase + j * 16, 16)]

        def rnd(x):
            c = x * 65537.0
            return c - (c - x)

        def m3(base_row, i, a0, a1, a2):
            return (rnd(mrow(base_row + 3 * i)) * a0
                    + rnd(mrow(base_row + 3 * i + 1)) * a1
                    + rnd(mrow(base_row + 3 * i + 2)) * a2)

        pt0, pt1, pt2 = mrow(27), mrow(28), mrow(29)
        ct0, ct1, ct2 = mrow(30), mrow(31), mrow(32)
        u0 = (ww.astype(F32) + 0.5) * 8.0 - pt0
        u1 = (hh.astype(F32) + 0.5) * 8.0 - pt1
        u2 = 1.0 - pt2
        u0r, u1r, u2r = rnd(u0), rnd(u1), rnd(u2)
        v0 = m3(0, 0, u0r, u1r, u2r)
        v1 = m3(0, 1, u0r, u1r, u2r)
        v2 = m3(0, 2, u0r, u1r, u2r)

        i2cr = [rnd(mrow(9 + j)) for j in range(9)]
        rotr = [rnd(mrow(18 + j)) for j in range(9)]

        def voxel_idx(dscalar):
            dv = 1.0 + 0.5 * dscalar.astype(F32)
            dvec = jnp.full((16,), dv, F32)
            t0 = rnd(v0 * dvec)
            t1 = rnd(v1 * dvec)
            t2 = rnd(v2 * dvec)
            w0 = i2cr[0] * t0 + i2cr[1] * t1 + i2cr[2] * t2
            w1 = i2cr[3] * t0 + i2cr[4] * t1 + i2cr[5] * t2
            w2 = i2cr[6] * t0 + i2cr[7] * t1 + i2cr[8] * t2
            w0r, w1r, w2r = rnd(w0), rnd(w1), rnd(w2)
            e0 = rotr[0] * w0r + rotr[1] * w1r + rotr[2] * w2r + ct0
            e1 = rotr[3] * w0r + rotr[4] * w1r + rotr[5] * w2r + ct1
            e2 = rotr[6] * w0r + rotr[7] * w1r + rotr[8] * w2r + ct2
            gx = e0 * 2.5 + 100.0
            gy = e1 * 2.5 + 100.0
            gz = e2 * 2.5 + 3.0
            ix = jnp.minimum(jnp.maximum(gx, 0.0), 199.0).astype(I32)
            iy = jnp.minimum(jnp.maximum(gy, 0.0), 199.0).astype(I32)
            iz = jnp.minimum(jnp.maximum(gz, 0.0), 15.0).astype(I32)
            return (ix * 200 + iy) * 16 + iz

        found_v[...] = jnp.zeros((16,), I32)
        first_v[...] = jnp.zeros((16,), I32)
        semg_v[...] = jnp.zeros((16,), I32)

        def blk_body(blk, done):
            def run_block(_):
                d0 = blk * 8
                handles = []
                for k in range(8):
                    idx = voxel_idx(d0 + k)
                    handles.append(
                        pltpu.async_copy(table_sh.at[idx], val8_v.at[k], dsem))
                for h in handles:
                    h.wait()
                for k in range(8):
                    val = val8_v[k, :]
                    found = found_v[...]
                    newly = (found == 0) & (val != IGNORE)
                    first_v[...] = jnp.where(newly, d0 + k, first_v[...])
                    semg_v[...] = jnp.where(newly, val, semg_v[...])
                    found_v[...] = jnp.where(newly, 1, found)
                f = found_v[...]
                cnt = f[0]
                for k in range(1, 16):
                    cnt = cnt + f[k]
                return jnp.where(cnt >= 16, 1, 0).astype(I32)

            return lax.cond(done == 0, run_block, lambda _: done, 0)

        lax.fori_loop(0, D // 8, blk_body, jnp.int32(0))
        found = found_v[...]
        first = first_v[...]
        sem = semg_v[...]
        hit = found != 0
        first = jnp.where(hit, first, 0)
        sem = jnp.where(hit, sem, IGNORE)
        semo_v[pl.ds(gi * 16, 16)] = sem
        depo_v[pl.ds(gi * 16, 16)] = 1.0 + 0.5 * first.astype(F32)
        return carry

    lax.fori_loop(0, GPT, group_body, 0)
    pltpu.sync_copy(semo_v, sem_hbm.at[pl.ds(wid * RPT, RPT)])
    pltpu.sync_copy(depo_v, dep_hbm.at[pl.ds(wid * RPT, RPT)])


def kernel(cam2ego_rot, cam2ego_trans, cam2img, post_rots, post_trans,
           semantic_map):
    pri = jnp.linalg.inv(post_rots)[0]
    i2c = jnp.linalg.inv(cam2img)[0]
    rot = cam2ego_rot[0]
    pt = post_trans[0]
    ct = cam2ego_trans[0]

    norm, occ = _tc_call(pri, i2c, rot, pt, ct)

    scal = jnp.concatenate(
        [pri.reshape(NCAM, 9), i2c.reshape(NCAM, 9), rot.reshape(NCAM, 9),
         pt, ct], axis=1)
    bcast = jnp.broadcast_to(scal[:, :, None], (NCAM, 33, 16)).reshape(NCAM * 33 * 16)
    table = semantic_map[0].reshape(200 * 200 * 16).astype(I32)

    sem_flat, dep_flat = _sc_render(bcast, table)

    sem_view = sem_flat.reshape(NCAM, H, W)
    depth_map = dep_flat.reshape(NCAM, H, W)
    norm_out = norm.reshape(1, NCAM, 3, P)
    occ_out = occ.reshape(1, NCAM, P)
    return (sem_view, depth_map, norm_out, occ_out)

# --- scband reference (transcript-rebuilt; emitter-appended) ---
"""Pipeline reference for scband-pesudo-render-net-69432441307677 (READ-ONLY COPY).

The authoritative reference and input builder live on the scoring server;
editing this copy changes nothing except your own understanding.
"""

import jax, jax.numpy as jnp
import numpy as np

NUM_CAMS = 6
BATCH = 1
DOWNSAMPLE = 8
NUM_CLASS = 18
IMG_H = 256 // DOWNSAMPLE
IMG_W = 704 // DOWNSAMPLE
DEPTH_START, DEPTH_END, DEPTH_STEP = 1.0, 45.0, 0.5
IGNORE = 9


def _build_coords():
    h = jnp.arange(IMG_H, dtype=jnp.float32) + 0.5
    w = jnp.arange(IMG_W, dtype=jnp.float32) + 0.5
    d = jnp.arange(DEPTH_START, DEPTH_END, DEPTH_STEP, dtype=jnp.float32)
    Wg, Hg, Dg = jnp.meshgrid(w, h, d, indexing='xy')
    coords = jnp.stack((Wg, Hg, Dg), axis=-1)  # (IMG_H, IMG_W, D, 3)
    coords = jnp.broadcast_to(coords[None, None], (BATCH, NUM_CAMS) + coords.shape)
    return coords


def setup_inputs(seed: int = 0) -> dict:
    key = jax.random.key(seed)
    ks = jax.random.split(key, 6)
    return {
        'cam2ego_rot': jax.random.normal(ks[0], (1, 6, 3, 3), dtype=jnp.float32),
        'cam2ego_trans': jax.random.normal(ks[1], (1, 6, 3), dtype=jnp.float32),
        'cam2img': jax.random.normal(ks[2], (1, 6, 3, 3), dtype=jnp.float32),
        'post_rots': jax.random.normal(ks[3], (1, 6, 3, 3), dtype=jnp.float32),
        'post_trans': jax.random.normal(ks[4], (1, 6, 3), dtype=jnp.float32),
        'semantic_map': jax.random.randint(ks[5], (1, 200, 200, 16), 0, NUM_CLASS, dtype=jnp.int64),
    }


def reference(cam2ego_rot, cam2ego_trans, cam2img, post_rots, post_trans, semantic_map):
    coords = _build_coords()  # (B, N, H, W, D, 3) non-grad buffer
    B, N = BATCH, NUM_CAMS
    D = coords.shape[4]
    P = IMG_H * IMG_W * D
    xy = coords[..., :2].reshape(B, N, P, 2)
    depth = coords[..., 2].reshape(B, N, 1, P)
    ones = jnp.ones((B, N, P, 1), dtype=jnp.float32)
    remuse = jnp.array([DOWNSAMPLE, DOWNSAMPLE, 1.0], dtype=jnp.float32).reshape(1, 1, 3, 1)
    occ_ratio = jnp.array([1 / 0.4, 1 / 0.4, 1 / 0.4], dtype=jnp.float32).reshape(1, 1, 3, 1)
    xyz_min = jnp.array([-100.0, -100.0, -3.0], dtype=jnp.float32).reshape(1, 1, 3, 1)
    xyz_max = jnp.array([100.0, 100.0, 13.0], dtype=jnp.float32).reshape(1, 1, 3, 1)

    # frustrum2ego
    pix = jnp.transpose(jnp.concatenate([xy, ones], axis=3), (0, 1, 3, 2))  # (B,N,3,P)
    post_rot_inv = jnp.linalg.inv(post_rots)
    cam_points = pix * remuse - post_trans.reshape(B, N, 3, 1)
    cam_points = jnp.matmul(post_rot_inv, cam_points)
    img2cam = jnp.linalg.inv(cam2img)
    cam_points = cam_points * depth
    cam_points = jnp.matmul(img2cam, cam_points)
    ego = jnp.matmul(cam2ego_rot, cam_points) + cam2ego_trans.reshape(B, N, 3, 1)

    # occ space + norm_grid_sample
    ego_occ = ego * occ_ratio
    norm = (ego_occ - xyz_min) / (xyz_max - xyz_min) * 2 - 1
    mask_x = (norm[:, :, 0, :] >= -1) & (norm[:, :, 0, :] <= 1)
    mask_y = (norm[:, :, 1, :] >= -1) & (norm[:, :, 1, :] <= 1)
    mask_z = (norm[:, :, 2, :] >= -1) & (norm[:, :, 2, :] <= 1)
    occ_mask = mask_x & mask_y & mask_z  # (B,N,P)

    # map_coords_to_semantics (nearest-voxel gather)
    grid = jnp.transpose(ego_occ - xyz_min, (0, 1, 3, 2)).reshape(B * N, IMG_H, IMG_W, D, 3)
    X, Y, Z = semantic_map.shape[1], semantic_map.shape[2], semantic_map.shape[3]
    ix = jnp.clip(jnp.floor(grid[..., 0]).astype(jnp.int32), 0, X - 1)
    iy = jnp.clip(jnp.floor(grid[..., 1]).astype(jnp.int32), 0, Y - 1)
    iz = jnp.clip(jnp.floor(grid[..., 2]).astype(jnp.int32), 0, Z - 1)
    sem = semantic_map[0][ix, iy, iz]  # (B*N, H, W, D); B==1 so shared map

    # extract_first_non_ignore
    mask_ni = (sem != IGNORE).astype(jnp.int32)
    first = jnp.argmax(mask_ni, axis=3)  # (B*N, H, W)
    sem_view = jnp.take_along_axis(sem, first[..., None], axis=3)[..., 0]
    depth_map = DEPTH_START + DEPTH_STEP * first.astype(jnp.float32)
    return (sem_view, depth_map, norm, occ_mask)

if __name__ == "__main__":
    import jax
    _d = setup_inputs()
    print(jax.jit(kernel)(*tuple(_d.values())))

</pallas_src>

<mosaic_0001>
#map = affine_map<(d0, d1) -> (0)>
module attributes {stable_mosaic.version = 14 : i64} {
  func.func @_sc_render(%arg0: i32, %arg1: i32, %arg2: memref<3168xf32, #tpu.memory_space<hbm>>, %arg3: memref<640000xi32, #tpu.memory_space<hbm>>, %arg4: memref<16896xi32, #tpu.memory_space<hbm>>, %arg5: memref<16896xf32, #tpu.memory_space<hbm>>, %arg6: memref<3168xf32, #tpu.memory_space<vmem>>, %arg7: memref<8x16xi32, #tpu.memory_space<vmem>>, %arg8: memref<528xi32, #tpu.memory_space<vmem>>, %arg9: memref<528xf32, #tpu.memory_space<vmem>>, %arg10: memref<16xi32, #tpu.memory_space<vmem>>, %arg11: memref<16xi32, #tpu.memory_space<vmem>>, %arg12: memref<16xi32, #tpu.memory_space<vmem>>, %arg13: memref<640000xi32, #tpu.memory_space<vmem_shared>>, %arg14: memref<40000xi32, #tpu.memory_space<vmem>>, %arg15: memref<!tpu.dma_semaphore, #tpu.memory_space<semaphore_mem>>) attributes {dimension_semantics = [#tpu.dimension_semantics<core_parallel>, #tpu.dimension_semantics<subcore_parallel>], iteration_bounds = array<i64: 2, 16>, scalar_prefetch = 0 : i64, scratch_operands = 10 : i64, tpu.core_type = #tpu.core_type<sc_vector_subcore>, window_params = [{transform_indices = #map}, {transform_indices = #map}, {transform_indices = #map}, {transform_indices = #map}]} {
    %mul3A = arith.constant 2 : i32
    %mul3A_0 = arith.muli %arg1, %mul3A : i32
    %add3A = arith.addi %mul3A_0, %arg0 : i32
    %iota3A = tpu.iota {dimensions = array<i32: 0>} : vector<16xi32>
    "tpu.region"() ({
      %run_scoped3A = tpu.sem_alloc : memref<!tpu.dma_semaphore, #tpu.memory_space<semaphore_mem>>
      tpu.enqueue_dma source(%arg2 : memref<3168xf32, #tpu.memory_space<hbm>>) target(%arg6 : memref<3168xf32, #tpu.memory_space<vmem>>) target_semaphore(%run_scoped3A : memref<!tpu.dma_semaphore, #tpu.memory_space<semaphore_mem>>)
      tpu.wait_dma2 semaphore(%run_scoped3A : memref<!tpu.dma_semaphore, #tpu.memory_space<semaphore_mem>>) src(%arg2 : memref<3168xf32, #tpu.memory_space<hbm>>) dst(%arg6 : memref<3168xf32, #tpu.memory_space<vmem>>)
      tpu.yield
    }) : () -> ()
    %mul3A_1 = arith.constant 40000 : i32
    %mul3A_2 = arith.muli %arg1, %mul3A_1 : i32
    "tpu.region"() ({
      %run_scoped3A = tpu.sem_alloc : memref<!tpu.dma_semaphore, #tpu.memory_space<semaphore_mem>>
      %dma_start3A = tpu.memref_slice %arg3[%mul3A_2] : memref<640000xi32, #tpu.memory_space<hbm>> -> memref<40000xi32, #tpu.memory_space<hbm>>
      %dma_start3A_14 = tpu.memref_slice %arg3[%mul3A_2] : memref<640000xi32, #tpu.memory_space<hbm>> -> memref<40000xi32, #tpu.memory_space<hbm>>
      tpu.enqueue_dma source(%dma_start3A_14 : memref<40000xi32, #tpu.memory_space<hbm>>) target(%arg14 : memref<40000xi32, #tpu.memory_space<vmem>>) target_semaphore(%run_scoped3A : memref<!tpu.dma_semaphore, #tpu.memory_space<semaphore_mem>>)
      %dma_wait3A = tpu.memref_slice %arg3[%mul3A_2] : memref<640000xi32, #tpu.memory_space<hbm>> -> memref<40000xi32, #tpu.memory_space<hbm>>
      %dma_wait3A_15 = tpu.memref_slice %arg3[%mul3A_2] : memref<640000xi32, #tpu.memory_space<hbm>> -> memref<40000xi32, #tpu.memory_space<hbm>>
      tpu.wait_dma2 semaphore(%run_scoped3A : memref<!tpu.dma_semaphore, #tpu.memory_space<semaphore_mem>>) src(%dma_wait3A_15 : memref<40000xi32, #tpu.memory_space<hbm>>) dst(%arg14 : memref<40000xi32, #tpu.memory_space<vmem>>)
      tpu.yield
    }) : () -> ()
    %mul3A_3 = arith.constant 40000 : i32
    %mul3A_4 = arith.muli %arg1, %mul3A_3 : i32
    "tpu.region"() ({
      %run_scoped3A = tpu.sem_alloc : memref<!tpu.dma_semaphore, #tpu.memory_space<semaphore_mem>>
      %dma_start3A = tpu.memref_slice %arg13[%mul3A_4] : memref<640000xi32, #tpu.memory_space<vmem_shared>> -> memref<40000xi32, #tpu.memory_space<vmem_shared>>
      %dma_start3A_14 = tpu.memref_slice %arg13[%mul3A_4] : memref<640000xi32, #tpu.memory_space<vmem_shared>> -> memref<40000xi32, #tpu.memory_space<vmem_shared>>
      tpu.enqueue_dma source(%arg14 : memref<40000xi32, #tpu.memory_space<vmem>>) target(%dma_start3A_14 : memref<40000xi32, #tpu.memory_space<vmem_shared>>) target_semaphore(%run_scoped3A : memref<!tpu.dma_semaphore, #tpu.memory_space<semaphore_mem>>)
      %dma_wait3A = tpu.memref_slice %arg13[%mul3A_4] : memref<640000xi32, #tpu.memory_space<vmem_shared>> -> memref<40000xi32, #tpu.memory_space<vmem_shared>>
      %dma_wait3A_15 = tpu.memref_slice %arg13[%mul3A_4] : memref<640000xi32, #tpu.memory_space<vmem_shared>> -> memref<40000xi32, #tpu.memory_space<vmem_shared>>
      tpu.wait_dma2 semaphore(%run_scoped3A : memref<!tpu.dma_semaphore, #tpu.memory_space<semaphore_mem>>) src(%arg14 : memref<40000xi32, #tpu.memory_space<vmem>>) dst(%dma_wait3A_15 : memref<40000xi32, #tpu.memory_space<vmem_shared>>)
      tpu.yield
    }) : () -> ()
    %barrier3A = arith.constant 0 : index
    tpu.barrier barrier_id(%barrier3A)
    %scan3A = arith.constant 0 : i32
    %scan3A_5 = arith.constant 0 : i32
    %scan3A_6 = arith.constant 33 : i32
    %scan3A_7 = arith.addi %scan3A_5, %scan3A_6 : i32
    %scan3A_8 = arith.constant 1 : i32
    scf.for %scan3A_14 = %scan3A_5 to %scan3A_7 step %scan3A_8  : i32 {
      %mul3A_15 = arith.constant 528 : i32
      %mul3A_16 = arith.muli %add3A, %mul3A_15 : i32
      %mul3A_17 = arith.constant 16 : i32
      %mul3A_18 = arith.muli %scan3A_14, %mul3A_17 : i32
      %add3A_19 = arith.addi %mul3A_16, %mul3A_18 : i32
      %shift_right_arithmetic3A = arith.constant 8 : i32
      %shift_right_arithmetic3A_20 = arith.shrsi %add3A_19, %shift_right_arithmetic3A : i32
      %mul3A_21 = arith.constant 94 : i32
      %mul3A_22 = arith.muli %shift_right_arithmetic3A_20, %mul3A_21 : i32
      %shift_right_arithmetic3A_23 = arith.constant 10 : i32
      %shift_right_arithmetic3A_24 = arith.shrsi %mul3A_22, %shift_right_arithmetic3A_23 : i32
      %mul3A_25 = arith.constant 2816 : i32
      %mul3A_26 = arith.muli %shift_right_arithmetic3A_24, %mul3A_25 : i32
      %sub3A = arith.subi %add3A_19, %mul3A_26 : i32
      %add3A_27 = vector.broadcast %sub3A : i32 to vector<16xi32>
      %add3A_28 = arith.addi %add3A_27, %iota3A : vector<16xi32>
      %convert_element_type3A = arith.sitofp %add3A_28 : vector<16xi32> to vector<16xf32>
      %mul3A_29 = arith.constant 0.0113636367 : f32
      %mul3A_30 = vector.broadcast %mul3A_29 : f32 to vector<16xf32>
      %mul3A_31 = arith.mulf %convert_element_type3A, %mul3A_30 : vector<16xf32>
      %convert_element_type3A_32 = arith.fptosi %mul3A_31 : vector<16xf32> to vector<16xi32>
      %mul3A_33 = arith.constant 88 : i32
      %mul3A_34 = vector.broadcast %mul3A_33 : i32 to vector<16xi32>
      %mul3A_35 = arith.muli %convert_element_type3A_32, %mul3A_34 : vector<16xi32>
      %sub3A_36 = arith.subi %add3A_28, %mul3A_35 : vector<16xi32>
      %mul3A_37 = arith.constant 528 : i32
      %mul3A_38 = arith.muli %shift_right_arithmetic3A_24, %mul3A_37 : i32
      %add3A_39 = arith.constant 432 : i32
      %add3A_40 = arith.addi %mul3A_38, %add3A_39 : i32
      %get3A = arith.index_cast %add3A_40 : i32 to index
      %get3A_41 = tpu.vector_load %arg6[%get3A] {strides = array<i32>} : memref<3168xf32, #tpu.memory_space<vmem>>, vector<16xf32>,
      %get3A_42 = vector.shape_cast %get3A_41 : vector<16xf32> to vector<16xf32>
      %add3A_43 = arith.constant 448 : i32
      %add3A_44 = arith.addi %mul3A_38, %add3A_43 : i32
      %get3A_45 = arith.index_cast %add3A_44 : i32 to index
      %get3A_46 = tpu.vector_load %arg6[%get3A_45] {strides = array<i32>} : memref<3168xf32, #tpu.memory_space<vmem>>, vector<16xf32>,
      %get3A_47 = vector.shape_cast %get3A_46 : vector<16xf32> to vector<16xf32>
      %add3A_48 = arith.constant 464 : i32
      %add3A_49 = arith.addi %mul3A_38, %add3A_48 : i32
      %get3A_50 = arith.index_cast %add3A_49 : i32 to index
      %get3A_51 = tpu.vector_load %arg6[%get3A_50] {strides = array<i32>} : memref<3168xf32, #tpu.memory_space<vmem>>, vector<16xf32>,
      %get3A_52 = vector.shape_cast %get3A_51 : vector<16xf32> to vector<16xf32>
      %add3A_53 = arith.constant 480 : i32
      %add3A_54 = arith.addi %mul3A_38, %add3A_53 : i32
      %get3A_55 = arith.index_cast %add3A_54 : i32 to index
      %get3A_56 = tpu.vector_load %arg6[%get3A_55] {strides = array<i32>} : memref<3168xf32, #tpu.memory_space<vmem>>, vector<16xf32>,
      %get3A_57 = vector.shape_cast %get3A_56 : vector<16xf32> to vector<16xf32>
      %add3A_58 = arith.constant 496 : i32
      %add3A_59 = arith.addi %mul3A_38, %add3A_58 : i32
      %get3A_60 = arith.index_cast %add3A_59 : i32 to index
      %get3A_61 = tpu.vector_load %arg6[%get3A_60] {strides = array<i32>} : memref<3168xf32, #tpu.memory_space<vmem>>, vector<16xf32>,
      %get3A_62 = vector.shape_cast %get3A_61 : vector<16xf32> to vector<16xf32>
      %add3A_63 = arith.constant 512 : i32
      %add3A_64 = arith.addi %mul3A_38, %add3A_63 : i32
      %get3A_65 = arith.index_cast %add3A_64 : i32 to index
      %get3A_66 = tpu.vector_load %arg6[%get3A_65] {strides = array<i32>} : memref<3168xf32, #tpu.memory_space<vmem>>, vector<16xf32>,
      %get3A_67 = vector.shape_cast %get3A_66 : vector<16xf32> to vector<16xf32>
      %convert_element_type3A_68 = arith.sitofp %sub3A_36 : vector<16xi32> to vector<16xf32>
      %add3A_69 = arith.constant 5.000000e-01 : f32
      %add3A_70 = vector.broadcast %add3A_69 : f32 to vector<16xf32>
      %add3A_71 = arith.addf %convert_element_type3A_68, %add3A_70 : vector<16xf32>
      %mul3A_72 = arith.constant 8.000000e+00 : f32
      %mul3A_73 = vector.broadcast %mul3A_72 : f32 to vector<16xf32>
      %mul3A_74 = arith.mulf %add3A_71, %mul3A_73 : vector<16xf32>
      %sub3A_75 = arith.subf %mul3A_74, %get3A_42 : vector<16xf32>
      %convert_element_type3A_76 = arith.sitofp %convert_element_type3A_32 : vector<16xi32> to vector<16xf32>
      %add3A_77 = arith.constant 5.000000e-01 : f32
      %add3A_78 = vector.broadcast %add3A_77 : f32 to vector<16xf32>
      %add3A_79 = arith.addf %convert_element_type3A_76, %add3A_78 : vector<16xf32>
      %mul3A_80 = arith.constant 8.000000e+00 : f32
      %mul3A_81 = vector.broadcast %mul3A_80 : f32 to vector<16xf32>
      %mul3A_82 = arith.mulf %add3A_79, %mul3A_81 : vector<16xf32>
      %sub3A_83 = arith.subf %mul3A_82, %get3A_47 : vector<16xf32>
      %sub3A_84 = arith.constant 1.000000e+00 : f32
      %sub3A_85 = vector.broadcast %sub3A_84 : f32 to vector<16xf32>
      %sub3A_86 = arith.subf %sub3A_85, %get3A_52 : vector<16xf32>
      %mul3A_87 = arith.constant 6.553700e+04 : f32
      %mul3A_88 = vector.broadcast %mul3A_87 : f32 to vector<16xf32>
      %mul3A_89 = arith.mulf %sub3A_75, %mul3A_88 : vector<16xf32>
      %sub3A_90 = arith.subf %mul3A_89, %sub3A_75 : vector<16xf32>
      %sub3A_91 = arith.subf %mul3A_89, %sub3A_90 : vector<16xf32>
      %mul3A_92 = arith.constant 6.553700e+04 : f32
      %mul3A_93 = vector.broadcast %mul3A_92 : f32 to vector<16xf32>
      %mul3A_94 = arith.mulf %sub3A_83, %mul3A_93 : vector<16xf32>
      %sub3A_95 = arith.subf %mul3A_94, %sub3A_83 : vector<16xf32>
      %sub3A_96 = arith.subf %mul3A_94, %sub3A_95 : vector<16xf32>
      %mul3A_97 = arith.constant 6.553700e+04 : f32
      %mul3A_98 = vector.broadcast %mul3A_97 : f32 to vector<16xf32>
      %mul3A_99 = arith.mulf %sub3A_86, %mul3A_98 : vector<16xf32>
      %sub3A_100 = arith.subf %mul3A_99, %sub3A_86 : vector<16xf32>
      %sub3A_101 = arith.subf %mul3A_99, %sub3A_100 : vector<16xf32>
      %add3A_102 = arith.constant 0 : i32
      %add3A_103 = arith.addi %mul3A_38, %add3A_102 : i32
      %get3A_104 = arith.index_cast %add3A_103 : i32 to index
      %get3A_105 = tpu.vector_load %arg6[%get3A_104] {strides = array<i32>} : memref<3168xf32, #tpu.memory_space<vmem>>, vector<16xf32>,
      %get3A_106 = vector.shape_cast %get3A_105 : vector<16xf32> to vector<16xf32>
      %mul3A_107 = arith.constant 6.553700e+04 : f32
      %mul3A_108 = vector.broadcast %mul3A_107 : f32 to vector<16xf32>
      %mul3A_109 = arith.mulf %get3A_106, %mul3A_108 : vector<16xf32>
      %sub3A_110 = arith.subf %mul3A_109, %get3A_106 : vector<16xf32>
      %sub3A_111 = arith.subf %mul3A_109, %sub3A_110 : vector<16xf32>
      %mul3A_112 = arith.mulf %sub3A_111, %sub3A_91 : vector<16xf32>
      %add3A_113 = arith.constant 16 : i32
      %add3A_114 = arith.addi %mul3A_38, %add3A_113 : i32
      %get3A_115 = arith.index_cast %add3A_114 : i32 to index
      %get3A_116 = tpu.vector_load %arg6[%get3A_115] {strides = array<i32>} : memref<3168xf32, #tpu.memory_space<vmem>>, vector<16xf32>,
      %get3A_117 = vector.shape_cast %get3A_116 : vector<16xf32> to vector<16xf32>
      %mul3A_118 = arith.constant 6.553700e+04 : f32
      %mul3A_119 = vector.broadcast %mul3A_118 : f32 to vector<16xf32>
      %mul3A_120 = arith.mulf %get3A_117, %mul3A_119 : vector<16xf32>
      %sub3A_121 = arith.subf %mul3A_120, %get3A_117 : vector<16xf32>
      %sub3A_122 = arith.subf %mul3A_120, %sub3A_121 : vector<16xf32>
      %mul3A_123 = arith.mulf %sub3A_122, %sub3A_96 : vector<16xf32>
      %add3A_124 = arith.addf %mul3A_112, %mul3A_123 : vector<16xf32>
      %add3A_125 = arith.constant 32 : i32
      %add3A_126 = arith.addi %mul3A_38, %add3A_125 : i32
      %get3A_127 = arith.index_cast %add3A_126 : i32 to index
      %get3A_128 = tpu.vector_load %arg6[%get3A_127] {strides = array<i32>} : memref<3168xf32, #tpu.memory_space<vmem>>, vector<16xf32>,
      %get3A_129 = vector.shape_cast %get3A_128 : vector<16xf32> to vector<16xf32>
      %mul3A_130 = arith.constant 6.553700e+04 : f32
      %mul3A_131 = vector.broadcast %mul3A_130 : f32 to vector<16xf32>
      %mul3A_132 = arith.mulf %get3A_129, %mul3A_131 : vector<16xf32>
      %sub3A_133 = arith.subf %mul3A_132, %get3A_129 : vector<16xf32>
      %sub3A_134 = arith.subf %mul3A_132, %sub3A_133 : vector<16xf32>
      %mul3A_135 = arith.mulf %sub3A_134, %sub3A_101 : vector<16xf32>
      %add3A_136 = arith.addf %add3A_124, %mul3A_135 : vector<16xf32>
      %add3A_137 = arith.constant 48 : i32
      %add3A_138 = arith.addi %mul3A_38, %add3A_137 : i32
      %get3A_139 = arith.index_cast %add3A_138 : i32 to index
      %get3A_140 = tpu.vector_load %arg6[%get3A_139] {strides = array<i32>} : memref<3168xf32, #tpu.memory_space<vmem>>, vector<16xf32>,
      %get3A_141 = vector.shape_cast %get3A_140 : vector<16xf32> to vector<16xf32>
      %mul3A_142 = arith.constant 6.553700e+04 : f32
      %mul3A_143 = vector.broadcast %mul3A_142 : f32 to vector<16xf32>
      %mul3A_144 = arith.mulf %get3A_141, %mul3A_143 : vector<16xf32>
      %sub3A_145 = arith.subf %mul3A_144, %get3A_141 : vector<16xf32>
      %sub3A_146 = arith.subf %mul3A_144, %sub3A_145 : vector<16xf32>
      %mul3A_147 = arith.mulf %sub3A_146, %sub3A_91 : vector<16xf32>
      %add3A_148 = arith.constant 64 : i32
      %add3A_149 = arith.addi %mul3A_38, %add3A_148 : i32
      %get3A_150 = arith.index_cast %add3A_149 : i32 to index
      %get3A_151 = tpu.vector_load %arg6[%get3A_150] {strides = array<i32>} : memref<3168xf32, #tpu.memory_space<vmem>>, vector<16xf32>,
      %get3A_152 = vector.shape_cast %get3A_151 : vector<16xf32> to vector<16xf32>
      %mul3A_153 = arith.constant 6.553700e+04 : f32
      %mul3A_154 = vector.broadcast %mul3A_153 : f32 to vector<16xf32>
      %mul3A_155 = arith.mulf %get3A_152, %mul3A_154 : vector<16xf32>
      %sub3A_156 = arith.subf %mul3A_155, %get3A_152 : vector<16xf32>
      %sub3A_157 = arith.subf %mul3A_155, %sub3A_156 : vector<16xf32>
      %mul3A_158 = arith.mulf %sub3A_157, %sub3A_96 : vector<16xf32>
      %add3A_159 = arith.addf %mul3A_147, %mul3A_158 : vector<16xf32>
      %add3A_160 = arith.constant 80 : i32
      %add3A_161 = arith.addi %mul3A_38, %add3A_160 : i32
      %get3A_162 = arith.index_cast %add3A_161 : i32 to index
      %get3A_163 = tpu.vector_load %arg6[%get3A_162] {strides = array<i32>} : memref<3168xf32, #tpu.memory_space<vmem>>, vector<16xf32>,
      %get3A_164 = vector.shape_cast %get3A_163 : vector<16xf32> to vector<16xf32>
      %mul3A_165 = arith.constant 6.553700e+04 : f32
      %mul3A_166 = vector.broadcast %mul3A_165 : f32 to vector<16xf32>
      %mul3A_167 = arith.mulf %get3A_164, %mul3A_166 : vector<16xf32>
      %sub3A_168 = arith.subf %mul3A_167, %get3A_164 : vector<16xf32>
      %sub3A_169 = arith.subf %mul3A_167, %sub3A_168 : vector<16xf32>
      %mul3A_170 = arith.mulf %sub3A_169, %sub3A_101 : vector<16xf32>
      %add3A_171 = arith.addf %add3A_159, %mul3A_170 : vector<16xf32>
      %add3A_172 = arith.constant 96 : i32
      %add3A_173 = arith.addi %mul3A_38, %add3A_172 : i32
      %get3A_174 = arith.index_cast %add3A_173 : i32 to index
      %get3A_175 = tpu.vector_load %arg6[%get3A_174] {strides = array<i32>} : memref<3168xf32, #tpu.memory_space<vmem>>, vector<16xf32>,
      %get3A_176 = vector.shape_cast %get3A_175 : vector<16xf32> to vector<16xf32>
      %mul3A_177 = arith.constant 6.553700e+04 : f32
      %mul3A_178 = vector.broadcast %mul3A_177 : f32 to vector<16xf32>
      %mul3A_179 = arith.mulf %get3A_176, %mul3A_178 : vector<16xf32>
      %sub3A_180 = arith.subf %mul3A_179, %get3A_176 : vector<16xf32>
      %sub3A_181 = arith.subf %mul3A_179, %sub3A_180 : vector<16xf32>
      %mul3A_182 = arith.mulf %sub3A_181, %sub3A_91 : vector<16xf32>
      %add3A_183 = arith.constant 112 : i32
      %add3A_184 = arith.addi %mul3A_38, %add3A_183 : i32
      %get3A_185 = arith.index_cast %add3A_184 : i32 to index
      %get3A_186 = tpu.vector_load %arg6[%get3A_185] {strides = array<i32>} : memref<3168xf32, #tpu.memory_space<vmem>>, vector<16xf32>,
      %get3A_187 = vector.shape_cast %get3A_186 : vector<16xf32> to vector<16xf32>
      %mul3A_188 = arith.constant 6.553700e+04 : f32
      %mul3A_189 = vector.broadcast %mul3A_188 : f32 to vector<16xf32>
      %mul3A_190 = arith.mulf %get3A_187, %mul3A_189 : vector<16xf32>
      %sub3A_191 = arith.subf %mul3A_190, %get3A_187 : vector<16xf32>
      %sub3A_192 = arith.subf %mul3A_190, %sub3A_191 : vector<16xf32>
      %mul3A_193 = arith.mulf %sub3A_192, %sub3A_96 : vector<16xf32>
      %add3A_194 = arith.addf %mul3A_182, %mul3A_193 : vector<16xf32>
      %add3A_195 = arith.constant 128 : i32
      %add3A_196 = arith.addi %mul3A_38, %add3A_195 : i32
      %get3A_197 = arith.index_cast %add3A_196 : i32 to index
      %get3A_198 = tpu.vector_load %arg6[%get3A_197] {strides = array<i32>} : memref<3168xf32, #tpu.memory_space<vmem>>, vector<16xf32>,
      %get3A_199 = vector.shape_cast %get3A_198 : vector<16xf32> to vector<16xf32>
      %mul3A_200 = arith.constant 6.553700e+04 : f32
      %mul3A_201 = vector.broadcast %mul3A_200 : f32 to vector<16xf32>
      %mul3A_202 = arith.mulf %get3A_199, %mul3A_201 : vector<16xf32>
      %sub3A_203 = arith.subf %mul3A_202, %get3A_199 : vector<16xf32>
      %sub3A_204 = arith.subf %mul3A_202, %sub3A_203 : vector<16xf32>
      %mul3A_205 = arith.mulf %sub3A_204, %sub3A_101 : vector<16xf32>
      %add3A_206 = arith.addf %add3A_194, %mul3A_205 : vector<16xf32>
      %add3A_207 = arith.constant 144 : i32
      %add3A_208 = arith.addi %mul3A_38, %add3A_207 : i32
      %get3A_209 = arith.index_cast %add3A_208 : i32 to index
      %get3A_210 = tpu.vector_load %arg6[%get3A_209] {strides = array<i32>} : memref<3168xf32, #tpu.memory_space<vmem>>, vector<16xf32>,
      %get3A_211 = vector.shape_cast %get3A_210 : vector<16xf32> to vector<16xf32>
      %mul3A_212 = arith.constant 6.553700e+04 : f32
      %mul3A_213 = vector.broadcast %mul3A_212 : f32 to vector<16xf32>
      %mul3A_214 = arith.mulf %get3A_211, %mul3A_213 : vector<16xf32>
      %sub3A_215 = arith.subf %mul3A_214, %get3A_211 : vector<16xf32>
      %sub3A_216 = arith.subf %mul3A_214, %sub3A_215 : vector<16xf32>
      %add3A_217 = arith.constant 160 : i32
      %add3A_218 = arith.addi %mul3A_38, %add3A_217 : i32
      %get3A_219 = arith.index_cast %add3A_218 : i32 to index
      %get3A_220 = tpu.vector_load %arg6[%get3A_219] {strides = array<i32>} : memref<3168xf32, #tpu.memory_space<vmem>>, vector<16xf32>,
      %get3A_221 = vector.shape_cast %get3A_220 : vector<16xf32> to vector<16xf32>
      %mul3A_222 = arith.constant 6.553700e+04 : f32
      %mul3A_223 = vector.broadcast %mul3A_222 : f32 to vector<16xf32>
      %mul3A_224 = arith.mulf %get3A_221, %mul3A_223 : vector<16xf32>
      %sub3A_225 = arith.subf %mul3A_224, %get3A_221 : vector<16xf32>
      %sub3A_226 = arith.subf %mul3A_224, %sub3A_225 : vector<16xf32>
      %add3A_227 = arith.constant 176 : i32
      %add3A_228 = arith.addi %mul3A_38, %add3A_227 : i32
      %get3A_229 = arith.index_cast %add3A_228 : i32 to index
      %get3A_230 = tpu.vector_load %arg6[%get3A_229] {strides = array<i32>} : memref<3168xf32, #tpu.memory_space<vmem>>, vector<16xf32>,
      %get3A_231 = vector.shape_cast %get3A_230 : vector<16xf32> to vector<16xf32>
      %mul3A_232 = arith.constant 6.553700e+04 : f32
      %mul3A_233 = vector.broadcast %mul3A_232 : f32 to vector<16xf32>
      %mul3A_234 = arith.mulf %get3A_231, %mul3A_233 : vector<16xf32>
      %sub3A_235 = arith.subf %mul3A_234, %get3A_231 : vector<16xf32>
      %sub3A_236 = arith.subf %mul3A_234, %sub3A_235 : vector<16xf32>
      %add3A_237 = arith.constant 192 : i32
      %add3A_238 = arith.addi %mul3A_38, %add3A_237 : i32
      %get3A_239 = arith.index_cast %add3A_238 : i32 to index
      %get3A_240 = tpu.vector_load %arg6[%get3A_239] {strides = array<i32>} : memref<3168xf32, #tpu.memory_space<vmem>>, vector<16xf32>,
      %get3A_241 = vector.shape_cast %get3A_240 : vector<16xf32> to vector<16xf32>
      %mul3A_242 = arith.constant 6.553700e+04 : f32
      %mul3A_243 = vector.broadcast %mul3A_242 : f32 to vector<16xf32>
      %mul3A_244 = arith.mulf %get3A_241, %mul3A_243 : vector<16xf32>
      %sub3A_245 = arith.subf %mul3A_244, %get3A_241 : vector<16xf32>
      %sub3A_246 = arith.subf %mul3A_244, %sub3A_245 : vector<16xf32>
      %add3A_247 = arith.constant 208 : i32
      %add3A_248 = arith.addi %mul3A_38, %add3A_247 : i32
      %get3A_249 = arith.index_cast %add3A_248 : i32 to index
      %get3A_250 = tpu.vector_load %arg6[%get3A_249] {strides = array<i32>} : memref<3168xf32, #tpu.memory_space<vmem>>, vector<16xf32>,
      %get3A_251 = vector.shape_cast %get3A_250 : vector<16xf32> to vector<16xf32>
      %mul3A_252 = arith.constant 6.553700e+04 : f32
      %mul3A_253 = vector.broadcast %mul3A_252 : f32 to vector<16xf32>
      %mul3A_254 = arith.mulf %get3A_251, %mul3A_253 : vector<16xf32>
      %sub3A_255 = arith.subf %mul3A_254, %get3A_251 : vector<16xf32>
      %sub3A_256 = arith.subf %mul3A_254, %sub3A_255 : vector<16xf32>
      %add3A_257 = arith.constant 224 : i32
      %add3A_258 = arith.addi %mul3A_38, %add3A_257 : i32
      %get3A_259 = arith.index_cast %add3A_258 : i32 to index
      %get3A_260 = tpu.vector_load %arg6[%get3A_259] {strides = array<i32>} : memref<3168xf32, #tpu.memory_space<vmem>>, vector<16xf32>,
      %get3A_261 = vector.shape_cast %get3A_260 : vector<16xf32> to vector<16xf32>
      %mul3A_262 = arith.constant 6.553700e+04 : f32
      %mul3A_263 = vector.broadcast %mul3A_262 : f32 to vector<16xf32>
      %mul3A_264 = arith.mulf %get3A_261, %mul3A_263 : vector<16xf32>
      %sub3A_265 = arith.subf %mul3A_264, %get3A_261 : vector<16xf32>
      %sub3A_266 = arith.subf %mul3A_264, %sub3A_265 : vector<16xf32>
      %add3A_267 = arith.constant 240 : i32
      %add3A_268 = arith.addi %mul3A_38, %add3A_267 : i32
      %get3A_269 = arith.index_cast %add3A_268 : i32 to index
      %get3A_270 = tpu.vector_load %arg6[%get3A_269] {strides = array<i32>} : memref<3168xf32, #tpu.memory_space<vmem>>, vector<16xf32>,
      %get3A_271 = vector.shape_cast %get3A_270 : vector<16xf32> to vector<16xf32>
      %mul3A_272 = arith.constant 6.553700e+04 : f32
      %mul3A_273 = vector.broadcast %mul3A_272 : f32 to vector<16xf32>
      %mul3A_274 = arith.mulf %get3A_271, %mul3A_273 : vector<16xf32>
      %sub3A_275 = arith.subf %mul3A_274, %get3A_271 : vector<16xf32>
      %sub3A_276 = arith.subf %mul3A_274, %sub3A_275 : vector<16xf32>
      %add3A_277 = arith.constant 256 : i32
      %add3A_278 = arith.addi %mul3A_38, %add3A_277 : i32
      %get3A_279 = arith.index_cast %add3A_278 : i32 to index
      %get3A_280 = tpu.vector_load %arg6[%get3A_279] {strides = array<i32>} : memref<3168xf32, #tpu.memory_space<vmem>>, vector<16xf32>,
      %get3A_281 = vector.shape_cast %get3A_280 : vector<16xf32> to vector<16xf32>
      %mul3A_282 = arith.constant 6.553700e+04 : f32
      %mul3A_283 = vector.broadcast %mul3A_282 : f32 to vector<16xf32>
      %mul3A_284 = arith.mulf %get3A_281, %mul3A_283 : vector<16xf32>
      %sub3A_285 = arith.subf %mul3A_284, %get3A_281 : vector<16xf32>
      %sub3A_286 = arith.subf %mul3A_284, %sub3A_285 : vector<16xf32>
      %add3A_287 = arith.constant 272 : i32
      %add3A_288 = arith.addi %mul3A_38, %add3A_287 : i32
      %get3A_289 = arith.index_cast %add3A_288 : i32 to index
      %get3A_290 = tpu.vector_load %arg6[%get3A_289] {strides = array<i32>} : memref<3168xf32, #tpu.memory_space<vmem>>, vector<16xf32>,
      %get3A_291 = vector.shape_cast %get3A_290 : vector<16xf32> to vector<16xf32>
      %mul3A_292 = arith.constant 6.553700e+04 : f32
      %mul3A_293 = vector.broadcast %mul3A_292 : f32 to vector<16xf32>
      %mul3A_294 = arith.mulf %get3A_291, %mul3A_293 : vector<16xf32>
      %sub3A_295 = arith.subf %mul3A_294, %get3A_291 : vector<16xf32>
      %sub3A_296 = arith.subf %mul3A_294, %sub3A_295 : vector<16xf32>
      %add3A_297 = arith.constant 288 : i32
      %add3A_298 = arith.addi %mul3A_38, %add3A_297 : i32
      %get3A_299 = arith.index_cast %add3A_298 : i32 to index
      %get3A_300 = tpu.vector_load %arg6[%get3A_299] {strides = array<i32>} : memref<3168xf32, #tpu.memory_space<vmem>>, vector<16xf32>,
      %get3A_301 = vector.shape_cast %get3A_300 : vector<16xf32> to vector<16xf32>
      %mul3A_302 = arith.constant 6.553700e+04 : f32
      %mul3A_303 = vector.broadcast %mul3A_302 : f32 to vector<16xf32>
      %mul3A_304 = arith.mulf %get3A_301, %mul3A_303 : vector<16xf32>
      %sub3A_305 = arith.subf %mul3A_304, %get3A_301 : vector<16xf32>
      %sub3A_306 = arith.subf %mul3A_304, %sub3A_305 : vector<16xf32>
      %add3A_307 = arith.constant 304 : i32
      %add3A_308 = arith.addi %mul3A_38, %add3A_307 : i32
      %get3A_309 = arith.index_cast %add3A_308 : i32 to index
      %get3A_310 = tpu.vector_load %arg6[%get3A_309] {strides = array<i32>} : memref<3168xf32, #tpu.memory_space<vmem>>, vector<16xf32>,
      %get3A_311 = vector.shape_cast %get3A_310 : vector<16xf32> to vector<16xf32>
      %mul3A_312 = arith.constant 6.553700e+04 : f32
      %mul3A_313 = vector.broadcast %mul3A_312 : f32 to vector<16xf32>
      %mul3A_314 = arith.mulf %get3A_311, %mul3A_313 : vector<16xf32>
      %sub3A_315 = arith.subf %mul3A_314, %get3A_311 : vector<16xf32>
      %sub3A_316 = arith.subf %mul3A_314, %sub3A_315 : vector<16xf32>
      %add3A_317 = arith.constant 320 : i32
      %add3A_318 = arith.addi %mul3A_38, %add3A_317 : i32
      %get3A_319 = arith.index_cast %add3A_318 : i32 to index
      %get3A_320 = tpu.vector_load %arg6[%get3A_319] {strides = array<i32>} : memref<3168xf32, #tpu.memory_space<vmem>>, vector<16xf32>,
      %get3A_321 = vector.shape_cast %get3A_320 : vector<16xf32> to vector<16xf32>
      %mul3A_322 = arith.constant 6.553700e+04 : f32
      %mul3A_323 = vector.broadcast %mul3A_322 : f32 to vector<16xf32>
      %mul3A_324 = arith.mulf %get3A_321, %mul3A_323 : vector<16xf32>
      %sub3A_325 = arith.subf %mul3A_324, %get3A_321 : vector<16xf32>
      %sub3A_326 = arith.subf %mul3A_324, %sub3A_325 : vector<16xf32>
      %add3A_327 = arith.constant 336 : i32
      %add3A_328 = arith.addi %mul3A_38, %add3A_327 : i32
      %get3A_329 = arith.index_cast %add3A_328 : i32 to index
      %get3A_330 = tpu.vector_load %arg6[%get3A_329] {strides = array<i32>} : memref<3168xf32, #tpu.memory_space<vmem>>, vector<16xf32>,
      %get3A_331 = vector.shape_cast %get3A_330 : vector<16xf32> to vector<16xf32>
      %mul3A_332 = arith.constant 6.553700e+04 : f32
      %mul3A_333 = vector.broadcast %mul3A_332 : f32 to vector<16xf32>
      %mul3A_334 = arith.mulf %get3A_331, %mul3A_333 : vector<16xf32>
      %sub3A_335 = arith.subf %mul3A_334, %get3A_331 : vector<16xf32>
      %sub3A_336 = arith.subf %mul3A_334, %sub3A_335 : vector<16xf32>
      %add3A_337 = arith.constant 352 : i32
      %add3A_338 = arith.addi %mul3A_38, %add3A_337 : i32
      %get3A_339 = arith.index_cast %add3A_338 : i32 to index
      %get3A_340 = tpu.vector_load %arg6[%get3A_339] {strides = array<i32>} : memref<3168xf32, #tpu.memory_space<vmem>>, vector<16xf32>,
      %get3A_341 = vector.shape_cast %get3A_340 : vector<16xf32> to vector<16xf32>
      %mul3A_342 = arith.constant 6.553700e+04 : f32
      %mul3A_343 = vector.broadcast %mul3A_342 : f32 to vector<16xf32>
      %mul3A_344 = arith.mulf %get3A_341, %mul3A_343 : vector<16xf32>
      %sub3A_345 = arith.subf %mul3A_344, %get3A_341 : vector<16xf32>
      %sub3A_346 = arith.subf %mul3A_344, %sub3A_345 : vector<16xf32>
      %add3A_347 = arith.constant 368 : i32
      %add3A_348 = arith.addi %mul3A_38, %add3A_347 : i32
      %get3A_349 = arith.index_cast %add3A_348 : i32 to index
      %get3A_350 = tpu.vector_load %arg6[%get3A_349] {strides = array<i32>} : memref<3168xf32, #tpu.memory_space<vmem>>, vector<16xf32>,
      %get3A_351 = vector.shape_cast %get3A_350 : vector<16xf32> to vector<16xf32>
      %mul3A_352 = arith.constant 6.553700e+04 : f32
      %mul3A_353 = vector.broadcast %mul3A_352 : f32 to vector<16xf32>
      %mul3A_354 = arith.mulf %get3A_351, %mul3A_353 : vector<16xf32>
      %sub3A_355 = arith.subf %mul3A_354, %get3A_351 : vector<16xf32>
      %sub3A_356 = arith.subf %mul3A_354, %sub3A_355 : vector<16xf32>
      %add3A_357 = arith.constant 384 : i32
      %add3A_358 = arith.addi %mul3A_38, %add3A_357 : i32
      %get3A_359 = arith.index_cast %add3A_358 : i32 to index
      %get3A_360 = tpu.vector_load %arg6[%get3A_359] {strides = array<i32>} : memref<3168xf32, #tpu.memory_space<vmem>>, vector<16xf32>,
      %get3A_361 = vector.shape_cast %get3A_360 : vector<16xf32> to vector<16xf32>
      %mul3A_362 = arith.constant 6.553700e+04 : f32
      %mul3A_363 = vector.broadcast %mul3A_362 : f32 to vector<16xf32>
      %mul3A_364 = arith.mulf %get3A_361, %mul3A_363 : vector<16xf32>
      %sub3A_365 = arith.subf %mul3A_364, %get3A_361 : vector<16xf32>
      %sub3A_366 = arith.subf %mul3A_364, %sub3A_365 : vector<16xf32>
      %add3A_367 = arith.constant 400 : i32
      %add3A_368 = arith.addi %mul3A_38, %add3A_367 : i32
      %get3A_369 = arith.index_cast %add3A_368 : i32 to index
      %get3A_370 = tpu.vector_load %arg6[%get3A_369] {strides = array<i32>} : memref<3168xf32, #tpu.memory_space<vmem>>, vector<16xf32>,
      %get3A_371 = vector.shape_cast %get3A_370 : vector<16xf32> to vector<16xf32>
      %mul3A_372 = arith.constant 6.553700e+04 : f32
      %mul3A_373 = vector.broadcast %mul3A_372 : f32 to vector<16xf32>
      %mul3A_374 = arith.mulf %get3A_371, %mul3A_373 : vector<16xf32>
      %sub3A_375 = arith.subf %mul3A_374, %get3A_371 : vector<16xf32>
      %sub3A_376 = arith.subf %mul3A_374, %sub3A_375 : vector<16xf32>
      %add3A_377 = arith.constant 416 : i32
      %add3A_378 = arith.addi %mul3A_38, %add3A_377 : i32
      %get3A_379 = arith.index_cast %add3A_378 : i32 to index
      %get3A_380 = tpu.vector_load %arg6[%get3A_379] {strides = array<i32>} : memref<3168xf32, #tpu.memory_space<vmem>>, vector<16xf32>,
      %get3A_381 = vector.shape_cast %get3A_380 : vector<16xf32> to vector<16xf32>
      %mul3A_382 = arith.constant 6.553700e+04 : f32
      %mul3A_383 = vector.broadcast %mul3A_382 : f32 to vector<16xf32>
      %mul3A_384 = arith.mulf %get3A_381, %mul3A_383 : vector<16xf32>
      %sub3A_385 = arith.subf %mul3A_384, %get3A_381 : vector<16xf32>
      %sub3A_386 = arith.subf %mul3A_384, %sub3A_385 : vector<16xf32>
      %broadcast_in_dim3A = arith.constant 0 : i32
      %broadcast_in_dim3A_387 = vector.broadcast %broadcast_in_dim3A : i32 to vector<16xi32>
      %swap3A = arith.constant 0 : index
      %swap3A_388 = tpu.vector_load %arg10[%swap3A] {strides = array<i32>} : memref<16xi32, #tpu.memory_space<vmem>>, vector<16xi32>,
      %swap3A_389 = vector.shape_cast %swap3A_388 : vector<16xi32> to vector<16xi32>
      %swap3A_390 = vector.shape_cast %broadcast_in_dim3A_387 : vector<16xi32> to vector<16xi32>
      tpu.vector_store %arg10[%swap3A], %swap3A_390 {strides = array<i32>} : memref<16xi32, #tpu.memory_space<vmem>>, vector<16xi32>,
      %broadcast_in_dim3A_391 = arith.constant 0 : i32
      %broadcast_in_dim3A_392 = vector.broadcast %broadcast_in_dim3A_391 : i32 to vector<16xi32>
      %swap3A_393 = arith.constant 0 : index
      %swap3A_394 = tpu.vector_load %arg11[%swap3A_393] {strides = array<i32>} : memref<16xi32, #tpu.memory_space<vmem>>, vector<16xi32>,
      %swap3A_395 = vector.shape_cast %swap3A_394 : vector<16xi32> to vector<16xi32>
      %swap3A_396 = vector.shape_cast %broadcast_in_dim3A_392 : vector<16xi32> to vector<16xi32>
      tpu.vector_store %arg11[%swap3A_393], %swap3A_396 {strides = array<i32>} : memref<16xi32, #tpu.memory_space<vmem>>, vector<16xi32>,
      %broadcast_in_dim3A_397 = arith.constant 0 : i32
      %broadcast_in_dim3A_398 = vector.broadcast %broadcast_in_dim3A_397 : i32 to vector<16xi32>
      %swap3A_399 = arith.constant 0 : index
      %swap3A_400 = tpu.vector_load %arg12[%swap3A_399] {strides = array<i32>} : memref<16xi32, #tpu.memory_space<vmem>>, vector<16xi32>,
      %swap3A_401 = vector.shape_cast %swap3A_400 : vector<16xi32> to vector<16xi32>
      %swap3A_402 = vector.shape_cast %broadcast_in_dim3A_398 : vector<16xi32> to vector<16xi32>
      tpu.vector_store %arg12[%swap3A_399], %swap3A_402 {strides = array<i32>} : memref<16xi32, #tpu.memory_space<vmem>>, vector<16xi32>,
      %scan3A_403 = arith.constant 0 : i32
      %scan3A_404 = arith.constant 0 : i32
      %scan3A_405 = arith.constant 11 : i32
      %scan3A_406 = arith.addi %scan3A_404, %scan3A_405 : i32
      %scan3A_407 = arith.constant 1 : i32
      %scan3A_408 = scf.for %scan3A_444 = %scan3A_404 to %scan3A_406 step %scan3A_407 iter_args(%scan3A_445 = %scan3A_403) -> (i32)  : i32 {
        %eq3A = arith.constant 0 : i32
        %eq3A_446 = arith.cmpi eq, %scan3A_445, %eq3A : i32
        %convert_element_type3A_447 = arith.extui %eq3A_446 : i1 to i32
        %cond3A = arith.constant 0 : i32
        %cond3A_448 = arith.constant 0 : i32
        %cond3A_449 = arith.cmpi ne, %convert_element_type3A_447, %cond3A_448 : i32
        %cond3A_450 = scf.if %cond3A_449 -> (i32) {
          %mul3A_451 = arith.constant 8 : i32
          %mul3A_452 = arith.muli %scan3A_444, %mul3A_451 : i32
          %add3A_453 = arith.constant 0 : i32
          %add3A_454 = arith.addi %mul3A_452, %add3A_453 : i32
          %convert_element_type3A_455 = arith.sitofp %add3A_454 : i32 to f32
          %mul3A_456 = arith.constant 5.000000e-01 : f32
          %mul3A_457 = arith.mulf %mul3A_456, %convert_element_type3A_455 : f32
          %add3A_458 = arith.constant 1.000000e+00 : f32
          %add3A_459 = arith.addf %add3A_458, %mul3A_457 : f32
          %broadcast_in_dim3A_460 = vector.broadcast %add3A_459 : f32 to vector<16xf32>
          %mul3A_461 = arith.mulf %add3A_136, %broadcast_in_dim3A_460 : vector<16xf32>
          %mul3A_462 = arith.constant 6.553700e+04 : f32
          %mul3A_463 = vector.broadcast %mul3A_462 : f32 to vector<16xf32>
          %mul3A_464 = arith.mulf %mul3A_461, %mul3A_463 : vector<16xf32>
          %sub3A_465 = arith.subf %mul3A_464, %mul3A_461 : vector<16xf32>
          %sub3A_466 = arith.subf %mul3A_464, %sub3A_465 : vector<16xf32>
          %mul3A_467 = arith.mulf %add3A_171, %broadcast_in_dim3A_460 : vector<16xf32>
          %mul3A_468 = arith.constant 6.553700e+04 : f32
          %mul3A_469 = vector.broadcast %mul3A_468 : f32 to vector<16xf32>
          %mul3A_470 = arith.mulf %mul3A_467, %mul3A_469 : vector<16xf32>
          %sub3A_471 = arith.subf %mul3A_470, %mul3A_467 : vector<16xf32>
          %sub3A_472 = arith.subf %mul3A_470, %sub3A_471 : vector<16xf32>
          %mul3A_473 = arith.mulf %add3A_206, %broadcast_in_dim3A_460 : vector<16xf32>
          %mul3A_474 = arith.constant 6.553700e+04 : f32
          %mul3A_475 = vector.broadcast %mul3A_474 : f32 to vector<16xf32>
          %mul3A_476 = arith.mulf %mul3A_473, %mul3A_475 : vector<16xf32>
          %sub3A_477 = arith.subf %mul3A_476, %mul3A_473 : vector<16xf32>
          %sub3A_478 = arith.subf %mul3A_476, %sub3A_477 : vector<16xf32>
          %mul3A_479 = arith.mulf %sub3A_216, %sub3A_466 : vector<16xf32>
          %mul3A_480 = arith.mulf %sub3A_226, %sub3A_472 : vector<16xf32>
          %add3A_481 = arith.addf %mul3A_479, %mul3A_480 : vector<16xf32>
          %mul3A_482 = arith.mulf %sub3A_236, %sub3A_478 : vector<16xf32>
          %add3A_483 = arith.addf %add3A_481, %mul3A_482 : vector<16xf32>
          %mul3A_484 = arith.mulf %sub3A_246, %sub3A_466 : vector<16xf32>
          %mul3A_485 = arith.mulf %sub3A_256, %sub3A_472 : vector<16xf32>
          %add3A_486 = arith.addf %mul3A_484, %mul3A_485 : vector<16xf32>
          %mul3A_487 = arith.mulf %sub3A_266, %sub3A_478 : vector<16xf32>
          %add3A_488 = arith.addf %add3A_486, %mul3A_487 : vector<16xf32>
          %mul3A_489 = arith.mulf %sub3A_276, %sub3A_466 : vector<16xf32>
          %mul3A_490 = arith.mulf %sub3A_286, %sub3A_472 : vector<16xf32>
          %add3A_491 = arith.addf %mul3A_489, %mul3A_490 : vector<16xf32>
          %mul3A_492 = arith.mulf %sub3A_296, %sub3A_478 : vector<16xf32>
          %add3A_493 = arith.addf %add3A_491, %mul3A_492 : vector<16xf32>
          %mul3A_494 = arith.constant 6.553700e+04 : f32
          %mul3A_495 = vector.broadcast %mul3A_494 : f32 to vector<16xf32>
          %mul3A_496 = arith.mulf %add3A_483, %mul3A_495 : vector<16xf32>
          %sub3A_497 = arith.subf %mul3A_496, %add3A_483 : vector<16xf32>
          %sub3A_498 = arith.subf %mul3A_496, %sub3A_497 : vector<16xf32>
          %mul3A_499 = arith.constant 6.553700e+04 : f32
          %mul3A_500 = vector.broadcast %mul3A_499 : f32 to vector<16xf32>
          %mul3A_501 = arith.mulf %add3A_488, %mul3A_500 : vector<16xf32>
          %sub3A_502 = arith.subf %mul3A_501, %add3A_488 : vector<16xf32>
          %sub3A_503 = arith.subf %mul3A_501, %sub3A_502 : vector<16xf32>
          %mul3A_504 = arith.constant 6.553700e+04 : f32
          %mul3A_505 = vector.broadcast %mul3A_504 : f32 to vector<16xf32>
          %mul3A_506 = arith.mulf %add3A_493, %mul3A_505 : vector<16xf32>
          %sub3A_507 = arith.subf %mul3A_506, %add3A_493 : vector<16xf32>
          %sub3A_508 = arith.subf %mul3A_506, %sub3A_507 : vector<16xf32>
          %mul3A_509 = arith.mulf %sub3A_306, %sub3A_498 : vector<16xf32>
          %mul3A_510 = arith.mulf %sub3A_316, %sub3A_503 : vector<16xf32>
          %add3A_511 = arith.addf %mul3A_509, %mul3A_510 : vector<16xf32>
          %mul3A_512 = arith.mulf %sub3A_326, %sub3A_508 : vector<16xf32>
          %add3A_513 = arith.addf %add3A_511, %mul3A_512 : vector<16xf32>
          %add3A_514 = arith.addf %add3A_513, %get3A_57 : vector<16xf32>
          %mul3A_515 = arith.mulf %sub3A_336, %sub3A_498 : vector<16xf32>
          %mul3A_516 = arith.mulf %sub3A_346, %sub3A_503 : vector<16xf32>
          %add3A_517 = arith.addf %mul3A_515, %mul3A_516 : vector<16xf32>
          %mul3A_518 = arith.mulf %sub3A_356, %sub3A_508 : vector<16xf32>
          %add3A_519 = arith.addf %add3A_517, %mul3A_518 : vector<16xf32>
          %add3A_520 = arith.addf %add3A_519, %get3A_62 : vector<16xf32>
          %mul3A_521 = arith.mulf %sub3A_366, %sub3A_498 : vector<16xf32>
          %mul3A_522 = arith.mulf %sub3A_376, %sub3A_503 : vector<16xf32>
          %add3A_523 = arith.addf %mul3A_521, %mul3A_522 : vector<16xf32>
          %mul3A_524 = arith.mulf %sub3A_386, %sub3A_508 : vector<16xf32>
          %add3A_525 = arith.addf %add3A_523, %mul3A_524 : vector<16xf32>
          %add3A_526 = arith.addf %add3A_525, %get3A_67 : vector<16xf32>
          %mul3A_527 = arith.constant 2.500000e+00 : f32
          %mul3A_528 = vector.broadcast %mul3A_527 : f32 to vector<16xf32>
          %mul3A_529 = arith.mulf %add3A_514, %mul3A_528 : vector<16xf32>
          %add3A_530 = arith.constant 1.000000e+02 : f32
          %add3A_531 = vector.broadcast %add3A_530 : f32 to vector<16xf32>
          %add3A_532 = arith.addf %mul3A_529, %add3A_531 : vector<16xf32>
          %mul3A_533 = arith.constant 2.500000e+00 : f32
          %mul3A_534 = vector.broadcast %mul3A_533 : f32 to vector<16xf32>
          %mul3A_535 = arith.mulf %add3A_520, %mul3A_534 : vector<16xf32>
          %add3A_536 = arith.constant 1.000000e+02 : f32
          %add3A_537 = vector.broadcast %add3A_536 : f32 to vector<16xf32>
          %add3A_538 = arith.addf %mul3A_535, %add3A_537 : vector<16xf32>
          %mul3A_539 = arith.constant 2.500000e+00 : f32
          %mul3A_540 = vector.broadcast %mul3A_539 : f32 to vector<16xf32>
          %mul3A_541 = arith.mulf %add3A_526, %mul3A_540 : vector<16xf32>
          %add3A_542 = arith.constant 3.000000e+00 : f32
          %add3A_543 = vector.broadcast %add3A_542 : f32 to vector<16xf32>
          %add3A_544 = arith.addf %mul3A_541, %add3A_543 : vector<16xf32>
          %max3A = arith.constant 0.000000e+00 : f32
          %max3A_545 = vector.broadcast %max3A : f32 to vector<16xf32>
          %max3A_546 = arith.maximumf %add3A_532, %max3A_545 : vector<16xf32>
          %min3A = arith.constant 1.990000e+02 : f32
          %min3A_547 = vector.broadcast %min3A : f32 to vector<16xf32>
          %min3A_548 = arith.minimumf %max3A_546, %min3A_547 : vector<16xf32>
          %convert_element_type3A_549 = arith.fptosi %min3A_548 : vector<16xf32> to vector<16xi32>
          %max3A_550 = arith.constant 0.000000e+00 : f32
          %max3A_551 = vector.broadcast %max3A_550 : f32 to vector<16xf32>
          %max3A_552 = arith.maximumf %add3A_538, %max3A_551 : vector<16xf32>
          %min3A_553 = arith.constant 1.990000e+02 : f32
          %min3A_554 = vector.broadcast %min3A_553 : f32 to vector<16xf32>
          %min3A_555 = arith.minimumf %max3A_552, %min3A_554 : vector<16xf32>
          %convert_element_type3A_556 = arith.fptosi %min3A_555 : vector<16xf32> to vector<16xi32>
          %max3A_557 = arith.constant 0.000000e+00 : f32
          %max3A_558 = vector.broadcast %max3A_557 : f32 to vector<16xf32>
          %max3A_559 = arith.maximumf %add3A_544, %max3A_558 : vector<16xf32>
          %min3A_560 = arith.constant 1.500000e+01 : f32
          %min3A_561 = vector.broadcast %min3A_560 : f32 to vector<16xf32>
          %min3A_562 = arith.minimumf %max3A_559, %min3A_561 : vector<16xf32>
          %convert_element_type3A_563 = arith.fptosi %min3A_562 : vector<16xf32> to vector<16xi32>
          %mul3A_564 = arith.constant 200 : i32
          %mul3A_565 = vector.broadcast %mul3A_564 : i32 to vector<16xi32>
          %mul3A_566 = arith.muli %convert_element_type3A_549, %mul3A_565 : vector<16xi32>
          %add3A_567 = arith.addi %mul3A_566, %convert_element_type3A_556 : vector<16xi32>
          %mul3A_568 = arith.constant 16 : i32
          %mul3A_569 = vector.broadcast %mul3A_568 : i32 to vector<16xi32>
          %mul3A_570 = arith.muli %add3A_567, %mul3A_569 : vector<16xi32>
          %add3A_571 = arith.addi %mul3A_570, %convert_element_type3A_563 : vector<16xi32>
          %dma_start3A = arith.constant 0 : i32
          %dma_start3A_572 = arith.constant 0 : i32
          %dma_start3A_573 = tpu.memref_slice %arg7[%dma_start3A, %dma_start3A_572] : memref<8x16xi32, #tpu.memory_space<vmem>> -> memref<1x16xi32, #tpu.memory_space<vmem>>
          %dma_start3A_574 = tpu.memref_squeeze %dma_start3A_573 : memref<1x16xi32, #tpu.memory_space<vmem>> -> memref<16xi32, #tpu.memory_space<vmem>>
          %dma_start3A_575 = arith.constant 0 : i32
          %dma_start3A_576 = tpu.memref_slice %arg13[%dma_start3A_575] : memref<640000xi32, #tpu.memory_space<vmem_shared>> -> memref<640000xi32, #tpu.memory_space<vmem_shared>>
          tpu.enqueue_indirect_dma source(%dma_start3A_576 : memref<640000xi32, #tpu.memory_space<vmem_shared>>) target(%dma_start3A_574 : memref<16xi32, #tpu.memory_space<vmem>>) offsets(%add3A_571 : vector<16xi32>) semaphore(%arg15 : memref<!tpu.dma_semaphore, #tpu.memory_space<semaphore_mem>>)
          %add3A_577 = arith.constant 1 : i32
          %add3A_578 = arith.addi %mul3A_452, %add3A_577 : i32
          %convert_element_type3A_579 = arith.sitofp %add3A_578 : i32 to f32
          %mul3A_580 = arith.constant 5.000000e-01 : f32
          %mul3A_581 = arith.mulf %mul3A_580, %convert_element_type3A_579 : f32
          %add3A_582 = arith.constant 1.000000e+00 : f32
          %add3A_583 = arith.addf %add3A_582, %mul3A_581 : f32
          %broadcast_in_dim3A_584 = vector.broadcast %add3A_583 : f32 to vector<16xf32>
          %mul3A_585 = arith.mulf %add3A_136, %broadcast_in_dim3A_584 : vector<16xf32>
          %mul3A_586 = arith.constant 6.553700e+04 : f32
          %mul3A_587 = vector.broadcast %mul3A_586 : f32 to vector<16xf32>
          %mul3A_588 = arith.mulf %mul3A_585, %mul3A_587 : vector<16xf32>
          %sub3A_589 = arith.subf %mul3A_588, %mul3A_585 : vector<16xf32>
          %sub3A_590 = arith.subf %mul3A_588, %sub3A_589 : vector<16xf32>
          %mul3A_591 = arith.mulf %add3A_171, %broadcast_in_dim3A_584 : vector<16xf32>
          %mul3A_592 = arith.constant 6.553700e+04 : f32
          %mul3A_593 = vector.broadcast %mul3A_592 : f32 to vector<16xf32>
          %mul3A_594 = arith.mulf %mul3A_591, %mul3A_593 : vector<16xf32>
          %sub3A_595 = arith.subf %mul3A_594, %mul3A_591 : vector<16xf32>
          %sub3A_596 = arith.subf %mul3A_594, %sub3A_595 : vector<16xf32>
          %mul3A_597 = arith.mulf %add3A_206, %broadcast_in_dim3A_584 : vector<16xf32>
          %mul3A_598 = arith.constant 6.553700e+04 : f32
          %mul3A_599 = vector.broadcast %mul3A_598 : f32 to vector<16xf32>
          %mul3A_600 = arith.mulf %mul3A_597, %mul3A_599 : vector<16xf32>
          %sub3A_601 = arith.subf %mul3A_600, %mul3A_597 : vector<16xf32>
          %sub3A_602 = arith.subf %mul3A_600, %sub3A_601 : vector<16xf32>
          %mul3A_603 = arith.mulf %sub3A_216, %sub3A_590 : vector<16xf32>
          %mul3A_604 = arith.mulf %sub3A_226, %sub3A_596 : vector<16xf32>
          %add3A_605 = arith.addf %mul3A_603, %mul3A_604 : vector<16xf32>
          %mul3A_606 = arith.mulf %sub3A_236, %sub3A_602 : vector<16xf32>
          %add3A_607 = arith.addf %add3A_605, %mul3A_606 : vector<16xf32>
          %mul3A_608 = arith.mulf %sub3A_246, %sub3A_590 : vector<16xf32>
          %mul3A_609 = arith.mulf %sub3A_256, %sub3A_596 : vector<16xf32>
          %add3A_610 = arith.addf %mul3A_608, %mul3A_609 : vector<16xf32>
          %mul3A_611 = arith.mulf %sub3A_266, %sub3A_602 : vector<16xf32>
          %add3A_612 = arith.addf %add3A_610, %mul3A_611 : vector<16xf32>
          %mul3A_613 = arith.mulf %sub3A_276, %sub3A_590 : vector<16xf32>
          %mul3A_614 = arith.mulf %sub3A_286, %sub3A_596 : vector<16xf32>
          %add3A_615 = arith.addf %mul3A_613, %mul3A_614 : vector<16xf32>
          %mul3A_616 = arith.mulf %sub3A_296, %sub3A_602 : vector<16xf32>
          %add3A_617 = arith.addf %add3A_615, %mul3A_616 : vector<16xf32>
          %mul3A_618 = arith.constant 6.553700e+04 : f32
          %mul3A_619 = vector.broadcast %mul3A_618 : f32 to vector<16xf32>
          %mul3A_620 = arith.mulf %add3A_607, %mul3A_619 : vector<16xf32>
          %sub3A_621 = arith.subf %mul3A_620, %add3A_607 : vector<16xf32>
          %sub3A_622 = arith.subf %mul3A_620, %sub3A_621 : vector<16xf32>
          %mul3A_623 = arith.constant 6.553700e+04 : f32
          %mul3A_624 = vector.broadcast %mul3A_623 : f32 to vector<16xf32>
          %mul3A_625 = arith.mulf %add3A_612, %mul3A_624 : vector<16xf32>
          %sub3A_626 = arith.subf %mul3A_625, %add3A_612 : vector<16xf32>
          %sub3A_627 = arith.subf %mul3A_625, %sub3A_626 : vector<16xf32>
          %mul3A_628 = arith.constant 6.553700e+04 : f32
          %mul3A_629 = vector.broadcast %mul3A_628 : f32 to vector<16xf32>
          %mul3A_630 = arith.mulf %add3A_617, %mul3A_629 : vector<16xf32>
          %sub3A_631 = arith.subf %mul3A_630, %add3A_617 : vector<16xf32>
          %sub3A_632 = arith.subf %mul3A_630, %sub3A_631 : vector<16xf32>
          %mul3A_633 = arith.mulf %sub3A_306, %sub3A_622 : vector<16xf32>
          %mul3A_634 = arith.mulf %sub3A_316, %sub3A_627 : vector<16xf32>
          %add3A_635 = arith.addf %mul3A_633, %mul3A_634 : vector<16xf32>
          %mul3A_636 = arith.mulf %sub3A_326, %sub3A_632 : vector<16xf32>
          %add3A_637 = arith.addf %add3A_635, %mul3A_636 : vector<16xf32>
          %add3A_638 = arith.addf %add3A_637, %get3A_57 : vector<16xf32>
          %mul3A_639 = arith.mulf %sub3A_336, %sub3A_622 : vector<16xf32>
          %mul3A_640 = arith.mulf %sub3A_346, %sub3A_627 : vector<16xf32>
          %add3A_641 = arith.addf %mul3A_639, %mul3A_640 : vector<16xf32>
          %mul3A_642 = arith.mulf %sub3A_356, %sub3A_632 : vector<16xf32>
          %add3A_643 = arith.addf %add3A_641, %mul3A_642 : vector<16xf32>
          %add3A_644 = arith.addf %add3A_643, %get3A_62 : vector<16xf32>
          %mul3A_645 = arith.mulf %sub3A_366, %sub3A_622 : vector<16xf32>
          %mul3A_646 = arith.mulf %sub3A_376, %sub3A_627 : vector<16xf32>
          %add3A_647 = arith.addf %mul3A_645, %mul3A_646 : vector<16xf32>
          %mul3A_648 = arith.mulf %sub3A_386, %sub3A_632 : vector<16xf32>
          %add3A_649 = arith.addf %add3A_647, %mul3A_648 : vector<16xf32>
          %add3A_650 = arith.addf %add3A_649, %get3A_67 : vector<16xf32>
          %mul3A_651 = arith.constant 2.500000e+00 : f32
          %mul3A_652 = vector.broadcast %mul3A_651 : f32 to vector<16xf32>
          %mul3A_653 = arith.mulf %add3A_638, %mul3A_652 : vector<16xf32>
          %add3A_654 = arith.constant 1.000000e+02 : f32
          %add3A_655 = vector.broadcast %add3A_654 : f32 to vector<16xf32>
          %add3A_656 = arith.addf %mul3A_653, %add3A_655 : vector<16xf32>
          %mul3A_657 = arith.constant 2.500000e+00 : f32
          %mul3A_658 = vector.broadcast %mul3A_657 : f32 to vector<16xf32>
          %mul3A_659 = arith.mulf %add3A_644, %mul3A_658 : vector<16xf32>
          %add3A_660 = arith.constant 1.000000e+02 : f32
          %add3A_661 = vector.broadcast %add3A_660 : f32 to vector<16xf32>
          %add3A_662 = arith.addf %mul3A_659, %add3A_661 : vector<16xf32>
          %mul3A_663 = arith.constant 2.500000e+00 : f32
          %mul3A_664 = vector.broadcast %mul3A_663 : f32 to vector<16xf32>
          %mul3A_665 = arith.mulf %add3A_650, %mul3A_664 : vector<16xf32>
          %add3A_666 = arith.constant 3.000000e+00 : f32
          %add3A_667 = vector.broadcast %add3A_666 : f32 to vector<16xf32>
          %add3A_668 = arith.addf %mul3A_665, %add3A_667 : vector<16xf32>
          %max3A_669 = arith.constant 0.000000e+00 : f32
          %max3A_670 = vector.broadcast %max3A_669 : f32 to vector<16xf32>
          %max3A_671 = arith.maximumf %add3A_656, %max3A_670 : vector<16xf32>
          %min3A_672 = arith.constant 1.990000e+02 : f32
          %min3A_673 = vector.broadcast %min3A_672 : f32 to vector<16xf32>
          %min3A_674 = arith.minimumf %max3A_671, %min3A_673 : vector<16xf32>
          %convert_element_type3A_675 = arith.fptosi %min3A_674 : vector<16xf32> to vector<16xi32>
          %max3A_676 = arith.constant 0.000000e+00 : f32
          %max3A_677 = vector.broadcast %max3A_676 : f32 to vector<16xf32>
          %max3A_678 = arith.maximumf %add3A_662, %max3A_677 : vector<16xf32>
          %min3A_679 = arith.constant 1.990000e+02 : f32
          %min3A_680 = vector.broadcast %min3A_679 : f32 to vector<16xf32>
          %min3A_681 = arith.minimumf %max3A_678, %min3A_680 : vector<16xf32>
          %convert_element_type3A_682 = arith.fptosi %min3A_681 : vector<16xf32> to vector<16xi32>
          %max3A_683 = arith.constant 0.000000e+00 : f32
          %max3A_684 = vector.broadcast %max3A_683 : f32 to vector<16xf32>
          %max3A_685 = arith.maximumf %add3A_668, %max3A_684 : vector<16xf32>
          %min3A_686 = arith.constant 1.500000e+01 : f32
          %min3A_687 = vector.broadcast %min3A_686 : f32 to vector<16xf32>
          %min3A_688 = arith.minimumf %max3A_685, %min3A_687 : vector<16xf32>
          %convert_element_type3A_689 = arith.fptosi %min3A_688 : vector<16xf32> to vector<16xi32>
          %mul3A_690 = arith.constant 200 : i32
          %mul3A_691 = vector.broadcast %mul3A_690 : i32 to vector<16xi32>
          %mul3A_692 = arith.muli %convert_element_type3A_675, %mul3A_691 : vector<16xi32>
          %add3A_693 = arith.addi %mul3A_692, %convert_element_type3A_682 : vector<16xi32>
          %mul3A_694 = arith.constant 16 : i32
          %mul3A_695 = vector.broadcast %mul3A_694 : i32 to vector<16xi32>
          %mul3A_696 = arith.muli %add3A_693, %mul3A_695 : vector<16xi32>
          %add3A_697 = arith.addi %mul3A_696, %convert_element_type3A_689 : vector<16xi32>
          %dma_start3A_698 = arith.constant 1 : i32
          %dma_start3A_699 = arith.constant 0 : i32
          %dma_start3A_700 = tpu.memref_slice %arg7[%dma_start3A_698, %dma_start3A_699] : memref<8x16xi32, #tpu.memory_space<vmem>> -> memref<1x16xi32, #tpu.memory_space<vmem>>
          %dma_start3A_701 = tpu.memref_squeeze %dma_start3A_700 : memref<1x16xi32, #tpu.memory_space<vmem>> -> memref<16xi32, #tpu.memory_space<vmem>>
          %dma_start3A_702 = arith.constant 0 : i32
          %dma_start3A_703 = tpu.memref_slice %arg13[%dma_start3A_702] : memref<640000xi32, #tpu.memory_space<vmem_shared>> -> memref<640000xi32, #tpu.memory_space<vmem_shared>>
          tpu.enqueue_indirect_dma source(%dma_start3A_703 : memref<640000xi32, #tpu.memory_space<vmem_shared>>) target(%dma_start3A_701 : memref<16xi32, #tpu.memory_space<vmem>>) offsets(%add3A_697 : vector<16xi32>) semaphore(%arg15 : memref<!tpu.dma_semaphore, #tpu.memory_space<semaphore_mem>>)
          %add3A_704 = arith.constant 2 : i32
          %add3A_705 = arith.addi %mul3A_452, %add3A_704 : i32
          %convert_element_type3A_706 = arith.sitofp %add3A_705 : i32 to f32
          %mul3A_707 = arith.constant 5.000000e-01 : f32
          %mul3A_708 = arith.mulf %mul3A_707, %convert_element_type3A_706 : f32
          %add3A_709 = arith.constant 1.000000e+00 : f32
          %add3A_710 = arith.addf %add3A_709, %mul3A_708 : f32
          %broadcast_in_dim3A_711 = vector.broadcast %add3A_710 : f32 to vector<16xf32>
          %mul3A_712 = arith.mulf %add3A_136, %broadcast_in_dim3A_711 : vector<16xf32>
          %mul3A_713 = arith.constant 6.553700e+04 : f32
          %mul3A_714 = vector.broadcast %mul3A_713 : f32 to vector<16xf32>
          %mul3A_715 = arith.mulf %mul3A_712, %mul3A_714 : vector<16xf32>
          %sub3A_716 = arith.subf %mul3A_715, %mul3A_712 : vector<16xf32>
          %sub3A_717 = arith.subf %mul3A_715, %sub3A_716 : vector<16xf32>
          %mul3A_718 = arith.mulf %add3A_171, %broadcast_in_dim3A_711 : vector<16xf32>
          %mul3A_719 = arith.constant 6.553700e+04 : f32
          %mul3A_720 = vector.broadcast %mul3A_719 : f32 to vector<16xf32>
          %mul3A_721 = arith.mulf %mul3A_718, %mul3A_720 : vector<16xf32>
          %sub3A_722 = arith.subf %mul3A_721, %mul3A_718 : vector<16xf32>
          %sub3A_723 = arith.subf %mul3A_721, %sub3A_722 : vector<16xf32>
          %mul3A_724 = arith.mulf %add3A_206, %broadcast_in_dim3A_711 : vector<16xf32>
          %mul3A_725 = arith.constant 6.553700e+04 : f32
          %mul3A_726 = vector.broadcast %mul3A_725 : f32 to vector<16xf32>
          %mul3A_727 = arith.mulf %mul3A_724, %mul3A_726 : vector<16xf32>
          %sub3A_728 = arith.subf %mul3A_727, %mul3A_724 : vector<16xf32>
          %sub3A_729 = arith.subf %mul3A_727, %sub3A_728 : vector<16xf32>
          %mul3A_730 = arith.mulf %sub3A_216, %sub3A_717 : vector<16xf32>
          %mul3A_731 = arith.mulf %sub3A_226, %sub3A_723 : vector<16xf32>
          %add3A_732 = arith.addf %mul3A_730, %mul3A_731 : vector<16xf32>
          %mul3A_733 = arith.mulf %sub3A_236, %sub3A_729 : vector<16xf32>
          %add3A_734 = arith.addf %add3A_732, %mul3A_733 : vector<16xf32>
          %mul3A_735 = arith.mulf %sub3A_246, %sub3A_717 : vector<16xf32>
          %mul3A_736 = arith.mulf %sub3A_256, %sub3A_723 : vector<16xf32>
          %add3A_737 = arith.addf %mul3A_735, %mul3A_736 : vector<16xf32>
          %mul3A_738 = arith.mulf %sub3A_266, %sub3A_729 : vector<16xf32>
          %add3A_739 = arith.addf %add3A_737, %mul3A_738 : vector<16xf32>
          %mul3A_740 = arith.mulf %sub3A_276, %sub3A_717 : vector<16xf32>
          %mul3A_741 = arith.mulf %sub3A_286, %sub3A_723 : vector<16xf32>
          %add3A_742 = arith.addf %mul3A_740, %mul3A_741 : vector<16xf32>
          %mul3A_743 = arith.mulf %sub3A_296, %sub3A_729 : vector<16xf32>
          %add3A_744 = arith.addf %add3A_742, %mul3A_743 : vector<16xf32>
          %mul3A_745 = arith.constant 6.553700e+04 : f32
          %mul3A_746 = vector.broadcast %mul3A_745 : f32 to vector<16xf32>
          %mul3A_747 = arith.mulf %add3A_734, %mul3A_746 : vector<16xf32>
          %sub3A_748 = arith.subf %mul3A_747, %add3A_734 : vector<16xf32>
          %sub3A_749 = arith.subf %mul3A_747, %sub3A_748 : vector<16xf32>
          %mul3A_750 = arith.constant 6.553700e+04 : f32
          %mul3A_751 = vector.broadcast %mul3A_750 : f32 to vector<16xf32>
          %mul3A_752 = arith.mulf %add3A_739, %mul3A_751 : vector<16xf32>
          %sub3A_753 = arith.subf %mul3A_752, %add3A_739 : vector<16xf32>
          %sub3A_754 = arith.subf %mul3A_752, %sub3A_753 : vector<16xf32>
          %mul3A_755 = arith.constant 6.553700e+04 : f32
          %mul3A_756 = vector.broadcast %mul3A_755 : f32 to vector<16xf32>
          %mul3A_757 = arith.mulf %add3A_744, %mul3A_756 : vector<16xf32>
          %sub3A_758 = arith.subf %mul3A_757, %add3A_744 : vector<16xf32>
          %sub3A_759 = arith.subf %mul3A_757, %sub3A_758 : vector<16xf32>
          %mul3A_760 = arith.mulf %sub3A_306, %sub3A_749 : vector<16xf32>
          %mul3A_761 = arith.mulf %sub3A_316, %sub3A_754 : vector<16xf32>
          %add3A_762 = arith.addf %mul3A_760, %mul3A_761 : vector<16xf32>
          %mul3A_763 = arith.mulf %sub3A_326, %sub3A_759 : vector<16xf32>
          %add3A_764 = arith.addf %add3A_762, %mul3A_763 : vector<16xf32>
          %add3A_765 = arith.addf %add3A_764, %get3A_57 : vector<16xf32>
          %mul3A_766 = arith.mulf %sub3A_336, %sub3A_749 : vector<16xf32>
          %mul3A_767 = arith.mulf %sub3A_346, %sub3A_754 : vector<16xf32>
          %add3A_768 = arith.addf %mul3A_766, %mul3A_767 : vector<16xf32>
          %mul3A_769 = arith.mulf %sub3A_356, %sub3A_759 : vector<16xf32>
          %add3A_770 = arith.addf %add3A_768, %mul3A_769 : vector<16xf32>
          %add3A_771 = arith.addf %add3A_770, %get3A_62 : vector<16xf32>
          %mul3A_772 = arith.mulf %sub3A_366, %sub3A_749 : vector<16xf32>
          %mul3A_773 = arith.mulf %sub3A_376, %sub3A_754 : vector<16xf32>
          %add3A_774 = arith.addf %mul3A_772, %mul3A_773 : vector<16xf32>
          %mul3A_775 = arith.mulf %sub3A_386, %sub3A_759 : vector<16xf32>
          %add3A_776 = arith.addf %add3A_774, %mul3A_775 : vector<16xf32>
          %add3A_777 = arith.addf %add3A_776, %get3A_67 : vector<16xf32>
          %mul3A_778 = arith.constant 2.500000e+00 : f32
          %mul3A_779 = vector.broadcast %mul3A_778 : f32 to vector<16xf32>
          %mul3A_780 = arith.mulf %add3A_765, %mul3A_779 : vector<16xf32>
          %add3A_781 = arith.constant 1.000000e+02 : f32
          %add3A_782 = vector.broadcast %add3A_781 : f32 to vector<16xf32>
          %add3A_783 = arith.addf %mul3A_780, %add3A_782 : vector<16xf32>
          %mul3A_784 = arith.constant 2.500000e+00 : f32
          %mul3A_785 = vector.broadcast %mul3A_784 : f32 to vector<16xf32>
          %mul3A_786 = arith.mulf %add3A_771, %mul3A_785 : vector<16xf32>
          %add3A_787 = arith.constant 1.000000e+02 : f32
          %add3A_788 = vector.broadcast %add3A_787 : f32 to vector<16xf32>
          %add3A_789 = arith.addf %mul3A_786, %add3A_788 : vector<16xf32>
          %mul3A_790 = arith.constant 2.500000e+00 : f32
          %mul3A_791 = vector.broadcast %mul3A_790 : f32 to vector<16xf32>
          %mul3A_792 = arith.mulf %add3A_777, %mul3A_791 : vector<16xf32>
          %add3A_793 = arith.constant 3.000000e+00 : f32
          %add3A_794 = vector.broadcast %add3A_793 : f32 to vector<16xf32>
          %add3A_795 = arith.addf %mul3A_792, %add3A_794 : vector<16xf32>
          %max3A_796 = arith.constant 0.000000e+00 : f32
          %max3A_797 = vector.broadcast %max3A_796 : f32 to vector<16xf32>
          %max3A_798 = arith.maximumf %add3A_783, %max3A_797 : vector<16xf32>
          %min3A_799 = arith.constant 1.990000e+02 : f32
          %min3A_800 = vector.broadcast %min3A_799 : f32 to vector<16xf32>
          %min3A_801 = arith.minimumf %max3A_798, %min3A_800 : vector<16xf32>
          %convert_element_type3A_802 = arith.fptosi %min3A_801 : vector<16xf32> to vector<16xi32>
          %max3A_803 = arith.constant 0.000000e+00 : f32
          %max3A_804 = vector.broadcast %max3A_803 : f32 to vector<16xf32>
          %max3A_805 = arith.maximumf %add3A_789, %max3A_804 : vector<16xf32>
          %min3A_806 = arith.constant 1.990000e+02 : f32
          %min3A_807 = vector.broadcast %min3A_806 : f32 to vector<16xf32>
          %min3A_808 = arith.minimumf %max3A_805, %min3A_807 : vector<16xf32>
          %convert_element_type3A_809 = arith.fptosi %min3A_808 : vector<16xf32> to vector<16xi32>
          %max3A_810 = arith.constant 0.000000e+00 : f32
          %max3A_811 = vector.broadcast %max3A_810 : f32 to vector<16xf32>
          %max3A_812 = arith.maximumf %add3A_795, %max3A_811 : vector<16xf32>
          %min3A_813 = arith.constant 1.500000e+01 : f32
          %min3A_814 = vector.broadcast %min3A_813 : f32 to vector<16xf32>
          %min3A_815 = arith.minimumf %max3A_812, %min3A_814 : vector<16xf32>
          %convert_element_type3A_816 = arith.fptosi %min3A_815 : vector<16xf32> to vector<16xi32>
          %mul3A_817 = arith.constant 200 : i32
          %mul3A_818 = vector.broadcast %mul3A_817 : i32 to vector<16xi32>
          %mul3A_819 = arith.muli %convert_element_type3A_802, %mul3A_818 : vector<16xi32>
          %add3A_820 = arith.addi %mul3A_819, %convert_element_type3A_809 : vector<16xi32>
          %mul3A_821 = arith.constant 16 : i32
          %mul3A_822 = vector.broadcast %mul3A_821 : i32 to vector<16xi32>
          %mul3A_823 = arith.muli %add3A_820, %mul3A_822 : vector<16xi32>
          %add3A_824 = arith.addi %mul3A_823, %convert_element_type3A_816 : vector<16xi32>
          %dma_start3A_825 = arith.constant 2 : i32
          %dma_start3A_826 = arith.constant 0 : i32
          %dma_start3A_827 = tpu.memref_slice %arg7[%dma_start3A_825, %dma_start3A_826] : memref<8x16xi32, #tpu.memory_space<vmem>> -> memref<1x16xi32, #tpu.memory_space<vmem>>
          %dma_start3A_828 = tpu.memref_squeeze %dma_start3A_827 : memref<1x16xi32, #tpu.memory_space<vmem>> -> memref<16xi32, #tpu.memory_space<vmem>>
          %dma_start3A_829 = arith.constant 0 : i32
          %dma_start3A_830 = tpu.memref_slice %arg13[%dma_start3A_829] : memref<640000xi32, #tpu.memory_space<vmem_shared>> -> memref<640000xi32, #tpu.memory_space<vmem_shared>>
          tpu.enqueue_indirect_dma source(%dma_start3A_830 : memref<640000xi32, #tpu.memory_space<vmem_shared>>) target(%dma_start3A_828 : memref<16xi32, #tpu.memory_space<vmem>>) offsets(%add3A_824 : vector<16xi32>) semaphore(%arg15 : memref<!tpu.dma_semaphore, #tpu.memory_space<semaphore_mem>>)
          %add3A_831 = arith.constant 3 : i32
          %add3A_832 = arith.addi %mul3A_452, %add3A_831 : i32
          %convert_element_type3A_833 = arith.sitofp %add3A_832 : i32 to f32
          %mul3A_834 = arith.constant 5.000000e-01 : f32
          %mul3A_835 = arith.mulf %mul3A_834, %convert_element_type3A_833 : f32
          %add3A_836 = arith.constant 1.000000e+00 : f32
          %add3A_837 = arith.addf %add3A_836, %mul3A_835 : f32
          %broadcast_in_dim3A_838 = vector.broadcast %add3A_837 : f32 to vector<16xf32>
          %mul3A_839 = arith.mulf %add3A_136, %broadcast_in_dim3A_838 : vector<16xf32>
          %mul3A_840 = arith.constant 6.553700e+04 : f32
          %mul3A_841 = vector.broadcast %mul3A_840 : f32 to vector<16xf32>
          %mul3A_842 = arith.mulf %mul3A_839, %mul3A_841 : vector<16xf32>
          %sub3A_843 = arith.subf %mul3A_842, %mul3A_839 : vector<16xf32>
          %sub3A_844 = arith.subf %mul3A_842, %sub3A_843 : vector<16xf32>
          %mul3A_845 = arith.mulf %add3A_171, %broadcast_in_dim3A_838 : vector<16xf32>
          %mul3A_846 = arith.constant 6.553700e+04 : f32
          %mul3A_847 = vector.broadcast %mul3A_846 : f32 to vector<16xf32>
          %mul3A_848 = arith.mulf %mul3A_845, %mul3A_847 : vector<16xf32>
          %sub3A_849 = arith.subf %mul3A_848, %mul3A_845 : vector<16xf32>
          %sub3A_850 = arith.subf %mul3A_848, %sub3A_849 : vector<16xf32>
          %mul3A_851 = arith.mulf %add3A_206, %broadcast_in_dim3A_838 : vector<16xf32>
          %mul3A_852 = arith.constant 6.553700e+04 : f32
          %mul3A_853 = vector.broadcast %mul3A_852 : f32 to vector<16xf32>
          %mul3A_854 = arith.mulf %mul3A_851, %mul3A_853 : vector<16xf32>
          %sub3A_855 = arith.subf %mul3A_854, %mul3A_851 : vector<16xf32>
          %sub3A_856 = arith.subf %mul3A_854, %sub3A_855 : vector<16xf32>
          %mul3A_857 = arith.mulf %sub3A_216, %sub3A_844 : vector<16xf32>
          %mul3A_858 = arith.mulf %sub3A_226, %sub3A_850 : vector<16xf32>
          %add3A_859 = arith.addf %mul3A_857, %mul3A_858 : vector<16xf32>
          %mul3A_860 = arith.mulf %sub3A_236, %sub3A_856 : vector<16xf32>
          %add3A_861 = arith.addf %add3A_859, %mul3A_860 : vector<16xf32>
          %mul3A_862 = arith.mulf %sub3A_246, %sub3A_844 : vector<16xf32>
          %mul3A_863 = arith.mulf %sub3A_256, %sub3A_850 : vector<16xf32>
          %add3A_864 = arith.addf %mul3A_862, %mul3A_863 : vector<16xf32>
          %mul3A_865 = arith.mulf %sub3A_266, %sub3A_856 : vector<16xf32>
          %add3A_866 = arith.addf %add3A_864, %mul3A_865 : vector<16xf32>
          %mul3A_867 = arith.mulf %sub3A_276, %sub3A_844 : vector<16xf32>
          %mul3A_868 = arith.mulf %sub3A_286, %sub3A_850 : vector<16xf32>
          %add3A_869 = arith.addf %mul3A_867, %mul3A_868 : vector<16xf32>
          %mul3A_870 = arith.mulf %sub3A_296, %sub3A_856 : vector<16xf32>
          %add3A_871 = arith.addf %add3A_869, %mul3A_870 : vector<16xf32>
          %mul3A_872 = arith.constant 6.553700e+04 : f32
          %mul3A_873 = vector.broadcast %mul3A_872 : f32 to vector<16xf32>
          %mul3A_874 = arith.mulf %add3A_861, %mul3A_873 : vector<16xf32>
          %sub3A_875 = arith.subf %mul3A_874, %add3A_861 : vector<16xf32>
          %sub3A_876 = arith.subf %mul3A_874, %sub3A_875 : vector<16xf32>
          %mul3A_877 = arith.constant 6.553700e+04 : f32
          %mul3A_878 = vector.broadcast %mul3A_877 : f32 to vector<16xf32>
          %mul3A_879 = arith.mulf %add3A_866, %mul3A_878 : vector<16xf32>
          %sub3A_880 = arith.subf %mul3A_879, %add3A_866 : vector<16xf32>
          %sub3A_881 = arith.subf %mul3A_879, %sub3A_880 : vector<16xf32>
          %mul3A_882 = arith.constant 6.553700e+04 : f32
          %mul3A_883 = vector.broadcast %mul3A_882 : f32 to vector<16xf32>
          %mul3A_884 = arith.mulf %add3A_871, %mul3A_883 : vector<16xf32>
          %sub3A_885 = arith.subf %mul3A_884, %add3A_871 : vector<16xf32>
          %sub3A_886 = arith.subf %mul3A_884, %sub3A_885 : vector<16xf32>
          %mul3A_887 = arith.mulf %sub3A_306, %sub3A_876 : vector<16xf32>
          %mul3A_888 = arith.mulf %sub3A_316, %sub3A_881 : vector<16xf32>
          %add3A_889 = arith.addf %mul3A_887, %mul3A_888 : vector<16xf32>
          %mul3A_890 = arith.mulf %sub3A_326, %sub3A_886 : vector<16xf32>
          %add3A_891 = arith.addf %add3A_889, %mul3A_890 : vector<16xf32>
          %add3A_892 = arith.addf %add3A_891, %get3A_57 : vector<16xf32>
          %mul3A_893 = arith.mulf %sub3A_336, %sub3A_876 : vector<16xf32>
          %mul3A_894 = arith.mulf %sub3A_346, %sub3A_881 : vector<16xf32>
          %add3A_895 = arith.addf %mul3A_893, %mul3A_894 : vector<16xf32>
          %mul3A_896 = arith.mulf %sub3A_356, %sub3A_886 : vector<16xf32>
          %add3A_897 = arith.addf %add3A_895, %mul3A_896 : vector<16xf32>
          %add3A_898 = arith.addf %add3A_897, %get3A_62 : vector<16xf32>
          %mul3A_899 = arith.mulf %sub3A_366, %sub3A_876 : vector<16xf32>
          %mul3A_900 = arith.mulf %sub3A_376, %sub3A_881 : vector<16xf32>
          %add3A_901 = arith.addf %mul3A_899, %mul3A_900 : vector<16xf32>
          %mul3A_902 = arith.mulf %sub3A_386, %sub3A_886 : vector<16xf32>
          %add3A_903 = arith.addf %add3A_901, %mul3A_902 : vector<16xf32>
          %add3A_904 = arith.addf %add3A_903, %get3A_67 : vector<16xf32>
          %mul3A_905 = arith.constant 2.500000e+00 : f32
          %mul3A_906 = vector.broadcast %mul3A_905 : f32 to vector<16xf32>
          %mul3A_907 = arith.mulf %add3A_892, %mul3A_906 : vector<16xf32>
          %add3A_908 = arith.constant 1.000000e+02 : f32
          %add3A_909 = vector.broadcast %add3A_908 : f32 to vector<16xf32>
          %add3A_910 = arith.addf %mul3A_907, %add3A_909 : vector<16xf32>
          %mul3A_911 = arith.constant 2.500000e+00 : f32
          %mul3A_912 = vector.broadcast %mul3A_911 : f32 to vector<16xf32>
          %mul3A_913 = arith.mulf %add3A_898, %mul3A_912 : vector<16xf32>
          %add3A_914 = arith.constant 1.000000e+02 : f32
          %add3A_915 = vector.broadcast %add3A_914 : f32 to vector<16xf32>
          %add3A_916 = arith.addf %mul3A_913, %add3A_915 : vector<16xf32>
          %mul3A_917 = arith.constant 2.500000e+00 : f32
          %mul3A_918 = vector.broadcast %mul3A_917 : f32 to vector<16xf32>
          %mul3A_919 = arith.mulf %add3A_904, %mul3A_918 : vector<16xf32>
          %add3A_920 = arith.constant 3.000000e+00 : f32
          %add3A_921 = vector.broadcast %add3A_920 : f32 to vector<16xf32>
          %add3A_922 = arith.addf %mul3A_919, %add3A_921 : vector<16xf32>
          %max3A_923 = arith.constant 0.000000e+00 : f32
          %max3A_924 = vector.broadcast %max3A_923 : f32 to vector<16xf32>
          %max3A_925 = arith.maximumf %add3A_910, %max3A_924 : vector<16xf32>
          %min3A_926 = arith.constant 1.990000e+02 : f32
          %min3A_927 = vector.broadcast %min3A_926 : f32 to vector<16xf32>
          %min3A_928 = arith.minimumf %max3A_925, %min3A_927 : vector<16xf32>
          %convert_element_type3A_929 = arith.fptosi %min3A_928 : vector<16xf32> to vector<16xi32>
          %max3A_930 = arith.constant 0.000000e+00 : f32
          %max3A_931 = vector.broadcast %max3A_930 : f32 to vector<16xf32>
          %max3A_932 = arith.maximumf %add3A_916, %max3A_931 : vector<16xf32>
          %min3A_933 = arith.constant 1.990000e+02 : f32
          %min3A_934 = vector.broadcast %min3A_933 : f32 to vector<16xf32>
          %min3A_935 = arith.minimumf %max3A_932, %min3A_934 : vector<16xf32>
          %convert_element_type3A_936 = arith.fptosi %min3A_935 : vector<16xf32> to vector<16xi32>
          %max3A_937 = arith.constant 0.000000e+00 : f32
          %max3A_938 = vector.broadcast %max3A_937 : f32 to vector<16xf32>
          %max3A_939 = arith.maximumf %add3A_922, %max3A_938 : vector<16xf32>
          %min3A_940 = arith.constant 1.500000e+01 : f32
          %min3A_941 = vector.broadcast %min3A_940 : f32 to vector<16xf32>
          %min3A_942 = arith.minimumf %max3A_939, %min3A_941 : vector<16xf32>
          %convert_element_type3A_943 = arith.fptosi %min3A_942 : vector<16xf32> to vector<16xi32>
          %mul3A_944 = arith.constant 200 : i32
          %mul3A_945 = vector.broadcast %mul3A_944 : i32 to vector<16xi32>
          %mul3A_946 = arith.muli %convert_element_type3A_929, %mul3A_945 : vector<16xi32>
          %add3A_947 = arith.addi %mul3A_946, %convert_element_type3A_936 : vector<16xi32>
          %mul3A_948 = arith.constant 16 : i32
          %mul3A_949 = vector.broadcast %mul3A_948 : i32 to vector<16xi32>
          %mul3A_950 = arith.muli %add3A_947, %mul3A_949 : vector<16xi32>
          %add3A_951 = arith.addi %mul3A_950, %convert_element_type3A_943 : vector<16xi32>
          %dma_start3A_952 = arith.constant 3 : i32
          %dma_start3A_953 = arith.constant 0 : i32
          %dma_start3A_954 = tpu.memref_slice %arg7[%dma_start3A_952, %dma_start3A_953] : memref<8x16xi32, #tpu.memory_space<vmem>> -> memref<1x16xi32, #tpu.memory_space<vmem>>
          %dma_start3A_955 = tpu.memref_squeeze %dma_start3A_954 : memref<1x16xi32, #tpu.memory_space<vmem>> -> memref<16xi32, #tpu.memory_space<vmem>>
          %dma_start3A_956 = arith.constant 0 : i32
          %dma_start3A_957 = tpu.memref_slice %arg13[%dma_start3A_956] : memref<640000xi32, #tpu.memory_space<vmem_shared>> -> memref<640000xi32, #tpu.memory_space<vmem_shared>>
          tpu.enqueue_indirect_dma source(%dma_start3A_957 : memref<640000xi32, #tpu.memory_space<vmem_shared>>) target(%dma_start3A_955 : memref<16xi32, #tpu.memory_space<vmem>>) offsets(%add3A_951 : vector<16xi32>) semaphore(%arg15 : memref<!tpu.dma_semaphore, #tpu.memory_space<semaphore_mem>>)
          %add3A_958 = arith.constant 4 : i32
          %add3A_959 = arith.addi %mul3A_452, %add3A_958 : i32
          %convert_element_type3A_960 = arith.sitofp %add3A_959 : i32 to f32
          %mul3A_961 = arith.constant 5.000000e-01 : f32
          %mul3A_962 = arith.mulf %mul3A_961, %convert_element_type3A_960 : f32
          %add3A_963 = arith.constant 1.000000e+00 : f32
          %add3A_964 = arith.addf %add3A_963, %mul3A_962 : f32
          %broadcast_in_dim3A_965 = vector.broadcast %add3A_964 : f32 to vector<16xf32>
          %mul3A_966 = arith.mulf %add3A_136, %broadcast_in_dim3A_965 : vector<16xf32>
          %mul3A_967 = arith.constant 6.553700e+04 : f32
          %mul3A_968 = vector.broadcast %mul3A_967 : f32 to vector<16xf32>
          %mul3A_969 = arith.mulf %mul3A_966, %mul3A_968 : vector<16xf32>
          %sub3A_970 = arith.subf %mul3A_969, %mul3A_966 : vector<16xf32>
          %sub3A_971 = arith.subf %mul3A_969, %sub3A_970 : vector<16xf32>
          %mul3A_972 = arith.mulf %add3A_171, %broadcast_in_dim3A_965 : vector<16xf32>
          %mul3A_973 = arith.constant 6.553700e+04 : f32
          %mul3A_974 = vector.broadcast %mul3A_973 : f32 to vector<16xf32>
          %mul3A_975 = arith.mulf %mul3A_972, %mul3A_974 : vector<16xf32>
          %sub3A_976 = arith.subf %mul3A_975, %mul3A_972 : vector<16xf32>
          %sub3A_977 = arith.subf %mul3A_975, %sub3A_976 : vector<16xf32>
          %mul3A_978 = arith.mulf %add3A_206, %broadcast_in_dim3A_965 : vector<16xf32>
          %mul3A_979 = arith.constant 6.553700e+04 : f32
          %mul3A_980 = vector.broadcast %mul3A_979 : f32 to vector<16xf32>
          %mul3A_981 = arith.mulf %mul3A_978, %mul3A_980 : vector<16xf32>
          %sub3A_982 = arith.subf %mul3A_981, %mul3A_978 : vector<16xf32>
          %sub3A_983 = arith.subf %mul3A_981, %sub3A_982 : vector<16xf32>
          %mul3A_984 = arith.mulf %sub3A_216, %sub3A_971 : vector<16xf32>
          %mul3A_985 = arith.mulf %sub3A_226, %sub3A_977 : vector<16xf32>
          %add3A_986 = arith.addf %mul3A_984, %mul3A_985 : vector<16xf32>
          %mul3A_987 = arith.mulf %sub3A_236, %sub3A_983 : vector<16xf32>
          %add3A_988 = arith.addf %add3A_986, %mul3A_987 : vector<16xf32>
          %mul3A_989 = arith.mulf %sub3A_246, %sub3A_971 : vector<16xf32>
          %mul3A_990 = arith.mulf %sub3A_256, %sub3A_977 : vector<16xf32>
          %add3A_991 = arith.addf %mul3A_989, %mul3A_990 : vector<16xf32>
          %mul3A_992 = arith.mulf %sub3A_266, %sub3A_983 : vector<16xf32>
          %add3A_993 = arith.addf %add3A_991, %mul3A_992 : vector<16xf32>
          %mul3A_994 = arith.mulf %sub3A_276, %sub3A_971 : vector<16xf32>
          %mul3A_995 = arith.mulf %sub3A_286, %sub3A_977 : vector<16xf32>
          %add3A_996 = arith.addf %mul3A_994, %mul3A_995 : vector<16xf32>
          %mul3A_997 = arith.mulf %sub3A_296, %sub3A_983 : vector<16xf32>
          %add3A_998 = arith.addf %add3A_996, %mul3A_997 : vector<16xf32>
          %mul3A_999 = arith.constant 6.553700e+04 : f32
          %mul3A_1000 = vector.broadcast %mul3A_999 : f32 to vector<16xf32>
          %mul3A_1001 = arith.mulf %add3A_988, %mul3A_1000 : vector<16xf32>
          %sub3A_1002 = arith.subf %mul3A_1001, %add3A_988 : vector<16xf32>
          %sub3A_1003 = arith.subf %mul3A_1001, %sub3A_1002 : vector<16xf32>
          %mul3A_1004 = arith.constant 6.553700e+04 : f32
          %mul3A_1005 = vector.broadcast %mul3A_1004 : f32 to vector<16xf32>
          %mul3A_1006 = arith.mulf %add3A_993, %mul3A_1005 : vector<16xf32>
          %sub3A_1007 = arith.subf %mul3A_1006, %add3A_993 : vector<16xf32>
          %sub3A_1008 = arith.subf %mul3A_1006, %sub3A_1007 : vector<16xf32>
          %mul3A_1009 = arith.constant 6.553700e+04 : f32
          %mul3A_1010 = vector.broadcast %mul3A_1009 : f32 to vector<16xf32>
          %mul3A_1011 = arith.mulf %add3A_998, %mul3A_1010 : vector<16xf32>
          %sub3A_1012 = arith.subf %mul3A_1011, %add3A_998 : vector<16xf32>
          %sub3A_1013 = arith.subf %mul3A_1011, %sub3A_1012 : vector<16xf32>
          %mul3A_1014 = arith.mulf %sub3A_306, %sub3A_1003 : vector<16xf32>
          %mul3A_1015 = arith.mulf %sub3A_316, %sub3A_1008 : vector<16xf32>
          %add3A_1016 = arith.addf %mul3A_1014, %mul3A_1015 : vector<16xf32>
          %mul3A_1017 = arith.mulf %sub3A_326, %sub3A_1013 : vector<16xf32>
          %add3A_1018 = arith.addf %add3A_1016, %mul3A_1017 : vector<16xf32>
          %add3A_1019 = arith.addf %add3A_1018, %get3A_57 : vector<16xf32>
          %mul3A_1020 = arith.mulf %sub3A_336, %sub3A_1003 : vector<16xf32>
          %mul3A_1021 = arith.mulf %sub3A_346, %sub3A_1008 : vector<16xf32>
          %add3A_1022 = arith.addf %mul3A_1020, %mul3A_1021 : vector<16xf32>
          %mul3A_1023 = arith.mulf %sub3A_356, %sub3A_1013 : vector<16xf32>
          %add3A_1024 = arith.addf %add3A_1022, %mul3A_1023 : vector<16xf32>
          %add3A_1025 = arith.addf %add3A_1024, %get3A_62 : vector<16xf32>
          %mul3A_1026 = arith.mulf %sub3A_366, %sub3A_1003 : vector<16xf32>
          %mul3A_1027 = arith.mulf %sub3A_376, %sub3A_1008 : vector<16xf32>
          %add3A_1028 = arith.addf %mul3A_1026, %mul3A_1027 : vector<16xf32>
          %mul3A_1029 = arith.mulf %sub3A_386, %sub3A_1013 : vector<16xf32>
          %add3A_1030 = arith.addf %add3A_1028, %mul3A_1029 : vector<16xf32>
          %add3A_1031 = arith.addf %add3A_1030, %get3A_67 : vector<16xf32>
          %mul3A_1032 = arith.constant 2.500000e+00 : f32
          %mul3A_1033 = vector.broadcast %mul3A_1032 : f32 to vector<16xf32>
          %mul3A_1034 = arith.mulf %add3A_1019, %mul3A_1033 : vector<16xf32>
          %add3A_1035 = arith.constant 1.000000e+02 : f32
          %add3A_1036 = vector.broadcast %add3A_1035 : f32 to vector<16xf32>
          %add3A_1037 = arith.addf %mul3A_1034, %add3A_1036 : vector<16xf32>
          %mul3A_1038 = arith.constant 2.500000e+00 : f32
          %mul3A_1039 = vector.broadcast %mul3A_1038 : f32 to vector<16xf32>
          %mul3A_1040 = arith.mulf %add3A_1025, %mul3A_1039 : vector<16xf32>
          %add3A_1041 = arith.constant 1.000000e+02 : f32
          %add3A_1042 = vector.broadcast %add3A_1041 : f32 to vector<16xf32>
          %add3A_1043 = arith.addf %mul3A_1040, %add3A_1042 : vector<16xf32>
          %mul3A_1044 = arith.constant 2.500000e+00 : f32
          %mul3A_1045 = vector.broadcast %mul3A_1044 : f32 to vector<16xf32>
          %mul3A_1046 = arith.mulf %add3A_1031, %mul3A_1045 : vector<16xf32>
          %add3A_1047 = arith.constant 3.000000e+00 : f32
          %add3A_1048 = vector.broadcast %add3A_1047 : f32 to vector<16xf32>
          %add3A_1049 = arith.addf %mul3A_1046, %add3A_1048 : vector<16xf32>
          %max3A_1050 = arith.constant 0.000000e+00 : f32
          %max3A_1051 = vector.broadcast %max3A_1050 : f32 to vector<16xf32>
          %max3A_1052 = arith.maximumf %add3A_1037, %max3A_1051 : vector<16xf32>
          %min3A_1053 = arith.constant 1.990000e+02 : f32
          %min3A_1054 = vector.broadcast %min3A_1053 : f32 to vector<16xf32>
          %min3A_1055 = arith.minimumf %max3A_1052, %min3A_1054 : vector<16xf32>
          %convert_element_type3A_1056 = arith.fptosi %min3A_1055 : vector<16xf32> to vector<16xi32>
          %max3A_1057 = arith.constant 0.000000e+00 : f32
          %max3A_1058 = vector.broadcast %max3A_1057 : f32 to vector<16xf32>
          %max3A_1059 = arith.maximumf %add3A_1043, %max3A_1058 : vector<16xf32>
          %min3A_1060 = arith.constant 1.990000e+02 : f32
          %min3A_1061 = vector.broadcast %min3A_1060 : f32 to vector<16xf32>
          %min3A_1062 = arith.minimumf %max3A_1059, %min3A_1061 : vector<16xf32>
          %convert_element_type3A_1063 = arith.fptosi %min3A_1062 : vector<16xf32> to vector<16xi32>
          %max3A_1064 = arith.constant 0.000000e+00 : f32
          %max3A_1065 = vector.broadcast %max3A_1064 : f32 to vector<16xf32>
          %max3A_1066 = arith.maximumf %add3A_1049, %max3A_1065 : vector<16xf32>
          %min3A_1067 = arith.constant 1.500000e+01 : f32
          %min3A_1068 = vector.broadcast %min3A_1067 : f32 to vector<16xf32>
          %min3A_1069 = arith.minimumf %max3A_1066, %min3A_1068 : vector<16xf32>
          %convert_element_type3A_1070 = arith.fptosi %min3A_1069 : vector<16xf32> to vector<16xi32>
          %mul3A_1071 = arith.constant 200 : i32
          %mul3A_1072 = vector.broadcast %mul3A_1071 : i32 to vector<16xi32>
          %mul3A_1073 = arith.muli %convert_element_type3A_1056, %mul3A_1072 : vector<16xi32>
          %add3A_1074 = arith.addi %mul3A_1073, %convert_element_type3A_1063 : vector<16xi32>
          %mul3A_1075 = arith.constant 16 : i32
          %mul3A_1076 = vector.broadcast %mul3A_1075 : i32 to vector<16xi32>
          %mul3A_1077 = arith.muli %add3A_1074, %mul3A_1076 : vector<16xi32>
          %add3A_1078 = arith.addi %mul3A_1077, %convert_element_type3A_1070 : vector<16xi32>
          %dma_start3A_1079 = arith.constant 4 : i32
          %dma_start3A_1080 = arith.constant 0 : i32
          %dma_start3A_1081 = tpu.memref_slice %arg7[%dma_start3A_1079, %dma_start3A_1080] : memref<8x16xi32, #tpu.memory_space<vmem>> -> memref<1x16xi32, #tpu.memory_space<vmem>>
          %dma_start3A_1082 = tpu.memref_squeeze %dma_start3A_1081 : memref<1x16xi32, #tpu.memory_space<vmem>> -> memref<16xi32, #tpu.memory_space<vmem>>
          %dma_start3A_1083 = arith.constant 0 : i32
          %dma_start3A_1084 = tpu.memref_slice %arg13[%dma_start3A_1083] : memref<640000xi32, #tpu.memory_space<vmem_shared>> -> memref<640000xi32, #tpu.memory_space<vmem_shared>>
          tpu.enqueue_indirect_dma source(%dma_start3A_1084 : memref<640000xi32, #tpu.memory_space<vmem_shared>>) target(%dma_start3A_1082 : memref<16xi32, #tpu.memory_space<vmem>>) offsets(%add3A_1078 : vector<16xi32>) semaphore(%arg15 : memref<!tpu.dma_semaphore, #tpu.memory_space<semaphore_mem>>)
          %add3A_1085 = arith.constant 5 : i32
          %add3A_1086 = arith.addi %mul3A_452, %add3A_1085 : i32
          %convert_element_type3A_1087 = arith.sitofp %add3A_1086 : i32 to f32
          %mul3A_1088 = arith.constant 5.000000e-01 : f32
          %mul3A_1089 = arith.mulf %mul3A_1088, %convert_element_type3A_1087 : f32
          %add3A_1090 = arith.constant 1.000000e+00 : f32
          %add3A_1091 = arith.addf %add3A_1090, %mul3A_1089 : f32
          %broadcast_in_dim3A_1092 = vector.broadcast %add3A_1091 : f32 to vector<16xf32>
          %mul3A_1093 = arith.mulf %add3A_136, %broadcast_in_dim3A_1092 : vector<16xf32>
          %mul3A_1094 = arith.constant 6.553700e+04 : f32
          %mul3A_1095 = vector.broadcast %mul3A_1094 : f32 to vector<16xf32>
          %mul3A_1096 = arith.mulf %mul3A_1093, %mul3A_1095 : vector<16xf32>
          %sub3A_1097 = arith.subf %mul3A_1096, %mul3A_1093 : vector<16xf32>
          %sub3A_1098 = arith.subf %mul3A_1096, %sub3A_1097 : vector<16xf32>
          %mul3A_1099 = arith.mulf %add3A_171, %broadcast_in_dim3A_1092 : vector<16xf32>
          %mul3A_1100 = arith.constant 6.553700e+04 : f32
          %mul3A_1101 = vector.broadcast %mul3A_1100 : f32 to vector<16xf32>
          %mul3A_1102 = arith.mulf %mul3A_1099, %mul3A_1101 : vector<16xf32>
          %sub3A_1103 = arith.subf %mul3A_1102, %mul3A_1099 : vector<16xf32>
          %sub3A_1104 = arith.subf %mul3A_1102, %sub3A_1103 : vector<16xf32>
          %mul3A_1105 = arith.mulf %add3A_206, %broadcast_in_dim3A_1092 : vector<16xf32>
          %mul3A_1106 = arith.constant 6.553700e+04 : f32
          %mul3A_1107 = vector.broadcast %mul3A_1106 : f32 to vector<16xf32>
          %mul3A_1108 = arith.mulf %mul3A_1105, %mul3A_1107 : vector<16xf32>
          %sub3A_1109 = arith.subf %mul3A_1108, %mul3A_1105 : vector<16xf32>
          %sub3A_1110 = arith.subf %mul3A_1108, %sub3A_1109 : vector<16xf32>
          %mul3A_1111 = arith.mulf %sub3A_216, %sub3A_1098 : vector<16xf32>
          %mul3A_1112 = arith.mulf %sub3A_226, %sub3A_1104 : vector<16xf32>
          %add3A_1113 = arith.addf %mul3A_1111, %mul3A_1112 : vector<16xf32>
          %mul3A_1114 = arith.mulf %sub3A_236, %sub3A_1110 : vector<16xf32>
          %add3A_1115 = arith.addf %add3A_1113, %mul3A_1114 : vector<16xf32>
          %mul3A_1116 = arith.mulf %sub3A_246, %sub3A_1098 : vector<16xf32>
          %mul3A_1117 = arith.mulf %sub3A_256, %sub3A_1104 : vector<16xf32>
          %add3A_1118 = arith.addf %mul3A_1116, %mul3A_1117 : vector<16xf32>
          %mul3A_1119 = arith.mulf %sub3A_266, %sub3A_1110 : vector<16xf32>
          %add3A_1120 = arith.addf %add3A_1118, %mul3A_1119 : vector<16xf32>
          %mul3A_1121 = arith.mulf %sub3A_276, %sub3A_1098 : vector<16xf32>
          %mul3A_1122 = arith.mulf %sub3A_286, %sub3A_1104 : vector<16xf32>
          %add3A_1123 = arith.addf %mul3A_1121, %mul3A_1122 : vector<16xf32>
          %mul3A_1124 = arith.mulf %sub3A_296, %sub3A_1110 : vector<16xf32>
          %add3A_1125 = arith.addf %add3A_1123, %mul3A_1124 : vector<16xf32>
          %mul3A_1126 = arith.constant 6.553700e+04 : f32
          %mul3A_1127 = vector.broadcast %mul3A_1126 : f32 to vector<16xf32>
          %mul3A_1128 = arith.mulf %add3A_1115, %mul3A_1127 : vector<16xf32>
          %sub3A_1129 = arith.subf %mul3A_1128, %add3A_1115 : vector<16xf32>
          %sub3A_1130 = arith.subf %mul3A_1128, %sub3A_1129 : vector<16xf32>
          %mul3A_1131 = arith.constant 6.553700e+04 : f32
          %mul3A_1132 = vector.broadcast %mul3A_1131 : f32 to vector<16xf32>
          %mul3A_1133 = arith.mulf %add3A_1120, %mul3A_1132 : vector<16xf32>
          %sub3A_1134 = arith.subf %mul3A_1133, %add3A_1120 : vector<16xf32>
          %sub3A_1135 = arith.subf %mul3A_1133, %sub3A_1134 : vector<16xf32>
          %mul3A_1136 = arith.constant 6.553700e+04 : f32
          %mul3A_1137 = vector.broadcast %mul3A_1136 : f32 to vector<16xf32>
          %mul3A_1138 = arith.mulf %add3A_1125, %mul3A_1137 : vector<16xf32>
          %sub3A_1139 = arith.subf %mul3A_1138, %add3A_1125 : vector<16xf32>
          %sub3A_1140 = arith.subf %mul3A_1138, %sub3A_1139 : vector<16xf32>
          %mul3A_1141 = arith.mulf %sub3A_306, %sub3A_1130 : vector<16xf32>
          %mul3A_1142 = arith.mulf %sub3A_316, %sub3A_1135 : vector<16xf32>
          %add3A_1143 = arith.addf %mul3A_1141, %mul3A_1142 : vector<16xf32>
          %mul3A_1144 = arith.mulf %sub3A_326, %sub3A_1140 : vector<16xf32>
          %add3A_1145 = arith.addf %add3A_1143, %mul3A_1144 : vector<16xf32>
          %add3A_1146 = arith.addf %add3A_1145, %get3A_57 : vector<16xf32>
          %mul3A_1147 = arith.mulf %sub3A_336, %sub3A_1130 : vector<16xf32>
          %mul3A_1148 = arith.mulf %sub3A_346, %sub3A_1135 : vector<16xf32>
          %add3A_1149 = arith.addf %mul3A_1147, %mul3A_1148 : vector<16xf32>
          %mul3A_1150 = arith.mulf %sub3A_356, %sub3A_1140 : vector<16xf32>
          %add3A_1151 = arith.addf %add3A_1149, %mul3A_1150 : vector<16xf32>
          %add3A_1152 = arith.addf %add3A_1151, %get3A_62 : vector<16xf32>
          %mul3A_1153 = arith.mulf %sub3A_366, %sub3A_1130 : vector<16xf32>
          %mul3A_1154 = arith.mulf %sub3A_376, %sub3A_1135 : vector<16xf32>
          %add3A_1155 = arith.addf %mul3A_1153, %mul3A_1154 : vector<16xf32>
          %mul3A_1156 = arith.mulf %sub3A_386, %sub3A_1140 : vector<16xf32>
          %add3A_1157 = arith.addf %add3A_1155, %mul3A_1156 : vector<16xf32>
          %add3A_1158 = arith.addf %add3A_1157, %get3A_67 : vector<16xf32>
          %mul3A_1159 = arith.constant 2.500000e+00 : f32
          %mul3A_1160 = vector.broadcast %mul3A_1159 : f32 to vector<16xf32>
          %mul3A_1161 = arith.mulf %add3A_1146, %mul3A_1160 : vector<16xf32>
          %add3A_1162 = arith.constant 1.000000e+02 : f32
          %add3A_1163 = vector.broadcast %add3A_1162 : f32 to vector<16xf32>
          %add3A_1164 = arith.addf %mul3A_1161, %add3A_1163 : vector<16xf32>
          %mul3A_1165 = arith.constant 2.500000e+00 : f32
          %mul3A_1166 = vector.broadcast %mul3A_1165 : f32 to vector<16xf32>
          %mul3A_1167 = arith.mulf %add3A_1152, %mul3A_1166 : vector<16xf32>
          %add3A_1168 = arith.constant 1.000000e+02 : f32
          %add3A_1169 = vector.broadcast %add3A_1168 : f32 to vector<16xf32>
          %add3A_1170 = arith.addf %mul3A_1167, %add3A_1169 : vector<16xf32>
          %mul3A_1171 = arith.constant 2.500000e+00 : f32
          %mul3A_1172 = vector.broadcast %mul3A_1171 : f32 to vector<16xf32>
          %mul3A_1173 = arith.mulf %add3A_1158, %mul3A_1172 : vector<16xf32>
          %add3A_1174 = arith.constant 3.000000e+00 : f32
          %add3A_1175 = vector.broadcast %add3A_1174 : f32 to vector<16xf32>
          %add3A_1176 = arith.addf %mul3A_1173, %add3A_1175 : vector<16xf32>
          %max3A_1177 = arith.constant 0.000000e+00 : f32
          %max3A_1178 = vector.broadcast %max3A_1177 : f32 to vector<16xf32>
          %max3A_1179 = arith.maximumf %add3A_1164, %max3A_1178 : vector<16xf32>
          %min3A_1180 = arith.constant 1.990000e+02 : f32
          %min3A_1181 = vector.broadcast %min3A_1180 : f32 to vector<16xf32>
          %min3A_1182 = arith.minimumf %max3A_1179, %min3A_1181 : vector<16xf32>
          %convert_element_type3A_1183 = arith.fptosi %min3A_1182 : vector<16xf32> to vector<16xi32>
          %max3A_1184 = arith.constant 0.000000e+00 : f32
          %max3A_1185 = vector.broadcast %max3A_1184 : f32 to vector<16xf32>
          %max3A_1186 = arith.maximumf %add3A_1170, %max3A_1185 : vector<16xf32>
          %min3A_1187 = arith.constant 1.990000e+02 : f32
          %min3A_1188 = vector.broadcast %min3A_1187 : f32 to vector<16xf32>
          %min3A_1189 = arith.minimumf %max3A_1186, %min3A_1188 : vector<16xf32>
          %convert_element_type3A_1190 = arith.fptosi %min3A_1189 : vector<16xf32> to vector<16xi32>
          %max3A_1191 = arith.constant 0.000000e+00 : f32
          %max3A_1192 = vector.broadcast %max3A_1191 : f32 to vector<16xf32>
          %max3A_1193 = arith.maximumf %add3A_1176, %max3A_1192 : vector<16xf32>
          %min3A_1194 = arith.constant 1.500000e+01 : f32
          %min3A_1195 = vector.broadcast %min3A_1194 : f32 to vector<16xf32>
          %min3A_1196 = arith.minimumf %max3A_1193, %min3A_1195 : vector<16xf32>
          %convert_element_type3A_1197 = arith.fptosi %min3A_1196 : vector<16xf32> to vector<16xi32>
          %mul3A_1198 = arith.constant 200 : i32
          %mul3A_1199 = vector.broadcast %mul3A_1198 : i32 to vector<16xi32>
          %mul3A_1200 = arith.muli %convert_element_type3A_1183, %mul3A_1199 : vector<16xi32>
          %add3A_1201 = arith.addi %mul3A_1200, %convert_element_type3A_1190 : vector<16xi32>
          %mul3A_1202 = arith.constant 16 : i32
          %mul3A_1203 = vector.broadcast %mul3A_1202 : i32 to vector<16xi32>
          %mul3A_1204 = arith.muli %add3A_1201, %mul3A_1203 : vector<16xi32>
          %add3A_1205 = arith.addi %mul3A_1204, %convert_element_type3A_1197 : vector<16xi32>
          %dma_start3A_1206 = arith.constant 5 : i32
          %dma_start3A_1207 = arith.constant 0 : i32
          %dma_start3A_1208 = tpu.memref_slice %arg7[%dma_start3A_1206, %dma_start3A_1207] : memref<8x16xi32, #tpu.memory_space<vmem>> -> memref<1x16xi32, #tpu.memory_space<vmem>>
          %dma_start3A_1209 = tpu.memref_squeeze %dma_start3A_1208 : memref<1x16xi32, #tpu.memory_space<vmem>> -> memref<16xi32, #tpu.memory_space<vmem>>
          %dma_start3A_1210 = arith.constant 0 : i32
          %dma_start3A_1211 = tpu.memref_slice %arg13[%dma_start3A_1210] : memref<640000xi32, #tpu.memory_space<vmem_shared>> -> memref<640000xi32, #tpu.memory_space<vmem_shared>>
          tpu.enqueue_indirect_dma source(%dma_start3A_1211 : memref<640000xi32, #tpu.memory_space<vmem_shared>>) target(%dma_start3A_1209 : memref<16xi32, #tpu.memory_space<vmem>>) offsets(%add3A_1205 : vector<16xi32>) semaphore(%arg15 : memref<!tpu.dma_semaphore, #tpu.memory_space<semaphore_mem>>)
          %add3A_1212 = arith.constant 6 : i32
          %add3A_1213 = arith.addi %mul3A_452, %add3A_1212 : i32
          %convert_element_type3A_1214 = arith.sitofp %add3A_1213 : i32 to f32
          %mul3A_1215 = arith.constant 5.000000e-01 : f32
          %mul3A_1216 = arith.mulf %mul3A_1215, %convert_element_type3A_1214 : f32
          %add3A_1217 = arith.constant 1.000000e+00 : f32
          %add3A_1218 = arith.addf %add3A_1217, %mul3A_1216 : f32
          %broadcast_in_dim3A_1219 = vector.broadcast %add3A_1218 : f32 to vector<16xf32>
          %mul3A_1220 = arith.mulf %add3A_136, %broadcast_in_dim3A_1219 : vector<16xf32>
          %mul3A_1221 = arith.constant 6.553700e+04 : f32
          %mul3A_1222 = vector.broadcast %mul3A_1221 : f32 to vector<16xf32>
          %mul3A_1223 = arith.mulf %mul3A_1220, %mul3A_1222 : vector<16xf32>
          %sub3A_1224 = arith.subf %mul3A_1223, %mul3A_1220 : vector<16xf32>
          %sub3A_1225 = arith.subf %mul3A_1223, %sub3A_1224 : vector<16xf32>
          %mul3A_1226 = arith.mulf %add3A_171, %broadcast_in_dim3A_1219 : vector<16xf32>
          %mul3A_1227 = arith.constant 6.553700e+04 : f32
          %mul3A_1228 = vector.broadcast %mul3A_1227 : f32 to vector<16xf32>
          %mul3A_1229 = arith.mulf %mul3A_1226, %mul3A_1228 : vector<16xf32>
          %sub3A_1230 = arith.subf %mul3A_1229, %mul3A_1226 : vector<16xf32>
          %sub3A_1231 = arith.subf %mul3A_1229, %sub3A_1230 : vector<16xf32>
          %mul3A_1232 = arith.mulf %add3A_206, %broadcast_in_dim3A_1219 : vector<16xf32>
          %mul3A_1233 = arith.constant 6.553700e+04 : f32
          %mul3A_1234 = vector.broadcast %mul3A_1233 : f32 to vector<16xf32>
          %mul3A_1235 = arith.mulf %mul3A_1232, %mul3A_1234 : vector<16xf32>
          %sub3A_1236 = arith.subf %mul3A_1235, %mul3A_1232 : vector<16xf32>
          %sub3A_1237 = arith.subf %mul3A_1235, %sub3A_1236 : vector<16xf32>
          %mul3A_1238 = arith.mulf %sub3A_216, %sub3A_1225 : vector<16xf32>
          %mul3A_1239 = arith.mulf %sub3A_226, %sub3A_1231 : vector<16xf32>
          %add3A_1240 = arith.addf %mul3A_1238, %mul3A_1239 : vector<16xf32>
          %mul3A_1241 = arith.mulf %sub3A_236, %sub3A_1237 : vector<16xf32>
          %add3A_1242 = arith.addf %add3A_1240, %mul3A_1241 : vector<16xf32>
          %mul3A_1243 = arith.mulf %sub3A_246, %sub3A_1225 : vector<16xf32>
          %mul3A_1244 = arith.mulf %sub3A_256, %sub3A_1231 : vector<16xf32>
          %add3A_1245 = arith.addf %mul3A_1243, %mul3A_1244 : vector<16xf32>
          %mul3A_1246 = arith.mulf %sub3A_266, %sub3A_1237 : vector<16xf32>
          %add3A_1247 = arith.addf %add3A_1245, %mul3A_1246 : vector<16xf32>
          %mul3A_1248 = arith.mulf %sub3A_276, %sub3A_1225 : vector<16xf32>
          %mul3A_1249 = arith.mulf %sub3A_286, %sub3A_1231 : vector<16xf32>
          %add3A_1250 = arith.addf %mul3A_1248, %mul3A_1249 : vector<16xf32>
          %mul3A_1251 = arith.mulf %sub3A_296, %sub3A_1237 : vector<16xf32>
          %add3A_1252 = arith.addf %add3A_1250, %mul3A_1251 : vector<16xf32>
          %mul3A_1253 = arith.constant 6.553700e+04 : f32
          %mul3A_1254 = vector.broadcast %mul3A_1253 : f32 to vector<16xf32>
          %mul3A_1255 = arith.mulf %add3A_1242, %mul3A_1254 : vector<16xf32>
          %sub3A_1256 = arith.subf %mul3A_1255, %add3A_1242 : vector<16xf32>
          %sub3A_1257 = arith.subf %mul3A_1255, %sub3A_1256 : vector<16xf32>
          %mul3A_1258 = arith.constant 6.553700e+04 : f32
          %mul3A_1259 = vector.broadcast %mul3A_1258 : f32 to vector<16xf32>
          %mul3A_1260 = arith.mulf %add3A_1247, %mul3A_1259 : vector<16xf32>
          %sub3A_1261 = arith.subf %mul3A_1260, %add3A_1247 : vector<16xf32>
          %sub3A_1262 = arith.subf %mul3A_1260, %sub3A_1261 : vector<16xf32>
          %mul3A_1263 = arith.constant 6.553700e+04 : f32
          %mul3A_1264 = vector.broadcast %mul3A_1263 : f32 to vector<16xf32>
          %mul3A_1265 = arith.mulf %add3A_1252, %mul3A_1264 : vector<16xf32>
          %sub3A_1266 = arith.subf %mul3A_1265, %add3A_1252 : vector<16xf32>
          %sub3A_1267 = arith.subf %mul3A_1265, %sub3A_1266 : vector<16xf32>
          %mul3A_1268 = arith.mulf %sub3A_306, %sub3A_1257 : vector<16xf32>
          %mul3A_1269 = arith.mulf %sub3A_316, %sub3A_1262 : vector<16xf32>
          %add3A_1270 = arith.addf %mul3A_1268, %mul3A_1269 : vector<16xf32>
          %mul3A_1271 = arith.mulf %sub3A_326, %sub3A_1267 : vector<16xf32>
          %add3A_1272 = arith.addf %add3A_1270, %mul3A_1271 : vector<16xf32>
          %add3A_1273 = arith.addf %add3A_1272, %get3A_57 : vector<16xf32>
          %mul3A_1274 = arith.mulf %sub3A_336, %sub3A_1257 : vector<16xf32>
          %mul3A_1275 = arith.mulf %sub3A_346, %sub3A_1262 : vector<16xf32>
          %add3A_1276 = arith.addf %mul3A_1274, %mul3A_1275 : vector<16xf32>
          %mul3A_1277 = arith.mulf %sub3A_356, %sub3A_1267 : vector<16xf32>
          %add3A_1278 = arith.addf %add3A_1276, %mul3A_1277 : vector<16xf32>
          %add3A_1279 = arith.addf %add3A_1278, %get3A_62 : vector<16xf32>
          %mul3A_1280 = arith.mulf %sub3A_366, %sub3A_1257 : vector<16xf32>
          %mul3A_1281 = arith.mulf %sub3A_376, %sub3A_1262 : vector<16xf32>
          %add3A_1282 = arith.addf %mul3A_1280, %mul3A_1281 : vector<16xf32>
          %mul3A_1283 = arith.mulf %sub3A_386, %sub3A_1267 : vector<16xf32>
          %add3A_1284 = arith.addf %add3A_1282, %mul3A_1283 : vector<16xf32>
          %add3A_1285 = arith.addf %add3A_1284, %get3A_67 : vector<16xf32>
          %mul3A_1286 = arith.constant 2.500000e+00 : f32
          %mul3A_1287 = vector.broadcast %mul3A_1286 : f32 to vector<16xf32>
          %mul3A_1288 = arith.mulf %add3A_1273, %mul3A_1287 : vector<16xf32>
          %add3A_1289 = arith.constant 1.000000e+02 : f32
          %add3A_1290 = vector.broadcast %add3A_1289 : f32 to vector<16xf32>
          %add3A_1291 = arith.addf %mul3A_1288, %add3A_1290 : vector<16xf32>
          %mul3A_1292 = arith.constant 2.500000e+00 : f32
          %mul3A_1293 = vector.broadcast %mul3A_1292 : f32 to vector<16xf32>
          %mul3A_1294 = arith.mulf %add3A_1279, %mul3A_1293 : vector<16xf32>
          %add3A_1295 = arith.constant 1.000000e+02 : f32
          %add3A_1296 = vector.broadcast %add3A_1295 : f32 to vector<16xf32>
          %add3A_1297 = arith.addf %mul3A_1294, %add3A_1296 : vector<16xf32>
          %mul3A_1298 = arith.constant 2.500000e+00 : f32
          %mul3A_1299 = vector.broadcast %mul3A_1298 : f32 to vector<16xf32>
          %mul3A_1300 = arith.mulf %add3A_1285, %mul3A_1299 : vector<16xf32>
          %add3A_1301 = arith.constant 3.000000e+00 : f32
          %add3A_1302 = vector.broadcast %add3A_1301 : f32 to vector<16xf32>
          %add3A_1303 = arith.addf %mul3A_1300, %add3A_1302 : vector<16xf32>
          %max3A_1304 = arith.constant 0.000000e+00 : f32
          %max3A_1305 = vector.broadcast %max3A_1304 : f32 to vector<16xf32>
          %max3A_1306 = arith.maximumf %add3A_1291, %max3A_1305 : vector<16xf32>
          %min3A_1307 = arith.constant 1.990000e+02 : f32
          %min3A_1308 = vector.broadcast %min3A_1307 : f32 to vector<16xf32>
          %min3A_1309 = arith.minimumf %max3A_1306, %min3A_1308 : vector<16xf32>
          %convert_element_type3A_1310 = arith.fptosi %min3A_1309 : vector<16xf32> to vector<16xi32>
          %max3A_1311 = arith.constant 0.000000e+00 : f32
          %max3A_1312 = vector.broadcast %max3A_1311 : f32 to vector<16xf32>
          %max3A_1313 = arith.maximumf %add3A_1297, %max3A_1312 : vector<16xf32>
          %min3A_1314 = arith.constant 1.990000e+02 : f32
          %min3A_1315 = vector.broadcast %min3A_1314 : f32 to vector<16xf32>
          %min3A_1316 = arith.minimumf %max3A_1313, %min3A_1315 : vector<16xf32>
          %convert_element_type3A_1317 = arith.fptosi %min3A_1316 : vector<16xf32> to vector<16xi32>
          %max3A_1318 = arith.constant 0.000000e+00 : f32
          %max3A_1319 = vector.broadcast %max3A_1318 : f32 to vector<16xf32>
          %max3A_1320 = arith.maximumf %add3A_1303, %max3A_1319 : vector<16xf32>
          %min3A_1321 = arith.constant 1.500000e+01 : f32
          %min3A_1322 = vector.broadcast %min3A_1321 : f32 to vector<16xf32>
          %min3A_1323 = arith.minimumf %max3A_1320, %min3A_1322 : vector<16xf32>
          %convert_element_type3A_1324 = arith.fptosi %min3A_1323 : vector<16xf32> to vector<16xi32>
          %mul3A_1325 = arith.constant 200 : i32
          %mul3A_1326 = vector.broadcast %mul3A_1325 : i32 to vector<16xi32>
          %mul3A_1327 = arith.muli %convert_element_type3A_1310, %mul3A_1326 : vector<16xi32>
          %add3A_1328 = arith.addi %mul3A_1327, %convert_element_type3A_1317 : vector<16xi32>
          %mul3A_1329 = arith.constant 16 : i32
          %mul3A_1330 = vector.broadcast %mul3A_1329 : i32 to vector<16xi32>
          %mul3A_1331 = arith.muli %add3A_1328, %mul3A_1330 : vector<16xi32>
          %add3A_1332 = arith.addi %mul3A_1331, %convert_element_type3A_1324 : vector<16xi32>
          %dma_start3A_1333 = arith.constant 6 : i32
          %dma_start3A_1334 = arith.constant 0 : i32
          %dma_start3A_1335 = tpu.memref_slice %arg7[%dma_start3A_1333, %dma_start3A_1334] : memref<8x16xi32, #tpu.memory_space<vmem>> -> memref<1x16xi32, #tpu.memory_space<vmem>>
          %dma_start3A_1336 = tpu.memref_squeeze %dma_start3A_1335 : memref<1x16xi32, #tpu.memory_space<vmem>> -> memref<16xi32, #tpu.memory_space<vmem>>
          %dma_start3A_1337 = arith.constant 0 : i32
          %dma_start3A_1338 = tpu.memref_slice %arg13[%dma_start3A_1337] : memref<640000xi32, #tpu.memory_space<vmem_shared>> -> memref<640000xi32, #tpu.memory_space<vmem_shared>>
          tpu.enqueue_indirect_dma source(%dma_start3A_1338 : memref<640000xi32, #tpu.memory_space<vmem_shared>>) target(%dma_start3A_1336 : memref<16xi32, #tpu.memory_space<vmem>>) offsets(%add3A_1332 : vector<16xi32>) semaphore(%arg15 : memref<!tpu.dma_semaphore, #tpu.memory_space<semaphore_mem>>)
          %add3A_1339 = arith.constant 7 : i32
          %add3A_1340 = arith.addi %mul3A_452, %add3A_1339 : i32
          %convert_element_type3A_1341 = arith.sitofp %add3A_1340 : i32 to f32
          %mul3A_1342 = arith.constant 5.000000e-01 : f32
          %mul3A_1343 = arith.mulf %mul3A_1342, %convert_element_type3A_1341 : f32
          %add3A_1344 = arith.constant 1.000000e+00 : f32
          %add3A_1345 = arith.addf %add3A_1344, %mul3A_1343 : f32
          %broadcast_in_dim3A_1346 = vector.broadcast %add3A_1345 : f32 to vector<16xf32>
          %mul3A_1347 = arith.mulf %add3A_136, %broadcast_in_dim3A_1346 : vector<16xf32>
          %mul3A_1348 = arith.constant 6.553700e+04 : f32
          %mul3A_1349 = vector.broadcast %mul3A_1348 : f32 to vector<16xf32>
          %mul3A_1350 = arith.mulf %mul3A_1347, %mul3A_1349 : vector<16xf32>
          %sub3A_1351 = arith.subf %mul3A_1350, %mul3A_1347 : vector<16xf32>
          %sub3A_1352 = arith.subf %mul3A_1350, %sub3A_1351 : vector<16xf32>
          %mul3A_1353 = arith.mulf %add3A_171, %broadcast_in_dim3A_1346 : vector<16xf32>
          %mul3A_1354 = arith.constant 6.553700e+04 : f32
          %mul3A_1355 = vector.broadcast %mul3A_1354 : f32 to vector<16xf32>
          %mul3A_1356 = arith.mulf %mul3A_1353, %mul3A_1355 : vector<16xf32>
          %sub3A_1357 = arith.subf %mul3A_1356, %mul3A_1353 : vector<16xf32>
          %sub3A_1358 = arith.subf %mul3A_1356, %sub3A_1357 : vector<16xf32>
          %mul3A_1359 = arith.mulf %add3A_206, %broadcast_in_dim3A_1346 : vector<16xf32>
          %mul3A_1360 = arith.constant 6.553700e+04 : f32
          %mul3A_1361 = vector.broadcast %mul3A_1360 : f32 to vector<16xf32>
          %mul3A_1362 = arith.mulf %mul3A_1359, %mul3A_1361 : vector<16xf32>
          %sub3A_1363 = arith.subf %mul3A_1362, %mul3A_1359 : vector<16xf32>
          %sub3A_1364 = arith.subf %mul3A_1362, %sub3A_1363 : vector<16xf32>
          %mul3A_1365 = arith.mulf %sub3A_216, %sub3A_1352 : vector<16xf32>
          %mul3A_1366 = arith.mulf %sub3A_226, %sub3A_1358 : vector<16xf32>
          %add3A_1367 = arith.addf %mul3A_1365, %mul3A_1366 : vector<16xf32>
          %mul3A_1368 = arith.mulf %sub3A_236, %sub3A_1364 : vector<16xf32>
          %add3A_1369 = arith.addf %add3A_1367, %mul3A_1368 : vector<16xf32>
          %mul3A_1370 = arith.mulf %sub3A_246, %sub3A_1352 : vector<16xf32>
          %mul3A_1371 = arith.mulf %sub3A_256, %sub3A_1358 : vector<16xf32>
          %add3A_1372 = arith.addf %mul3A_1370, %mul3A_1371 : vector<16xf32>
          %mul3A_1373 = arith.mulf %sub3A_266, %sub3A_1364 : vector<16xf32>
          %add3A_1374 = arith.addf %add3A_1372, %mul3A_1373 : vector<16xf32>
          %mul3A_1375 = arith.mulf %sub3A_276, %sub3A_1352 : vector<16xf32>
          %mul3A_1376 = arith.mulf %sub3A_286, %sub3A_1358 : vector<16xf32>
          %add3A_1377 = arith.addf %mul3A_1375, %mul3A_1376 : vector<16xf32>
          %mul3A_1378 = arith.mulf %sub3A_296, %sub3A_1364 : vector<16xf32>
          %add3A_1379 = arith.addf %add3A_1377, %mul3A_1378 : vector<16xf32>
          %mul3A_1380 = arith.constant 6.553700e+04 : f32
          %mul3A_1381 = vector.broadcast %mul3A_1380 : f32 to vector<16xf32>
          %mul3A_1382 = arith.mulf %add3A_1369, %mul3A_1381 : vector<16xf32>
          %sub3A_1383 = arith.subf %mul3A_1382, %add3A_1369 : vector<16xf32>
          %sub3A_1384 = arith.subf %mul3A_1382, %sub3A_1383 : vector<16xf32>
          %mul3A_1385 = arith.constant 6.553700e+04 : f32
          %mul3A_1386 = vector.broadcast %mul3A_1385 : f32 to vector<16xf32>
          %mul3A_1387 = arith.mulf %add3A_1374, %mul3A_1386 : vector<16xf32>
          %sub3A_1388 = arith.subf %mul3A_1387, %add3A_1374 : vector<16xf32>
          %sub3A_1389 = arith.subf %mul3A_1387, %sub3A_1388 : vector<16xf32>
          %mul3A_1390 = arith.constant 6.553700e+04 : f32
          %mul3A_1391 = vector.broadcast %mul3A_1390 : f32 to vector<16xf32>
          %mul3A_1392 = arith.mulf %add3A_1379, %mul3A_1391 : vector<16xf32>
          %sub3A_1393 = arith.subf %mul3A_1392, %add3A_1379 : vector<16xf32>
          %sub3A_1394 = arith.subf %mul3A_1392, %sub3A_1393 : vector<16xf32>
          %mul3A_1395 = arith.mulf %sub3A_306, %sub3A_1384 : vector<16xf32>
          %mul3A_1396 = arith.mulf %sub3A_316, %sub3A_1389 : vector<16xf32>
          %add3A_1397 = arith.addf %mul3A_1395, %mul3A_1396 : vector<16xf32>
          %mul3A_1398 = arith.mulf %sub3A_326, %sub3A_1394 : vector<16xf32>
          %add3A_1399 = arith.addf %add3A_1397, %mul3A_1398 : vector<16xf32>
          %add3A_1400 = arith.addf %add3A_1399, %get3A_57 : vector<16xf32>
          %mul3A_1401 = arith.mulf %sub3A_336, %sub3A_1384 : vector<16xf32>
          %mul3A_1402 = arith.mulf %sub3A_346, %sub3A_1389 : vector<16xf32>
          %add3A_1403 = arith.addf %mul3A_1401, %mul3A_1402 : vector<16xf32>
          %mul3A_1404 = arith.mulf %sub3A_356, %sub3A_1394 : vector<16xf32>
          %add3A_1405 = arith.addf %add3A_1403, %mul3A_1404 : vector<16xf32>
          %add3A_1406 = arith.addf %add3A_1405, %get3A_62 : vector<16xf32>
          %mul3A_1407 = arith.mulf %sub3A_366, %sub3A_1384 : vector<16xf32>
          %mul3A_1408 = arith.mulf %sub3A_376, %sub3A_1389 : vector<16xf32>
          %add3A_1409 = arith.addf %mul3A_1407, %mul3A_1408 : vector<16xf32>
          %mul3A_1410 = arith.mulf %sub3A_386, %sub3A_1394 : vector<16xf32>
          %add3A_1411 = arith.addf %add3A_1409, %mul3A_1410 : vector<16xf32>
          %add3A_1412 = arith.addf %add3A_1411, %get3A_67 : vector<16xf32>
          %mul3A_1413 = arith.constant 2.500000e+00 : f32
          %mul3A_1414 = vector.broadcast %mul3A_1413 : f32 to vector<16xf32>
          %mul3A_1415 = arith.mulf %add3A_1400, %mul3A_1414 : vector<16xf32>
          %add3A_1416 = arith.constant 1.000000e+02 : f32
          %add3A_1417 = vector.broadcast %add3A_1416 : f32 to vector<16xf32>
          %add3A_1418 = arith.addf %mul3A_1415, %add3A_1417 : vector<16xf32>
          %mul3A_1419 = arith.constant 2.500000e+00 : f32
          %mul3A_1420 = vector.broadcast %mul3A_1419 : f32 to vector<16xf32>
          %mul3A_1421 = arith.mulf %add3A_1406, %mul3A_1420 : vector<16xf32>
          %add3A_1422 = arith.constant 1.000000e+02 : f32
          %add3A_1423 = vector.broadcast %add3A_1422 : f32 to vector<16xf32>
          %add3A_1424 = arith.addf %mul3A_1421, %add3A_1423 : vector<16xf32>
          %mul3A_1425 = arith.constant 2.500000e+00 : f32
          %mul3A_1426 = vector.broadcast %mul3A_1425 : f32 to vector<16xf32>
          %mul3A_1427 = arith.mulf %add3A_1412, %mul3A_1426 : vector<16xf32>
          %add3A_1428 = arith.constant 3.000000e+00 : f32
          %add3A_1429 = vector.broadcast %add3A_1428 : f32 to vector<16xf32>
          %add3A_1430 = arith.addf %mul3A_1427, %add3A_1429 : vector<16xf32>
          %max3A_1431 = arith.constant 0.000000e+00 : f32
          %max3A_1432 = vector.broadcast %max3A_1431 : f32 to vector<16xf32>
          %max3A_1433 = arith.maximumf %add3A_1418, %max3A_1432 : vector<16xf32>
          %min3A_1434 = arith.constant 1.990000e+02 : f32
          %min3A_1435 = vector.broadcast %min3A_1434 : f32 to vector<16xf32>
          %min3A_1436 = arith.minimumf %max3A_1433, %min3A_1435 : vector<16xf32>
          %convert_element_type3A_1437 = arith.fptosi %min3A_1436 : vector<16xf32> to vector<16xi32>
          %max3A_1438 = arith.constant 0.000000e+00 : f32
          %max3A_1439 = vector.broadcast %max3A_1438 : f32 to vector<16xf32>
          %max3A_1440 = arith.maximumf %add3A_1424, %max3A_1439 : vector<16xf32>
          %min3A_1441 = arith.constant 1.990000e+02 : f32
          %min3A_1442 = vector.broadcast %min3A_1441 : f32 to vector<16xf32>
          %min3A_1443 = arith.minimumf %max3A_1440, %min3A_1442 : vector<16xf32>
          %convert_element_type3A_1444 = arith.fptosi %min3A_1443 : vector<16xf32> to vector<16xi32>
          %max3A_1445 = arith.constant 0.000000e+00 : f32
          %max3A_1446 = vector.broadcast %max3A_1445 : f32 to vector<16xf32>
          %max3A_1447 = arith.maximumf %add3A_1430, %max3A_1446 : vector<16xf32>
          %min3A_1448 = arith.constant 1.500000e+01 : f32
          %min3A_1449 = vector.broadcast %min3A_1448 : f32 to vector<16xf32>
          %min3A_1450 = arith.minimumf %max3A_1447, %min3A_1449 : vector<16xf32>
          %convert_element_type3A_1451 = arith.fptosi %min3A_1450 : vector<16xf32> to vector<16xi32>
          %mul3A_1452 = arith.constant 200 : i32
          %mul3A_1453 = vector.broadcast %mul3A_1452 : i32 to vector<16xi32>
          %mul3A_1454 = arith.muli %convert_element_type3A_1437, %mul3A_1453 : vector<16xi32>
          %add3A_1455 = arith.addi %mul3A_1454, %convert_element_type3A_1444 : vector<16xi32>
          %mul3A_1456 = arith.constant 16 : i32
          %mul3A_1457 = vector.broadcast %mul3A_1456 : i32 to vector<16xi32>
          %mul3A_1458 = arith.muli %add3A_1455, %mul3A_1457 : vector<16xi32>
          %add3A_1459 = arith.addi %mul3A_1458, %convert_element_type3A_1451 : vector<16xi32>
          %dma_start3A_1460 = arith.constant 7 : i32
          %dma_start3A_1461 = arith.constant 0 : i32
          %dma_start3A_1462 = tpu.memref_slice %arg7[%dma_start3A_1460, %dma_start3A_1461] : memref<8x16xi32, #tpu.memory_space<vmem>> -> memref<1x16xi32, #tpu.memory_space<vmem>>
          %dma_start3A_1463 = tpu.memref_squeeze %dma_start3A_1462 : memref<1x16xi32, #tpu.memory_space<vmem>> -> memref<16xi32, #tpu.memory_space<vmem>>
          %dma_start3A_1464 = arith.constant 0 : i32
          %dma_start3A_1465 = tpu.memref_slice %arg13[%dma_start3A_1464] : memref<640000xi32, #tpu.memory_space<vmem_shared>> -> memref<640000xi32, #tpu.memory_space<vmem_shared>>
          tpu.enqueue_indirect_dma source(%dma_start3A_1465 : memref<640000xi32, #tpu.memory_space<vmem_shared>>) target(%dma_start3A_1463 : memref<16xi32, #tpu.memory_space<vmem>>) offsets(%add3A_1459 : vector<16xi32>) semaphore(%arg15 : memref<!tpu.dma_semaphore, #tpu.memory_space<semaphore_mem>>)
          %dma_wait3A = arith.constant 0 : i32
          %dma_wait3A_1466 = arith.constant 0 : i32
          %dma_wait3A_1467 = tpu.memref_slice %arg7[%dma_wait3A, %dma_wait3A_1466] : memref<8x16xi32, #tpu.memory_space<vmem>> -> memref<1x16xi32, #tpu.memory_space<vmem>>
          %dma_wait3A_1468 = tpu.memref_squeeze %dma_wait3A_1467 : memref<1x16xi32, #tpu.memory_space<vmem>> -> memref<16xi32, #tpu.memory_space<vmem>>
          %dma_wait3A_1469 = arith.constant 0 : i32
          %dma_wait3A_1470 = tpu.memref_slice %arg13[%dma_wait3A_1469] : memref<640000xi32, #tpu.memory_space<vmem_shared>> -> memref<640000xi32, #tpu.memory_space<vmem_shared>>
          tpu.wait_indirect_dma semaphore(%arg15 : memref<!tpu.dma_semaphore, #tpu.memory_space<semaphore_mem>>) src(%dma_wait3A_1470 : memref<640000xi32, #tpu.memory_space<vmem_shared>>) dst(%dma_wait3A_1468 : memref<16xi32, #tpu.memory_space<vmem>>)
          %dma_wait3A_1471 = arith.constant 1 : i32
          %dma_wait3A_1472 = arith.constant 0 : i32
          %dma_wait3A_1473 = tpu.memref_slice %arg7[%dma_wait3A_1471, %dma_wait3A_1472] : memref<8x16xi32, #tpu.memory_space<vmem>> -> memref<1x16xi32, #tpu.memory_space<vmem>>
          %dma_wait3A_1474 = tpu.memref_squeeze %dma_wait3A_1473 : memref<1x16xi32, #tpu.memory_space<vmem>> -> memref<16xi32, #tpu.memory_space<vmem>>
          %dma_wait3A_1475 = arith.constant 0 : i32
          %dma_wait3A_1476 = tpu.memref_slice %arg13[%dma_wait3A_1475] : memref<640000xi32, #tpu.memory_space<vmem_shared>> -> memref<640000xi32, #tpu.memory_space<vmem_shared>>
          tpu.wait_indirect_dma semaphore(%arg15 : memref<!tpu.dma_semaphore, #tpu.memory_space<semaphore_mem>>) src(%dma_wait3A_1476 : memref<640000xi32, #tpu.memory_space<vmem_shared>>) dst(%dma_wait3A_1474 : memref<16xi32, #tpu.memory_space<vmem>>)
          %dma_wait3A_1477 = arith.constant 2 : i32
          %dma_wait3A_1478 = arith.constant 0 : i32
          %dma_wait3A_1479 = tpu.memref_slice %arg7[%dma_wait3A_1477, %dma_wait3A_1478] : memref<8x16xi32, #tpu.memory_space<vmem>> -> memref<1x16xi32, #tpu.memory_space<vmem>>
          %dma_wait3A_1480 = tpu.memref_squeeze %dma_wait3A_1479 : memref<1x16xi32, #tpu.memory_space<vmem>> -> memref<16xi32, #tpu.memory_space<vmem>>
          %dma_wait3A_1481 = arith.constant 0 : i32
          %dma_wait3A_1482 = tpu.memref_slice %arg13[%dma_wait3A_1481] : memref<640000xi32, #tpu.memory_space<vmem_shared>> -> memref<640000xi32, #tpu.memory_space<vmem_shared>>
          tpu.wait_indirect_dma semaphore(%arg15 : memref<!tpu.dma_semaphore, #tpu.memory_space<semaphore_mem>>) src(%dma_wait3A_1482 : memref<640000xi32, #tpu.memory_space<vmem_shared>>) dst(%dma_wait3A_1480 : memref<16xi32, #tpu.memory_space<vmem>>)
          %dma_wait3A_1483 = arith.constant 3 : i32
          %dma_wait3A_1484 = arith.constant 0 : i32
          %dma_wait3A_1485 = tpu.memref_slice %arg7[%dma_wait3A_1483, %dma_wait3A_1484] : memref<8x16xi32, #tpu.memory_space<vmem>> -> memref<1x16xi32, #tpu.memory_space<vmem>>
          %dma_wait3A_1486 = tpu.memref_squeeze %dma_wait3A_1485 : memref<1x16xi32, #tpu.memory_space<vmem>> -> memref<16xi32, #tpu.memory_space<vmem>>
          %dma_wait3A_1487 = arith.constant 0 : i32
          %dma_wait3A_1488 = tpu.memref_slice %arg13[%dma_wait3A_1487] : memref<640000xi32, #tpu.memory_space<vmem_shared>> -> memref<640000xi32, #tpu.memory_space<vmem_shared>>
          tpu.wait_indirect_dma semaphore(%arg15 : memref<!tpu.dma_semaphore, #tpu.memory_space<semaphore_mem>>) src(%dma_wait3A_1488 : memref<640000xi32, #tpu.memory_space<vmem_shared>>) dst(%dma_wait3A_1486 : memref<16xi32, #tpu.memory_space<vmem>>)
          %dma_wait3A_1489 = arith.constant 4 : i32
          %dma_wait3A_1490 = arith.constant 0 : i32
          %dma_wait3A_1491 = tpu.memref_slice %arg7[%dma_wait3A_1489, %dma_wait3A_1490] : memref<8x16xi32, #tpu.memory_space<vmem>> -> memref<1x16xi32, #tpu.memory_space<vmem>>
          %dma_wait3A_1492 = tpu.memref_squeeze %dma_wait3A_1491 : memref<1x16xi32, #tpu.memory_space<vmem>> -> memref<16xi32, #tpu.memory_space<vmem>>
          %dma_wait3A_1493 = arith.constant 0 : i32
          %dma_wait3A_1494 = tpu.memref_slice %arg13[%dma_wait3A_1493] : memref<640000xi32, #tpu.memory_space<vmem_shared>> -> memref<640000xi32, #tpu.memory_space<vmem_shared>>
          tpu.wait_indirect_dma semaphore(%arg15 : memref<!tpu.dma_semaphore, #tpu.memory_space<semaphore_mem>>) src(%dma_wait3A_1494 : memref<640000xi32, #tpu.memory_space<vmem_shared>>) dst(%dma_wait3A_1492 : memref<16xi32, #tpu.memory_space<vmem>>)
          %dma_wait3A_1495 = arith.constant 5 : i32
          %dma_wait3A_1496 = arith.constant 0 : i32
          %dma_wait3A_1497 = tpu.memref_slice %arg7[%dma_wait3A_1495, %dma_wait3A_1496] : memref<8x16xi32, #tpu.memory_space<vmem>> -> memref<1x16xi32, #tpu.memory_space<vmem>>
          %dma_wait3A_1498 = tpu.memref_squeeze %dma_wait3A_1497 : memref<1x16xi32, #tpu.memory_space<vmem>> -> memref<16xi32, #tpu.memory_space<vmem>>
          %dma_wait3A_1499 = arith.constant 0 : i32
          %dma_wait3A_1500 = tpu.memref_slice %arg13[%dma_wait3A_1499] : memref<640000xi32, #tpu.memory_space<vmem_shared>> -> memref<640000xi32, #tpu.memory_space<vmem_shared>>
          tpu.wait_indirect_dma semaphore(%arg15 : memref<!tpu.dma_semaphore, #tpu.memory_space<semaphore_mem>>) src(%dma_wait3A_1500 : memref<640000xi32, #tpu.memory_space<vmem_shared>>) dst(%dma_wait3A_1498 : memref<16xi32, #tpu.memory_space<vmem>>)
          %dma_wait3A_1501 = arith.constant 6 : i32
          %dma_wait3A_1502 = arith.constant 0 : i32
          %dma_wait3A_1503 = tpu.memref_slice %arg7[%dma_wait3A_1501, %dma_wait3A_1502] : memref<8x16xi32, #tpu.memory_space<vmem>> -> memref<1x16xi32, #tpu.memory_space<vmem>>
          %dma_wait3A_1504 = tpu.memref_squeeze %dma_wait3A_1503 : memref<1x16xi32, #tpu.memory_space<vmem>> -> memref<16xi32, #tpu.memory_space<vmem>>
          %dma_wait3A_1505 = arith.constant 0 : i32
          %dma_wait3A_1506 = tpu.memref_slice %arg13[%dma_wait3A_1505] : memref<640000xi32, #tpu.memory_space<vmem_shared>> -> memref<640000xi32, #tpu.memory_space<vmem_shared>>
          tpu.wait_indirect_dma semaphore(%arg15 : memref<!tpu.dma_semaphore, #tpu.memory_space<semaphore_mem>>) src(%dma_wait3A_1506 : memref<640000xi32, #tpu.memory_space<vmem_shared>>) dst(%dma_wait3A_1504 : memref<16xi32, #tpu.memory_space<vmem>>)
          %dma_wait3A_1507 = arith.constant 7 : i32
          %dma_wait3A_1508 = arith.constant 0 : i32
          %dma_wait3A_1509 = tpu.memref_slice %arg7[%dma_wait3A_1507, %dma_wait3A_1508] : memref<8x16xi32, #tpu.memory_space<vmem>> -> memref<1x16xi32, #tpu.memory_space<vmem>>
          %dma_wait3A_1510 = tpu.memref_squeeze %dma_wait3A_1509 : memref<1x16xi32, #tpu.memory_space<vmem>> -> memref<16xi32, #tpu.memory_space<vmem>>
          %dma_wait3A_1511 = arith.constant 0 : i32
          %dma_wait3A_1512 = tpu.memref_slice %arg13[%dma_wait3A_1511] : memref<640000xi32, #tpu.memory_space<vmem_shared>> -> memref<640000xi32, #tpu.memory_space<vmem_shared>>
          tpu.wait_indirect_dma semaphore(%arg15 : memref<!tpu.dma_semaphore, #tpu.memory_space<semaphore_mem>>) src(%dma_wait3A_1512 : memref<640000xi32, #tpu.memory_space<vmem_shared>>) dst(%dma_wait3A_1510 : memref<16xi32, #tpu.memory_space<vmem>>)
          %get3A_1513 = arith.constant 0 : i32
          %get3A_1514 = arith.index_cast %get3A_1513 : i32 to index
          %get3A_1515 = arith.constant 0 : index
          %get3A_1516 = tpu.vector_load %arg7[%get3A_1514, %get3A_1515] {strides = array<i32>} : memref<8x16xi32, #tpu.memory_space<vmem>>, vector<1x16xi32>,
          %get3A_1517 = vector.shape_cast %get3A_1516 : vector<1x16xi32> to vector<16xi32>
          %get3A_1518 = arith.constant 0 : index
          %get3A_1519 = tpu.vector_load %arg10[%get3A_1518] {strides = array<i32>} : memref<16xi32, #tpu.memory_space<vmem>>, vector<16xi32>,
          %get3A_1520 = vector.shape_cast %get3A_1519 : vector<16xi32> to vector<16xi32>
          %eq3A_1521 = arith.constant 0 : i32
          %eq3A_1522 = vector.broadcast %eq3A_1521 : i32 to vector<16xi32>
          %eq3A_1523 = arith.cmpi eq, %get3A_1520, %eq3A_1522 : vector<16xi32>
          %ne3A_1524 = arith.constant 9 : i32
          %ne3A_1525 = vector.broadcast %ne3A_1524 : i32 to vector<16xi32>
          %ne3A_1526 = arith.cmpi ne, %get3A_1517, %ne3A_1525 : vector<16xi32>
          %and3A = arith.andi %eq3A_1523, %ne3A_1526 : vector<16xi1>
          %add3A_1527 = arith.constant 0 : i32
          %add3A_1528 = arith.addi %mul3A_452, %add3A_1527 : i32
          %get3A_1529 = arith.constant 0 : index
          %get3A_1530 = tpu.vector_load %arg11[%get3A_1529] {strides = array<i32>} : memref<16xi32, #tpu.memory_space<vmem>>, vector<16xi32>,
          %get3A_1531 = vector.shape_cast %get3A_1530 : vector<16xi32> to vector<16xi32>
          %broadcast_in_dim3A_1532 = vector.broadcast %add3A_1528 : i32 to vector<16xi32>
          %select_n3A_1533 = arith.select %and3A, %broadcast_in_dim3A_1532, %get3A_1531 : vector<16xi1>, vector<16xi32>
          %swap3A_1534 = arith.constant 0 : index
          %swap3A_1535 = tpu.vector_load %arg11[%swap3A_1534] {strides = array<i32>} : memref<16xi32, #tpu.memory_space<vmem>>, vector<16xi32>,
          %swap3A_1536 = vector.shape_cast %swap3A_1535 : vector<16xi32> to vector<16xi32>
          %swap3A_1537 = vector.shape_cast %select_n3A_1533 : vector<16xi32> to vector<16xi32>
          tpu.vector_store %arg11[%swap3A_1534], %swap3A_1537 {strides = array<i32>} : memref<16xi32, #tpu.memory_space<vmem>>, vector<16xi32>,
          %get3A_1538 = arith.constant 0 : index
          %get3A_1539 = tpu.vector_load %arg12[%get3A_1538] {strides = array<i32>} : memref<16xi32, #tpu.memory_space<vmem>>, vector<16xi32>,
          %get3A_1540 = vector.shape_cast %get3A_1539 : vector<16xi32> to vector<16xi32>
          %select_n3A_1541 = arith.select %and3A, %get3A_1517, %get3A_1540 : vector<16xi1>, vector<16xi32>
          %swap3A_1542 = arith.constant 0 : index
          %swap3A_1543 = tpu.vector_load %arg12[%swap3A_1542] {strides = array<i32>} : memref<16xi32, #tpu.memory_space<vmem>>, vector<16xi32>,
          %swap3A_1544 = vector.shape_cast %swap3A_1543 : vector<16xi32> to vector<16xi32>
          %swap3A_1545 = vector.shape_cast %select_n3A_1541 : vector<16xi32> to vector<16xi32>
          tpu.vector_store %arg12[%swap3A_1542], %swap3A_1545 {strides = array<i32>} : memref<16xi32, #tpu.memory_space<vmem>>, vector<16xi32>,
          %jit3A_1546 = arith.constant 1 : i32
          %broadcast_in_dim3A_1547 = vector.broadcast %jit3A_1546 : i32 to vector<16xi32>
          %select_n3A_1548 = arith.select %and3A, %broadcast_in_dim3A_1547, %get3A_1520 : vector<16xi1>, vector<16xi32>
          %swap3A_1549 = arith.constant 0 : index
          %swap3A_1550 = tpu.vector_load %arg10[%swap3A_1549] {strides = array<i32>} : memref<16xi32, #tpu.memory_space<vmem>>, vector<16xi32>,
          %swap3A_1551 = vector.shape_cast %swap3A_1550 : vector<16xi32> to vector<16xi32>
          %swap3A_1552 = vector.shape_cast %select_n3A_1548 : vector<16xi32> to vector<16xi32>
          tpu.vector_store %arg10[%swap3A_1549], %swap3A_1552 {strides = array<i32>} : memref<16xi32, #tpu.memory_space<vmem>>, vector<16xi32>,
          %get3A_1553 = arith.constant 1 : i32
          %get3A_1554 = arith.index_cast %get3A_1553 : i32 to index
          %get3A_1555 = arith.constant 0 : index
          %get3A_1556 = tpu.vector_load %arg7[%get3A_1554, %get3A_1555] {strides = array<i32>} : memref<8x16xi32, #tpu.memory_space<vmem>>, vector<1x16xi32>,
          %get3A_1557 = vector.shape_cast %get3A_1556 : vector<1x16xi32> to vector<16xi32>
          %get3A_1558 = arith.constant 0 : index
          %get3A_1559 = tpu.vector_load %arg10[%get3A_1558] {strides = array<i32>} : memref<16xi32, #tpu.memory_space<vmem>>, vector<16xi32>,
          %get3A_1560 = vector.shape_cast %get3A_1559 : vector<16xi32> to vector<16xi32>
          %eq3A_1561 = arith.constant 0 : i32
          %eq3A_1562 = vector.broadcast %eq3A_1561 : i32 to vector<16xi32>
          %eq3A_1563 = arith.cmpi eq, %get3A_1560, %eq3A_1562 : vector<16xi32>
          %ne3A_1564 = arith.constant 9 : i32
          %ne3A_1565 = vector.broadcast %ne3A_1564 : i32 to vector<16xi32>
          %ne3A_1566 = arith.cmpi ne, %get3A_1557, %ne3A_1565 : vector<16xi32>
          %and3A_1567 = arith.andi %eq3A_1563, %ne3A_1566 : vector<16xi1>
          %add3A_1568 = arith.constant 1 : i32
          %add3A_1569 = arith.addi %mul3A_452, %add3A_1568 : i32
          %get3A_1570 = arith.constant 0 : index
          %get3A_1571 = tpu.vector_load %arg11[%get3A_1570] {strides = array<i32>} : memref<16xi32, #tpu.memory_space<vmem>>, vector<16xi32>,
          %get3A_1572 = vector.shape_cast %get3A_1571 : vector<16xi32> to vector<16xi32>
          %broadcast_in_dim3A_1573 = vector.broadcast %add3A_1569 : i32 to vector<16xi32>
          %select_n3A_1574 = arith.select %and3A_1567, %broadcast_in_dim3A_1573, %get3A_1572 : vector<16xi1>, vector<16xi32>
          %swap3A_1575 = arith.constant 0 : index
          %swap3A_1576 = tpu.vector_load %arg11[%swap3A_1575] {strides = array<i32>} : memref<16xi32, #tpu.memory_space<vmem>>, vector<16xi32>,
          %swap3A_1577 = vector.shape_cast %swap3A_1576 : vector<16xi32> to vector<16xi32>
          %swap3A_1578 = vector.shape_cast %select_n3A_1574 : vector<16xi32> to vector<16xi32>
          tpu.vector_store %arg11[%swap3A_1575], %swap3A_1578 {strides = array<i32>} : memref<16xi32, #tpu.memory_space<vmem>>, vector<16xi32>,
          %get3A_1579 = arith.constant 0 : index
          %get3A_1580 = tpu.vector_load %arg12[%get3A_1579] {strides = array<i32>} : memref<16xi32, #tpu.memory_space<vmem>>, vector<16xi32>,
          %get3A_1581 = vector.shape_cast %get3A_1580 : vector<16xi32> to vector<16xi32>
          %select_n3A_1582 = arith.select %and3A_1567, %get3A_1557, %get3A_1581 : vector<16xi1>, vector<16xi32>
          %swap3A_1583 = arith.constant 0 : index
          %swap3A_1584 = tpu.vector_load %arg12[%swap3A_1583] {strides = array<i32>} : memref<16xi32, #tpu.memory_space<vmem>>, vector<16xi32>,
          %swap3A_1585 = vector.shape_cast %swap3A_1584 : vector<16xi32> to vector<16xi32>
          %swap3A_1586 = vector.shape_cast %select_n3A_1582 : vector<16xi32> to vector<16xi32>
          tpu.vector_store %arg12[%swap3A_1583], %swap3A_1586 {strides = array<i32>} : memref<16xi32, #tpu.memory_space<vmem>>, vector<16xi32>,
          %jit3A_1587 = arith.constant 1 : i32
          %broadcast_in_dim3A_1588 = vector.broadcast %jit3A_1587 : i32 to vector<16xi32>
          %select_n3A_1589 = arith.select %and3A_1567, %broadcast_in_dim3A_1588, %get3A_1560 : vector<16xi1>, vector<16xi32>
          %swap3A_1590 = arith.constant 0 : index
          %swap3A_1591 = tpu.vector_load %arg10[%swap3A_1590] {strides = array<i32>} : memref<16xi32, #tpu.memory_space<vmem>>, vector<16xi32>,
          %swap3A_1592 = vector.shape_cast %swap3A_1591 : vector<16xi32> to vector<16xi32>
          %swap3A_1593 = vector.shape_cast %select_n3A_1589 : vector<16xi32> to vector<16xi32>
          tpu.vector_store %arg10[%swap3A_1590], %swap3A_1593 {strides = array<i32>} : memref<16xi32, #tpu.memory_space<vmem>>, vector<16xi32>,
          %get3A_1594 = arith.constant 2 : i32
          %get3A_1595 = arith.index_cast %get3A_1594 : i32 to index
          %get3A_1596 = arith.constant 0 : index
          %get3A_1597 = tpu.vector_load %arg7[%get3A_1595, %get3A_1596] {strides = array<i32>} : memref<8x16xi32, #tpu.memory_space<vmem>>, vector<1x16xi32>,
          %get3A_1598 = vector.shape_cast %get3A_1597 : vector<1x16xi32> to vector<16xi32>
          %get3A_1599 = arith.constant 0 : index
          %get3A_1600 = tpu.vector_load %arg10[%get3A_1599] {strides = array<i32>} : memref<16xi32, #tpu.memory_space<vmem>>, vector<16xi32>,
          %get3A_1601 = vector.shape_cast %get3A_1600 : vector<16xi32> to vector<16xi32>
          %eq3A_1602 = arith.constant 0 : i32
          %eq3A_1603 = vector.broadcast %eq3A_1602 : i32 to vector<16xi32>
          %eq3A_1604 = arith.cmpi eq, %get3A_1601, %eq3A_1603 : vector<16xi32>
          %ne3A_1605 = arith.constant 9 : i32
          %ne3A_1606 = vector.broadcast %ne3A_1605 : i32 to vector<16xi32>
          %ne3A_1607 = arith.cmpi ne, %get3A_1598, %ne3A_1606 : vector<16xi32>
          %and3A_1608 = arith.andi %eq3A_1604, %ne3A_1607 : vector<16xi1>
          %add3A_1609 = arith.constant 2 : i32
          %add3A_1610 = arith.addi %mul3A_452, %add3A_1609 : i32
          %get3A_1611 = arith.constant 0 : index
          %get3A_1612 = tpu.vector_load %arg11[%get3A_1611] {strides = array<i32>} : memref<16xi32, #tpu.memory_space<vmem>>, vector<16xi32>,
          %get3A_1613 = vector.shape_cast %get3A_1612 : vector<16xi32> to vector<16xi32>
          %broadcast_in_dim3A_1614 = vector.broadcast %add3A_1610 : i32 to vector<16xi32>
          %select_n3A_1615 = arith.select %and3A_1608, %broadcast_in_dim3A_1614, %get3A_1613 : vector<16xi1>, vector<16xi32>
          %swap3A_1616 = arith.constant 0 : index
          %swap3A_1617 = tpu.vector_load %arg11[%swap3A_1616] {strides = array<i32>} : memref<16xi32, #tpu.memory_space<vmem>>, vector<16xi32>,
          %swap3A_1618 = vector.shape_cast %swap3A_1617 : vector<16xi32> to vector<16xi32>
          %swap3A_1619 = vector.shape_cast %select_n3A_1615 : vector<16xi32> to vector<16xi32>
          tpu.vector_store %arg11[%swap3A_1616], %swap3A_1619 {strides = array<i32>} : memref<16xi32, #tpu.memory_space<vmem>>, vector<16xi32>,
          %get3A_1620 = arith.constant 0 : index
          %get3A_1621 = tpu.vector_load %arg12[%get3A_1620] {strides = array<i32>} : memref<16xi32, #tpu.memory_space<vmem>>, vector<16xi32>,
          %get3A_1622 = vector.shape_cast %get3A_1621 : vector<16xi32> to vector<16xi32>
          %select_n3A_1623 = arith.select %and3A_1608, %get3A_1598, %get3A_1622 : vector<16xi1>, vector<16xi32>
          %swap3A_1624 = arith.constant 0 : index
          %swap3A_1625 = tpu.vector_load %arg12[%swap3A_1624] {strides = array<i32>} : memref<16xi32, #tpu.memory_space<vmem>>, vector<16xi32>,
          %swap3A_1626 = vector.shape_cast %swap3A_1625 : vector<16xi32> to vector<16xi32>
          %swap3A_1627 = vector.shape_cast %select_n3A_1623 : vector<16xi32> to vector<16xi32>
          tpu.vector_store %arg12[%swap3A_1624], %swap3A_1627 {strides = array<i32>} : memref<16xi32, #tpu.memory_space<vmem>>, vector<16xi32>,
          %jit3A_1628 = arith.constant 1 : i32
          %broadcast_in_dim3A_1629 = vector.broadcast %jit3A_1628 : i32 to vector<16xi32>
          %select_n3A_1630 = arith.select %and3A_1608, %broadcast_in_dim3A_1629, %get3A_1601 : vector<16xi1>, vector<16xi32>
          %swap3A_1631 = arith.constant 0 : index
          %swap3A_1632 = tpu.vector_load %arg10[%swap3A_1631] {strides = array<i32>} : memref<16xi32, #tpu.memory_space<vmem>>, vector<16xi32>,
          %swap3A_1633 = vector.shape_cast %swap3A_1632 : vector<16xi32> to vector<16xi32>
          %swap3A_1634 = vector.shape_cast %select_n3A_1630 : vector<16xi32> to vector<16xi32>
          tpu.vector_store %arg10[%swap3A_1631], %swap3A_1634 {strides = array<i32>} : memref<16xi32, #tpu.memory_space<vmem>>, vector<16xi32>,
          %get3A_1635 = arith.constant 3 : i32
          %get3A_1636 = arith.index_cast %get3A_1635 : i32 to index
          %get3A_1637 = arith.constant 0 : index
          %get3A_1638 = tpu.vector_load %arg7[%get3A_1636, %get3A_1637] {strides = array<i32>} : memref<8x16xi32, #tpu.memory_space<vmem>>, vector<1x16xi32>,
          %get3A_1639 = vector.shape_cast %get3A_1638 : vector<1x16xi32> to vector<16xi32>
          %get3A_1640 = arith.constant 0 : index
          %get3A_1641 = tpu.vector_load %arg10[%get3A_1640] {strides = array<i32>} : memref<16xi32, #tpu.memory_space<vmem>>, vector<16xi32>,
          %get3A_1642 = vector.shape_cast %get3A_1641 : vector<16xi32> to vector<16xi32>
          %eq3A_1643 = arith.constant 0 : i32
          %eq3A_1644 = vector.broadcast %eq3A_1643 : i32 to vector<16xi32>
          %eq3A_1645 = arith.cmpi eq, %get3A_1642, %eq3A_1644 : vector<16xi32>
          %ne3A_1646 = arith.constant 9 : i32
          %ne3A_1647 = vector.broadcast %ne3A_1646 : i32 to vector<16xi32>
          %ne3A_1648 = arith.cmpi ne, %get3A_1639, %ne3A_1647 : vector<16xi32>
          %and3A_1649 = arith.andi %eq3A_1645, %ne3A_1648 : vector<16xi1>
          %add3A_1650 = arith.constant 3 : i32
          %add3A_1651 = arith.addi %mul3A_452, %add3A_1650 : i32
          %get3A_1652 = arith.constant 0 : index
          %get3A_1653 = tpu.vector_load %arg11[%get3A_1652] {strides = array<i32>} : memref<16xi32, #tpu.memory_space<vmem>>, vector<16xi32>,
          %get3A_1654 = vector.shape_cast %get3A_1653 : vector<16xi32> to vector<16xi32>
          %broadcast_in_dim3A_1655 = vector.broadcast %add3A_1651 : i32 to vector<16xi32>
          %select_n3A_1656 = arith.select %and3A_1649, %broadcast_in_dim3A_1655, %get3A_1654 : vector<16xi1>, vector<16xi32>
          %swap3A_1657 = arith.constant 0 : index
          %swap3A_1658 = tpu.vector_load %arg11[%swap3A_1657] {strides = array<i32>} : memref<16xi32, #tpu.memory_space<vmem>>, vector<16xi32>,
          %swap3A_1659 = vector.shape_cast %swap3A_1658 : vector<16xi32> to vector<16xi32>
          %swap3A_1660 = vector.shape_cast %select_n3A_1656 : vector<16xi32> to vector<16xi32>
          tpu.vector_store %arg11[%swap3A_1657], %swap3A_1660 {strides = array<i32>} : memref<16xi32, #tpu.memory_space<vmem>>, vector<16xi32>,
          %get3A_1661 = arith.constant 0 : index
          %get3A_1662 = tpu.vector_load %arg12[%get3A_1661] {strides = array<i32>} : memref<16xi32, #tpu.memory_space<vmem>>, vector<16xi32>,
          %get3A_1663 = vector.shape_cast %get3A_1662 : vector<16xi32> to vector<16xi32>
          %select_n3A_1664 = arith.select %and3A_1649, %get3A_1639, %get3A_1663 : vector<16xi1>, vector<16xi32>
          %swap3A_1665 = arith.constant 0 : index
          %swap3A_1666 = tpu.vector_load %arg12[%swap3A_1665] {strides = array<i32>} : memref<16xi32, #tpu.memory_space<vmem>>, vector<16xi32>,
          %swap3A_1667 = vector.shape_cast %swap3A_1666 : vector<16xi32> to vector<16xi32>
          %swap3A_1668 = vector.shape_cast %select_n3A_1664 : vector<16xi32> to vector<16xi32>
          tpu.vector_store %arg12[%swap3A_1665], %swap3A_1668 {strides = array<i32>} : memref<16xi32, #tpu.memory_space<vmem>>, vector<16xi32>,
          %jit3A_1669 = arith.constant 1 : i32
          %broadcast_in_dim3A_1670 = vector.broadcast %jit3A_1669 : i32 to vector<16xi32>
          %select_n3A_1671 = arith.select %and3A_1649, %broadcast_in_dim3A_1670, %get3A_1642 : vector<16xi1>, vector<16xi32>
          %swap3A_1672 = arith.constant 0 : index
          %swap3A_1673 = tpu.vector_load %arg10[%swap3A_1672] {strides = array<i32>} : memref<16xi32, #tpu.memory_space<vmem>>, vector<16xi32>,
          %swap3A_1674 = vector.shape_cast %swap3A_1673 : vector<16xi32> to vector<16xi32>
          %swap3A_1675 = vector.shape_cast %select_n3A_1671 : vector<16xi32> to vector<16xi32>
          tpu.vector_store %arg10[%swap3A_1672], %swap3A_1675 {strides = array<i32>} : memref<16xi32, #tpu.memory_space<vmem>>, vector<16xi32>,
          %get3A_1676 = arith.constant 4 : i32
          %get3A_1677 = arith.index_cast %get3A_1676 : i32 to index
          %get3A_1678 = arith.constant 0 : index
          %get3A_1679 = tpu.vector_load %arg7[%get3A_1677, %get3A_1678] {strides = array<i32>} : memref<8x16xi32, #tpu.memory_space<vmem>>, vector<1x16xi32>,
          %get3A_1680 = vector.shape_cast %get3A_1679 : vector<1x16xi32> to vector<16xi32>
          %get3A_1681 = arith.constant 0 : index
          %get3A_1682 = tpu.vector_load %arg10[%get3A_1681] {strides = array<i32>} : memref<16xi32, #tpu.memory_space<vmem>>, vector<16xi32>,
          %get3A_1683 = vector.shape_cast %get3A_1682 : vector<16xi32> to vector<16xi32>
          %eq3A_1684 = arith.constant 0 : i32
          %eq3A_1685 = vector.broadcast %eq3A_1684 : i32 to vector<16xi32>
          %eq3A_1686 = arith.cmpi eq, %get3A_1683, %eq3A_1685 : vector<16xi32>
          %ne3A_1687 = arith.constant 9 : i32
          %ne3A_1688 = vector.broadcast %ne3A_1687 : i32 to vector<16xi32>
          %ne3A_1689 = arith.cmpi ne, %get3A_1680, %ne3A_1688 : vector<16xi32>
          %and3A_1690 = arith.andi %eq3A_1686, %ne3A_1689 : vector<16xi1>
          %add3A_1691 = arith.constant 4 : i32
          %add3A_1692 = arith.addi %mul3A_452, %add3A_1691 : i32
          %get3A_1693 = arith.constant 0 : index
          %get3A_1694 = tpu.vector_load %arg11[%get3A_1693] {strides = array<i32>} : memref<16xi32, #tpu.memory_space<vmem>>, vector<16xi32>,
          %get3A_1695 = vector.shape_cast %get3A_1694 : vector<16xi32> to vector<16xi32>
          %broadcast_in_dim3A_1696 = vector.broadcast %add3A_1692 : i32 to vector<16xi32>
          %select_n3A_1697 = arith.select %and3A_1690, %broadcast_in_dim3A_1696, %get3A_1695 : vector<16xi1>, vector<16xi32>
          %swap3A_1698 = arith.constant 0 : index
          %swap3A_1699 = tpu.vector_load %arg11[%swap3A_1698] {strides = array<i32>} : memref<16xi32, #tpu.memory_space<vmem>>, vector<16xi32>,
          %swap3A_1700 = vector.shape_cast %swap3A_1699 : vector<16xi32> to vector<16xi32>
          %swap3A_1701 = vector.shape_cast %select_n3A_1697 : vector<16xi32> to vector<16xi32>
          tpu.vector_store %arg11[%swap3A_1698], %swap3A_1701 {strides = array<i32>} : memref<16xi32, #tpu.memory_space<vmem>>, vector<16xi32>,
          %get3A_1702 = arith.constant 0 : index
          %get3A_1703 = tpu.vector_load %arg12[%get3A_1702] {strides = array<i32>} : memref<16xi32, #tpu.memory_space<vmem>>, vector<16xi32>,
          %get3A_1704 = vector.shape_cast %get3A_1703 : vector<16xi32> to vector<16xi32>
          %select_n3A_1705 = arith.select %and3A_1690, %get3A_1680, %get3A_1704 : vector<16xi1>, vector<16xi32>
          %swap3A_1706 = arith.constant 0 : index
          %swap3A_1707 = tpu.vector_load %arg12[%swap3A_1706] {strides = array<i32>} : memref<16xi32, #tpu.memory_space<vmem>>, vector<16xi32>,
          %swap3A_1708 = vector.shape_cast %swap3A_1707 : vector<16xi32> to vector<16xi32>
          %swap3A_1709 = vector.shape_cast %select_n3A_1705 : vector<16xi32> to vector<16xi32>
          tpu.vector_store %arg12[%swap3A_1706], %swap3A_1709 {strides = array<i32>} : memref<16xi32, #tpu.memory_space<vmem>>, vector<16xi32>,
          %jit3A_1710 = arith.constant 1 : i32
          %broadcast_in_dim3A_1711 = vector.broadcast %jit3A_1710 : i32 to vector<16xi32>
          %select_n3A_1712 = arith.select %and3A_1690, %broadcast_in_dim3A_1711, %get3A_1683 : vector<16xi1>, vector<16xi32>
          %swap3A_1713 = arith.constant 0 : index
          %swap3A_1714 = tpu.vector_load %arg10[%swap3A_1713] {strides = array<i32>} : memref<16xi32, #tpu.memory_space<vmem>>, vector<16xi32>,
          %swap3A_1715 = vector.shape_cast %swap3A_1714 : vector<16xi32> to vector<16xi32>
          %swap3A_1716 = vector.shape_cast %select_n3A_1712 : vector<16xi32> to vector<16xi32>
          tpu.vector_store %arg10[%swap3A_1713], %swap3A_1716 {strides = array<i32>} : memref<16xi32, #tpu.memory_space<vmem>>, vector<16xi32>,
          %get3A_1717 = arith.constant 5 : i32
          %get3A_1718 = arith.index_cast %get3A_1717 : i32 to index
          %get3A_1719 = arith.constant 0 : index
          %get3A_1720 = tpu.vector_load %arg7[%get3A_1718, %get3A_1719] {strides = array<i32>} : memref<8x16xi32, #tpu.memory_space<vmem>>, vector<1x16xi32>,
          %get3A_1721 = vector.shape_cast %get3A_1720 : vector<1x16xi32> to vector<16xi32>
          %get3A_1722 = arith.constant 0 : index
          %get3A_1723 = tpu.vector_load %arg10[%get3A_1722] {strides = array<i32>} : memref<16xi32, #tpu.memory_space<vmem>>, vector<16xi32>,
          %get3A_1724 = vector.shape_cast %get3A_1723 : vector<16xi32> to vector<16xi32>
          %eq3A_1725 = arith.constant 0 : i32
          %eq3A_1726 = vector.broadcast %eq3A_1725 : i32 to vector<16xi32>
          %eq3A_1727 = arith.cmpi eq, %get3A_1724, %eq3A_1726 : vector<16xi32>
          %ne3A_1728 = arith.constant 9 : i32
          %ne3A_1729 = vector.broadcast %ne3A_1728 : i32 to vector<16xi32>
          %ne3A_1730 = arith.cmpi ne, %get3A_1721, %ne3A_1729 : vector<16xi32>
          %and3A_1731 = arith.andi %eq3A_1727, %ne3A_1730 : vector<16xi1>
          %add3A_1732 = arith.constant 5 : i32
          %add3A_1733 = arith.addi %mul3A_452, %add3A_1732 : i32
          %get3A_1734 = arith.constant 0 : index
          %get3A_1735 = tpu.vector_load %arg11[%get3A_1734] {strides = array<i32>} : memref<16xi32, #tpu.memory_space<vmem>>, vector<16xi32>,
          %get3A_1736 = vector.shape_cast %get3A_1735 : vector<16xi32> to vector<16xi32>
          %broadcast_in_dim3A_1737 = vector.broadcast %add3A_1733 : i32 to vector<16xi32>
          %select_n3A_1738 = arith.select %and3A_1731, %broadcast_in_dim3A_1737, %get3A_1736 : vector<16xi1>, vector<16xi32>
          %swap3A_1739 = arith.constant 0 : index
          %swap3A_1740 = tpu.vector_load %arg11[%swap3A_1739] {strides = array<i32>} : memref<16xi32, #tpu.memory_space<vmem>>, vector<16xi32>,
          %swap3A_1741 = vector.shape_cast %swap3A_1740 : vector<16xi32> to vector<16xi32>
          %swap3A_1742 = vector.shape_cast %select_n3A_1738 : vector<16xi32> to vector<16xi32>
          tpu.vector_store %arg11[%swap3A_1739], %swap3A_1742 {strides = array<i32>} : memref<16xi32, #tpu.memory_space<vmem>>, vector<16xi32>,
          %get3A_1743 = arith.constant 0 : index
          %get3A_1744 = tpu.vector_load %arg12[%get3A_1743] {strides = array<i32>} : memref<16xi32, #tpu.memory_space<vmem>>, vector<16xi32>,
          %get3A_1745 = vector.shape_cast %get3A_1744 : vector<16xi32> to vector<16xi32>
          %select_n3A_1746 = arith.select %and3A_1731, %get3A_1721, %get3A_1745 : vector<16xi1>, vector<16xi32>
          %swap3A_1747 = arith.constant 0 : index
          %swap3A_1748 = tpu.vector_load %arg12[%swap3A_1747] {strides = array<i32>} : memref<16xi32, #tpu.memory_space<vmem>>, vector<16xi32>,
          %swap3A_1749 = vector.shape_cast %swap3A_1748 : vector<16xi32> to vector<16xi32>
          %swap3A_1750 = vector.shape_cast %select_n3A_1746 : vector<16xi32> to vector<16xi32>
          tpu.vector_store %arg12[%swap3A_1747], %swap3A_1750 {strides = array<i32>} : memref<16xi32, #tpu.memory_space<vmem>>, vector<16xi32>,
          %jit3A_1751 = arith.constant 1 : i32
          %broadcast_in_dim3A_1752 = vector.broadcast %jit3A_1751 : i32 to vector<16xi32>
          %select_n3A_1753 = arith.select %and3A_1731, %broadcast_in_dim3A_1752, %get3A_1724 : vector<16xi1>, vector<16xi32>
          %swap3A_1754 = arith.constant 0 : index
          %swap3A_1755 = tpu.vector_load %arg10[%swap3A_1754] {strides = array<i32>} : memref<16xi32, #tpu.memory_space<vmem>>, vector<16xi32>,
          %swap3A_1756 = vector.shape_cast %swap3A_1755 : vector<16xi32> to vector<16xi32>
          %swap3A_1757 = vector.shape_cast %select_n3A_1753 : vector<16xi32> to vector<16xi32>
          tpu.vector_store %arg10[%swap3A_1754], %swap3A_1757 {strides = array<i32>} : memref<16xi32, #tpu.memory_space<vmem>>, vector<16xi32>,
          %get3A_1758 = arith.constant 6 : i32
          %get3A_1759 = arith.index_cast %get3A_1758 : i32 to index
          %get3A_1760 = arith.constant 0 : index
          %get3A_1761 = tpu.vector_load %arg7[%get3A_1759, %get3A_1760] {strides = array<i32>} : memref<8x16xi32, #tpu.memory_space<vmem>>, vector<1x16xi32>,
          %get3A_1762 = vector.shape_cast %get3A_1761 : vector<1x16xi32> to vector<16xi32>
          %get3A_1763 = arith.constant 0 : index
          %get3A_1764 = tpu.vector_load %arg10[%get3A_1763] {strides = array<i32>} : memref<16xi32, #tpu.memory_space<vmem>>, vector<16xi32>,
          %get3A_1765 = vector.shape_cast %get3A_1764 : vector<16xi32> to vector<16xi32>
          %eq3A_1766 = arith.constant 0 : i32
          %eq3A_1767 = vector.broadcast %eq3A_1766 : i32 to vector<16xi32>
          %eq3A_1768 = arith.cmpi eq, %get3A_1765, %eq3A_1767 : vector<16xi32>
          %ne3A_1769 = arith.constant 9 : i32
          %ne3A_1770 = vector.broadcast %ne3A_1769 : i32 to vector<16xi32>
          %ne3A_1771 = arith.cmpi ne, %get3A_1762, %ne3A_1770 : vector<16xi32>
          %and3A_1772 = arith.andi %eq3A_1768, %ne3A_1771 : vector<16xi1>
          %add3A_1773 = arith.constant 6 : i32
          %add3A_1774 = arith.addi %mul3A_452, %add3A_1773 : i32
          %get3A_1775 = arith.constant 0 : index
          %get3A_1776 = tpu.vector_load %arg11[%get3A_1775] {strides = array<i32>} : memref<16xi32, #tpu.memory_space<vmem>>, vector<16xi32>,
          %get3A_1777 = vector.shape_cast %get3A_1776 : vector<16xi32> to vector<16xi32>
          %broadcast_in_dim3A_1778 = vector.broadcast %add3A_1774 : i32 to vector<16xi32>
          %select_n3A_1779 = arith.select %and3A_1772, %broadcast_in_dim3A_1778, %get3A_1777 : vector<16xi1>, vector<16xi32>
          %swap3A_1780 = arith.constant 0 : index
          %swap3A_1781 = tpu.vector_load %arg11[%swap3A_1780] {strides = array<i32>} : memref<16xi32, #tpu.memory_space<vmem>>, vector<16xi32>,
          %swap3A_1782 = vector.shape_cast %swap3A_1781 : vector<16xi32> to vector<16xi32>
          %swap3A_1783 = vector.shape_cast %select_n3A_1779 : vector<16xi32> to vector<16xi32>
          tpu.vector_store %arg11[%swap3A_1780], %swap3A_1783 {strides = array<i32>} : memref<16xi32, #tpu.memory_space<vmem>>, vector<16xi32>,
          %get3A_1784 = arith.constant 0 : index
          %get3A_1785 = tpu.vector_load %arg12[%get3A_1784] {strides = array<i32>} : memref<16xi32, #tpu.memory_space<vmem>>, vector<16xi32>,
          %get3A_1786 = vector.shape_cast %get3A_1785 : vector<16xi32> to vector<16xi32>
          %select_n3A_1787 = arith.select %and3A_1772, %get3A_1762, %get3A_1786 : vector<16xi1>, vector<16xi32>
          %swap3A_1788 = arith.constant 0 : index
          %swap3A_1789 = tpu.vector_load %arg12[%swap3A_1788] {strides = array<i32>} : memref<16xi32, #tpu.memory_space<vmem>>, vector<16xi32>,
          %swap3A_1790 = vector.shape_cast %swap3A_1789 : vector<16xi32> to vector<16xi32>
          %swap3A_1791 = vector.shape_cast %select_n3A_1787 : vector<16xi32> to vector<16xi32>
          tpu.vector_store %arg12[%swap3A_1788], %swap3A_1791 {strides = array<i32>} : memref<16xi32, #tpu.memory_space<vmem>>, vector<16xi32>,
          %jit3A_1792 = arith.constant 1 : i32
          %broadcast_in_dim3A_1793 = vector.broadcast %jit3A_1792 : i32 to vector<16xi32>
          %select_n3A_1794 = arith.select %and3A_1772, %broadcast_in_dim3A_1793, %get3A_1765 : vector<16xi1>, vector<16xi32>
          %swap3A_1795 = arith.constant 0 : index
          %swap3A_1796 = tpu.vector_load %arg10[%swap3A_1795] {strides = array<i32>} : memref<16xi32, #tpu.memory_space<vmem>>, vector<16xi32>,
          %swap3A_1797 = vector.shape_cast %swap3A_1796 : vector<16xi32> to vector<16xi32>
          %swap3A_1798 = vector.shape_cast %select_n3A_1794 : vector<16xi32> to vector<16xi32>
          tpu.vector_store %arg10[%swap3A_1795], %swap3A_1798 {strides = array<i32>} : memref<16xi32, #tpu.memory_space<vmem>>, vector<16xi32>,
          %get3A_1799 = arith.constant 7 : i32
          %get3A_1800 = arith.index_cast %get3A_1799 : i32 to index
          %get3A_1801 = arith.constant 0 : index
          %get3A_1802 = tpu.vector_load %arg7[%get3A_1800, %get3A_1801] {strides = array<i32>} : memref<8x16xi32, #tpu.memory_space<vmem>>, vector<1x16xi32>,
          %get3A_1803 = vector.shape_cast %get3A_1802 : vector<1x16xi32> to vector<16xi32>
          %get3A_1804 = arith.constant 0 : index
          %get3A_1805 = tpu.vector_load %arg10[%get3A_1804] {strides = array<i32>} : memref<16xi32, #tpu.memory_space<vmem>>, vector<16xi32>,
          %get3A_1806 = vector.shape_cast %get3A_1805 : vector<16xi32> to vector<16xi32>
          %eq3A_1807 = arith.constant 0 : i32
          %eq3A_1808 = vector.broadcast %eq3A_1807 : i32 to vector<16xi32>
          %eq3A_1809 = arith.cmpi eq, %get3A_1806, %eq3A_1808 : vector<16xi32>
          %ne3A_1810 = arith.constant 9 : i32
          %ne3A_1811 = vector.broadcast %ne3A_1810 : i32 to vector<16xi32>
          %ne3A_1812 = arith.cmpi ne, %get3A_1803, %ne3A_1811 : vector<16xi32>
          %and3A_1813 = arith.andi %eq3A_1809, %ne3A_1812 : vector<16xi1>
          %add3A_1814 = arith.constant 7 : i32
          %add3A_1815 = arith.addi %mul3A_452, %add3A_1814 : i32
          %get3A_1816 = arith.constant 0 : index
          %get3A_1817 = tpu.vector_load %arg11[%get3A_1816] {strides = array<i32>} : memref<16xi32, #tpu.memory_space<vmem>>, vector<16xi32>,
          %get3A_1818 = vector.shape_cast %get3A_1817 : vector<16xi32> to vector<16xi32>
          %broadcast_in_dim3A_1819 = vector.broadcast %add3A_1815 : i32 to vector<16xi32>
          %select_n3A_1820 = arith.select %and3A_1813, %broadcast_in_dim3A_1819, %get3A_1818 : vector<16xi1>, vector<16xi32>
          %swap3A_1821 = arith.constant 0 : index
          %swap3A_1822 = tpu.vector_load %arg11[%swap3A_1821] {strides = array<i32>} : memref<16xi32, #tpu.memory_space<vmem>>, vector<16xi32>,
          %swap3A_1823 = vector.shape_cast %swap3A_1822 : vector<16xi32> to vector<16xi32>
          %swap3A_1824 = vector.shape_cast %select_n3A_1820 : vector<16xi32> to vector<16xi32>
          tpu.vector_store %arg11[%swap3A_1821], %swap3A_1824 {strides = array<i32>} : memref<16xi32, #tpu.memory_space<vmem>>, vector<16xi32>,
          %get3A_1825 = arith.constant 0 : index
          %get3A_1826 = tpu.vector_load %arg12[%get3A_1825] {strides = array<i32>} : memref<16xi32, #tpu.memory_space<vmem>>, vector<16xi32>,
          %get3A_1827 = vector.shape_cast %get3A_1826 : vector<16xi32> to vector<16xi32>
          %select_n3A_1828 = arith.select %and3A_1813, %get3A_1803, %get3A_1827 : vector<16xi1>, vector<16xi32>
          %swap3A_1829 = arith.constant 0 : index
          %swap3A_1830 = tpu.vector_load %arg12[%swap3A_1829] {strides = array<i32>} : memref<16xi32, #tpu.memory_space<vmem>>, vector<16xi32>,
          %swap3A_1831 = vector.shape_cast %swap3A_1830 : vector<16xi32> to vector<16xi32>
          %swap3A_1832 = vector.shape_cast %select_n3A_1828 : vector<16xi32> to vector<16xi32>
          tpu.vector_store %arg12[%swap3A_1829], %swap3A_1832 {strides = array<i32>} : memref<16xi32, #tpu.memory_space<vmem>>, vector<16xi32>,
          %jit3A_1833 = arith.constant 1 : i32
          %broadcast_in_dim3A_1834 = vector.broadcast %jit3A_1833 : i32 to vector<16xi32>
          %select_n3A_1835 = arith.select %and3A_1813, %broadcast_in_dim3A_1834, %get3A_1806 : vector<16xi1>, vector<16xi32>
          %swap3A_1836 = arith.constant 0 : index
          %swap3A_1837 = tpu.vector_load %arg10[%swap3A_1836] {strides = array<i32>} : memref<16xi32, #tpu.memory_space<vmem>>, vector<16xi32>,
          %swap3A_1838 = vector.shape_cast %swap3A_1837 : vector<16xi32> to vector<16xi32>
          %swap3A_1839 = vector.shape_cast %select_n3A_1835 : vector<16xi32> to vector<16xi32>
          tpu.vector_store %arg10[%swap3A_1836], %swap3A_1839 {strides = array<i32>} : memref<16xi32, #tpu.memory_space<vmem>>, vector<16xi32>,
          %get3A_1840 = arith.constant 0 : index
          %get3A_1841 = tpu.vector_load %arg10[%get3A_1840] {strides = array<i32>} : memref<16xi32, #tpu.memory_space<vmem>>, vector<16xi32>,
          %get3A_1842 = vector.shape_cast %get3A_1841 : vector<16xi32> to vector<16xi32>
          %slice3A = vector.extract_strided_slice %get3A_1842 {offsets = [0], sizes = [1], strides = [1]} : vector<16xi32> to vector<1xi32>
          %squeeze3A = vector.extract %slice3A[0] : i32 from vector<1xi32>
          %slice3A_1843 = vector.extract_strided_slice %get3A_1842 {offsets = [1], sizes = [1], strides = [1]} : vector<16xi32> to vector<1xi32>
          %squeeze3A_1844 = vector.extract %slice3A_1843[0] : i32 from vector<1xi32>
          %add3A_1845 = arith.addi %squeeze3A, %squeeze3A_1844 : i32
          %slice3A_1846 = vector.extract_strided_slice %get3A_1842 {offsets = [2], sizes = [1], strides = [1]} : vector<16xi32> to vector<1xi32>
          %squeeze3A_1847 = vector.extract %slice3A_1846[0] : i32 from vector<1xi32>
          %add3A_1848 = arith.addi %add3A_1845, %squeeze3A_1847 : i32
          %slice3A_1849 = vector.extract_strided_slice %get3A_1842 {offsets = [3], sizes = [1], strides = [1]} : vector<16xi32> to vector<1xi32>
          %squeeze3A_1850 = vector.extract %slice3A_1849[0] : i32 from vector<1xi32>
          %add3A_1851 = arith.addi %add3A_1848, %squeeze3A_1850 : i32
          %slice3A_1852 = vector.extract_strided_slice %get3A_1842 {offsets = [4], sizes = [1], strides = [1]} : vector<16xi32> to vector<1xi32>
          %squeeze3A_1853 = vector.extract %slice3A_1852[0] : i32 from vector<1xi32>
          %add3A_1854 = arith.addi %add3A_1851, %squeeze3A_1853 : i32
          %slice3A_1855 = vector.extract_strided_slice %get3A_1842 {offsets = [5], sizes = [1], strides = [1]} : vector<16xi32> to vector<1xi32>
          %squeeze3A_1856 = vector.extract %slice3A_1855[0] : i32 from vector<1xi32>
          %add3A_1857 = arith.addi %add3A_1854, %squeeze3A_1856 : i32
          %slice3A_1858 = vector.extract_strided_slice %get3A_1842 {offsets = [6], sizes = [1], strides = [1]} : vector<16xi32> to vector<1xi32>
          %squeeze3A_1859 = vector.extract %slice3A_1858[0] : i32 from vector<1xi32>
          %add3A_1860 = arith.addi %add3A_1857, %squeeze3A_1859 : i32
          %slice3A_1861 = vector.extract_strided_slice %get3A_1842 {offsets = [7], sizes = [1], strides = [1]} : vector<16xi32> to vector<1xi32>
          %squeeze3A_1862 = vector.extract %slice3A_1861[0] : i32 from vector<1xi32>
          %add3A_1863 = arith.addi %add3A_1860, %squeeze3A_1862 : i32
          %slice3A_1864 = vector.extract_strided_slice %get3A_1842 {offsets = [8], sizes = [1], strides = [1]} : vector<16xi32> to vector<1xi32>
          %squeeze3A_1865 = vector.extract %slice3A_1864[0] : i32 from vector<1xi32>
          %add3A_1866 = arith.addi %add3A_1863, %squeeze3A_1865 : i32
          %slice3A_1867 = vector.extract_strided_slice %get3A_1842 {offsets = [9], sizes = [1], strides = [1]} : vector<16xi32> to vector<1xi32>
          %squeeze3A_1868 = vector.extract %slice3A_1867[0] : i32 from vector<1xi32>
          %add3A_1869 = arith.addi %add3A_1866, %squeeze3A_1868 : i32
          %slice3A_1870 = vector.extract_strided_slice %get3A_1842 {offsets = [10], sizes = [1], strides = [1]} : vector<16xi32> to vector<1xi32>
          %squeeze3A_1871 = vector.extract %slice3A_1870[0] : i32 from vector<1xi32>
          %add3A_1872 = arith.addi %add3A_1869, %squeeze3A_1871 : i32
          %slice3A_1873 = vector.extract_strided_slice %get3A_1842 {offsets = [11], sizes = [1], strides = [1]} : vector<16xi32> to vector<1xi32>
          %squeeze3A_1874 = vector.extract %slice3A_1873[0] : i32 from vector<1xi32>
          %add3A_1875 = arith.addi %add3A_1872, %squeeze3A_1874 : i32
          %slice3A_1876 = vector.extract_strided_slice %get3A_1842 {offsets = [12], sizes = [1], strides = [1]} : vector<16xi32> to vector<1xi32>
          %squeeze3A_1877 = vector.extract %slice3A_1876[0] : i32 from vector<1xi32>
          %add3A_1878 = arith.addi %add3A_1875, %squeeze3A_1877 : i32
          %slice3A_1879 = vector.extract_strided_slice %get3A_1842 {offsets = [13], sizes = [1], strides = [1]} : vector<16xi32> to vector<1xi32>
          %squeeze3A_1880 = vector.extract %slice3A_1879[0] : i32 from vector<1xi32>
          %add3A_1881 = arith.addi %add3A_1878, %squeeze3A_1880 : i32
          %slice3A_1882 = vector.extract_strided_slice %get3A_1842 {offsets = [14], sizes = [1], strides = [1]} : vector<16xi32> to vector<1xi32>
          %squeeze3A_1883 = vector.extract %slice3A_1882[0] : i32 from vector<1xi32>
          %add3A_1884 = arith.addi %add3A_1881, %squeeze3A_1883 : i32
          %slice3A_1885 = vector.extract_strided_slice %get3A_1842 {offsets = [15], sizes = [1], strides = [1]} : vector<16xi32> to vector<1xi32>
          %squeeze3A_1886 = vector.extract %slice3A_1885[0] : i32 from vector<1xi32>
          %add3A_1887 = arith.addi %add3A_1884, %squeeze3A_1886 : i32
          %ge3A = arith.constant 16 : i32
          %ge3A_1888 = arith.cmpi sge, %add3A_1887, %ge3A : i32
          %jit3A_1889 = arith.constant 1 : i32
          %jit3A_1890 = arith.constant 0 : i32
          %select_n3A_1891 = arith.select %ge3A_1888, %jit3A_1889, %jit3A_1890 : i32
          scf.yield %select_n3A_1891 : i32
        } else {
          scf.yield %scan3A_445 : i32
        }
        scf.yield %cond3A_450 : i32
      }
      %scan3A_409 = arith.constant 11 : i32
      %get3A_410 = arith.constant 0 : index
      %get3A_411 = tpu.vector_load %arg10[%get3A_410] {strides = array<i32>} : memref<16xi32, #tpu.memory_space<vmem>>, vector<16xi32>,
      %get3A_412 = vector.shape_cast %get3A_411 : vector<16xi32> to vector<16xi32>
      %get3A_413 = arith.constant 0 : index
      %get3A_414 = tpu.vector_load %arg11[%get3A_413] {strides = array<i32>} : memref<16xi32, #tpu.memory_space<vmem>>, vector<16xi32>,
      %get3A_415 = vector.shape_cast %get3A_414 : vector<16xi32> to vector<16xi32>
      %get3A_416 = arith.constant 0 : index
      %get3A_417 = tpu.vector_load %arg12[%get3A_416] {strides = array<i32>} : memref<16xi32, #tpu.memory_space<vmem>>, vector<16xi32>,
      %get3A_418 = vector.shape_cast %get3A_417 : vector<16xi32> to vector<16xi32>
      %ne3A = arith.constant 0 : i32
      %ne3A_419 = vector.broadcast %ne3A : i32 to vector<16xi32>
      %ne3A_420 = arith.cmpi ne, %get3A_412, %ne3A_419 : vector<16xi32>
      %jit3A = arith.constant 0 : i32
      %broadcast_in_dim3A_421 = vector.broadcast %jit3A : i32 to vector<16xi32>
      %select_n3A = arith.select %ne3A_420, %get3A_415, %broadcast_in_dim3A_421 : vector<16xi1>, vector<16xi32>
      %jit3A_422 = arith.constant 9 : i32
      %broadcast_in_dim3A_423 = vector.broadcast %jit3A_422 : i32 to vector<16xi32>
      %select_n3A_424 = arith.select %ne3A_420, %get3A_418, %broadcast_in_dim3A_423 : vector<16xi1>, vector<16xi32>
      %mul3A_425 = arith.constant 16 : i32
      %mul3A_426 = arith.muli %scan3A_14, %mul3A_425 : i32
      %swap3A_427 = arith.index_cast %mul3A_426 : i32 to index
      %swap3A_428 = tpu.vector_load %arg8[%swap3A_427] {strides = array<i32>} : memref<528xi32, #tpu.memory_space<vmem>>, vector<16xi32>,
      %swap3A_429 = vector.shape_cast %swap3A_428 : vector<16xi32> to vector<16xi32>
      %swap3A_430 = vector.shape_cast %select_n3A_424 : vector<16xi32> to vector<16xi32>
      tpu.vector_store %arg8[%swap3A_427], %swap3A_430 {strides = array<i32>} : memref<528xi32, #tpu.memory_space<vmem>>, vector<16xi32>,
      %convert_element_type3A_431 = arith.sitofp %select_n3A : vector<16xi32> to vector<16xf32>
      %mul3A_432 = arith.constant 5.000000e-01 : f32
      %mul3A_433 = vector.broadcast %mul3A_432 : f32 to vector<16xf32>
      %mul3A_434 = arith.mulf %mul3A_433, %convert_element_type3A_431 : vector<16xf32>
      %add3A_435 = arith.constant 1.000000e+00 : f32
      %add3A_436 = vector.broadcast %add3A_435 : f32 to vector<16xf32>
      %add3A_437 = arith.addf %add3A_436, %mul3A_434 : vector<16xf32>
      %mul3A_438 = arith.constant 16 : i32
      %mul3A_439 = arith.muli %scan3A_14, %mul3A_438 : i32
      %swap3A_440 = arith.index_cast %mul3A_439 : i32 to index
      %swap3A_441 = tpu.vector_load %arg9[%swap3A_440] {strides = array<i32>} : memref<528xf32, #tpu.memory_space<vmem>>, vector<16xf32>,
      %swap3A_442 = vector.shape_cast %swap3A_441 : vector<16xf32> to vector<16xf32>
      %swap3A_443 = vector.shape_cast %add3A_437 : vector<16xf32> to vector<16xf32>
      tpu.vector_store %arg9[%swap3A_440], %swap3A_443 {strides = array<i32>} : memref<528xf32, #tpu.memory_space<vmem>>, vector<16xf32>,
    }
    %scan3A_9 = arith.constant 33 : i32
    %mul3A_10 = arith.constant 528 : i32
    %mul3A_11 = arith.muli %add3A, %mul3A_10 : i32
    "tpu.region"() ({
      %run_scoped3A = tpu.sem_alloc : memref<!tpu.dma_semaphore, #tpu.memory_space<semaphore_mem>>
      %dma_start3A = tpu.memref_slice %arg4[%mul3A_11] : memref<16896xi32, #tpu.memory_space<hbm>> -> memref<528xi32, #tpu.memory_space<hbm>>
      %dma_start3A_14 = tpu.memref_slice %arg4[%mul3A_11] : memref<16896xi32, #tpu.memory_space<hbm>> -> memref<528xi32, #tpu.memory_space<hbm>>
      tpu.enqueue_dma source(%arg8 : memref<528xi32, #tpu.memory_space<vmem>>) target(%dma_start3A_14 : memref<528xi32, #tpu.memory_space<hbm>>) target_semaphore(%run_scoped3A : memref<!tpu.dma_semaphore, #tpu.memory_space<semaphore_mem>>)
      %dma_wait3A = tpu.memref_slice %arg4[%mul3A_11] : memref<16896xi32, #tpu.memory_space<hbm>> -> memref<528xi32, #tpu.memory_space<hbm>>
      %dma_wait3A_15 = tpu.memref_slice %arg4[%mul3A_11] : memref<16896xi32, #tpu.memory_space<hbm>> -> memref<528xi32, #tpu.memory_space<hbm>>
      tpu.wait_dma2 semaphore(%run_scoped3A : memref<!tpu.dma_semaphore, #tpu.memory_space<semaphore_mem>>) src(%arg8 : memref<528xi32, #tpu.memory_space<vmem>>) dst(%dma_wait3A_15 : memref<528xi32, #tpu.memory_space<hbm>>)
      tpu.yield
    }) : () -> ()
    %mul3A_12 = arith.constant 528 : i32
    %mul3A_13 = arith.muli %add3A, %mul3A_12 : i32
    "tpu.region"() ({
      %run_scoped3A = tpu.sem_alloc : memref<!tpu.dma_semaphore, #tpu.memory_space<semaphore_mem>>
      %dma_start3A = tpu.memref_slice %arg5[%mul3A_13] : memref<16896xf32, #tpu.memory_space<hbm>> -> memref<528xf32, #tpu.memory_space<hbm>>
      %dma_start3A_14 = tpu.memref_slice %arg5[%mul3A_13] : memref<16896xf32, #tpu.memory_space<hbm>> -> memref<528xf32, #tpu.memory_space<hbm>>
      tpu.enqueue_dma source(%arg9 : memref<528xf32, #tpu.memory_space<vmem>>) target(%dma_start3A_14 : memref<528xf32, #tpu.memory_space<hbm>>) target_semaphore(%run_scoped3A : memref<!tpu.dma_semaphore, #tpu.memory_space<semaphore_mem>>)
      %dma_wait3A = tpu.memref_slice %arg5[%mul3A_13] : memref<16896xf32, #tpu.memory_space<hbm>> -> memref<528xf32, #tpu.memory_space<hbm>>
      %dma_wait3A_15 = tpu.memref_slice %arg5[%mul3A_13] : memref<16896xf32, #tpu.memory_space<hbm>> -> memref<528xf32, #tpu.memory_space<hbm>>
      tpu.wait_dma2 semaphore(%run_scoped3A : memref<!tpu.dma_semaphore, #tpu.memory_space<semaphore_mem>>) src(%arg9 : memref<528xf32, #tpu.memory_space<vmem>>) dst(%dma_wait3A_15 : memref<528xf32, #tpu.memory_space<hbm>>)
      tpu.yield
    }) : () -> ()
    return
  }
}

module attributes {stable_mosaic.version = 14 : i64} {
  func.func @_tc_body(%arg0: i32, %arg1: i32, %arg2: memref<6x3x3xf32, #tpu.memory_space<smem>>, %arg3: memref<6x3x3xf32, #tpu.memory_space<smem>>, %arg4: memref<6x3x3xf32, #tpu.memory_space<smem>>, %arg5: memref<6x3xf32, #tpu.memory_space<smem>>, %arg6: memref<6x3xf32, #tpu.memory_space<smem>>, %arg7: memref<1x3x176x128xf32, #tpu.memory_space<vmem>>, %arg8: memref<1x176x128xi32, #tpu.memory_space<vmem>>) attributes {dimension_semantics = [#tpu.dimension_semantics<arbitrary>, #tpu.dimension_semantics<arbitrary>], iteration_bounds = array<i64: 6, 11>, scalar_prefetch = 0 : i64, scratch_operands = 0 : i64, tpu.core_type = #tpu.core_type<tc>, window_params = [{transform_indices = @transform_0, window_bounds = array<i64: 6, 3, 3>}, {transform_indices = @transform_1, window_bounds = array<i64: 6, 3, 3>}, {transform_indices = @transform_2, window_bounds = array<i64: 6, 3, 3>}, {transform_indices = @transform_3, window_bounds = array<i64: 6, 3>}, {transform_indices = @transform_4, window_bounds = array<i64: 6, 3>}, {transform_indices = @transform_5, window_bounds = array<i64: 1, 3, 176, 128>}, {transform_indices = @transform_6, window_bounds = array<i64: 1, 176, 128>}]} {
    %mul3A = arith.constant 22528 : i32
    %mul3A_0 = arith.muli %arg1, %mul3A : i32
    %iota3A = tpu.iota {dimensions = array<i32: 0>} : vector<176x128xi32>
    %iota3A_1 = tpu.iota {dimensions = array<i32: 1>} : vector<176x128xi32>
    %mul3A_2 = arith.constant 128 : i32
    %mul3A_3 = vector.broadcast %mul3A_2 : i32 to vector<176x128xi32>
    %mul3A_4 = arith.muli %iota3A, %mul3A_3 : vector<176x128xi32>
    %add3A = vector.broadcast %mul3A_0 : i32 to vector<176x128xi32>
    %add3A_5 = arith.addi %add3A, %mul3A_4 : vector<176x128xi32>
    %add3A_6 = arith.addi %add3A_5, %iota3A_1 : vector<176x128xi32>
    %convert_element_type3A = arith.sitofp %add3A_6 : vector<176x128xi32> to vector<176x128xf32>
    %mul3A_7 = arith.constant 0.0113636367 : f32
    %mul3A_8 = vector.broadcast %mul3A_7 : f32 to vector<176x128xf32>
    %mul3A_9 = arith.mulf %convert_element_type3A, %mul3A_8 : vector<176x128xf32>
    %convert_element_type3A_10 = arith.fptosi %mul3A_9 : vector<176x128xf32> to vector<176x128xi32>
    %mul3A_11 = arith.constant 88 : i32
    %mul3A_12 = vector.broadcast %mul3A_11 : i32 to vector<176x128xi32>
    %mul3A_13 = arith.muli %convert_element_type3A_10, %mul3A_12 : vector<176x128xi32>
    %sub3A = arith.subi %add3A_6, %mul3A_13 : vector<176x128xi32>
    %convert_element_type3A_14 = arith.sitofp %convert_element_type3A_10 : vector<176x128xi32> to vector<176x128xf32>
    %mul3A_15 = arith.constant 0.0113636367 : f32
    %mul3A_16 = vector.broadcast %mul3A_15 : f32 to vector<176x128xf32>
    %mul3A_17 = arith.mulf %convert_element_type3A_14, %mul3A_16 : vector<176x128xf32>
    %convert_element_type3A_18 = arith.fptosi %mul3A_17 : vector<176x128xf32> to vector<176x128xi32>
    %mul3A_19 = arith.constant 88 : i32
    %mul3A_20 = vector.broadcast %mul3A_19 : i32 to vector<176x128xi32>
    %mul3A_21 = arith.muli %convert_element_type3A_18, %mul3A_20 : vector<176x128xi32>
    %sub3A_22 = arith.subi %convert_element_type3A_10, %mul3A_21 : vector<176x128xi32>
    %convert_element_type3A_23 = arith.sitofp %sub3A_22 : vector<176x128xi32> to vector<176x128xf32>
    %add3A_24 = arith.constant 5.000000e-01 : f32
    %add3A_25 = vector.broadcast %add3A_24 : f32 to vector<176x128xf32>
    %add3A_26 = arith.addf %convert_element_type3A_23, %add3A_25 : vector<176x128xf32>
    %mul3A_27 = arith.constant 8.000000e+00 : f32
    %mul3A_28 = vector.broadcast %mul3A_27 : f32 to vector<176x128xf32>
    %mul3A_29 = arith.mulf %add3A_26, %mul3A_28 : vector<176x128xf32>
    %get3A = arith.index_cast %arg0 : i32 to index
    %get3A_30 = arith.constant 0 : index
    %get3A_31 = memref.load %arg5[%get3A, %get3A_30] : memref<6x3xf32, #tpu.memory_space<smem>>
    %sub3A_32 = vector.broadcast %get3A_31 : f32 to vector<176x128xf32>
    %sub3A_33 = arith.subf %mul3A_29, %sub3A_32 : vector<176x128xf32>
    %convert_element_type3A_34 = arith.sitofp %convert_element_type3A_18 : vector<176x128xi32> to vector<176x128xf32>
    %add3A_35 = arith.constant 5.000000e-01 : f32
    %add3A_36 = vector.broadcast %add3A_35 : f32 to vector<176x128xf32>
    %add3A_37 = arith.addf %convert_element_type3A_34, %add3A_36 : vector<176x128xf32>
    %mul3A_38 = arith.constant 8.000000e+00 : f32
    %mul3A_39 = vector.broadcast %mul3A_38 : f32 to vector<176x128xf32>
    %mul3A_40 = arith.mulf %add3A_37, %mul3A_39 : vector<176x128xf32>
    %get3A_41 = arith.index_cast %arg0 : i32 to index
    %get3A_42 = arith.constant 1 : index
    %get3A_43 = memref.load %arg5[%get3A_41, %get3A_42] : memref<6x3xf32, #tpu.memory_space<smem>>
    %sub3A_44 = vector.broadcast %get3A_43 : f32 to vector<176x128xf32>
    %sub3A_45 = arith.subf %mul3A_40, %sub3A_44 : vector<176x128xf32>
    %get3A_46 = arith.index_cast %arg0 : i32 to index
    %get3A_47 = arith.constant 2 : index
    %get3A_48 = memref.load %arg5[%get3A_46, %get3A_47] : memref<6x3xf32, #tpu.memory_space<smem>>
    %sub3A_49 = arith.constant 1.000000e+00 : f32
    %sub3A_50 = arith.subf %sub3A_49, %get3A_48 : f32
    %convert_element_type3A_51 = arith.truncf %sub3A_33 : vector<176x128xf32> to vector<176x128xbf16>
    %convert_element_type3A_52 = arith.extf %convert_element_type3A_51 : vector<176x128xbf16> to vector<176x128xf32>
    %convert_element_type3A_53 = arith.truncf %sub3A_45 : vector<176x128xf32> to vector<176x128xbf16>
    %convert_element_type3A_54 = arith.extf %convert_element_type3A_53 : vector<176x128xbf16> to vector<176x128xf32>
    %convert_element_type3A_55 = arith.truncf %sub3A_50 : f32 to bf16
    %convert_element_type3A_56 = arith.extf %convert_element_type3A_55 : bf16 to f32
    %get3A_57 = arith.index_cast %arg0 : i32 to index
    %get3A_58 = arith.constant 0 : index
    %get3A_59 = arith.constant 0 : index
    %get3A_60 = memref.load %arg2[%get3A_57, %get3A_58, %get3A_59] : memref<6x3x3xf32, #tpu.memory_space<smem>>
    %convert_element_type3A_61 = arith.truncf %get3A_60 : f32 to bf16
    %convert_element_type3A_62 = arith.extf %convert_element_type3A_61 : bf16 to f32
    %mul3A_63 = vector.broadcast %convert_element_type3A_62 : f32 to vector<176x128xf32>
    %mul3A_64 = arith.mulf %mul3A_63, %convert_element_type3A_52 : vector<176x128xf32>
    %get3A_65 = arith.index_cast %arg0 : i32 to index
    %get3A_66 = arith.constant 0 : index
    %get3A_67 = arith.constant 1 : index
    %get3A_68 = memref.load %arg2[%get3A_65, %get3A_66, %get3A_67] : memref<6x3x3xf32, #tpu.memory_space<smem>>
    %convert_element_type3A_69 = arith.truncf %get3A_68 : f32 to bf16
    %convert_element_type3A_70 = arith.extf %convert_element_type3A_69 : bf16 to f32
    %mul3A_71 = vector.broadcast %convert_element_type3A_70 : f32 to vector<176x128xf32>
    %mul3A_72 = arith.mulf %mul3A_71, %convert_element_type3A_54 : vector<176x128xf32>
    %add3A_73 = arith.addf %mul3A_64, %mul3A_72 : vector<176x128xf32>
    %get3A_74 = arith.index_cast %arg0 : i32 to index
    %get3A_75 = arith.constant 0 : index
    %get3A_76 = arith.constant 2 : index
    %get3A_77 = memref.load %arg2[%get3A_74, %get3A_75, %get3A_76] : memref<6x3x3xf32, #tpu.memory_space<smem>>
    %convert_element_type3A_78 = arith.truncf %get3A_77 : f32 to bf16
    %convert_element_type3A_79 = arith.extf %convert_element_type3A_78 : bf16 to f32
    %mul3A_80 = arith.mulf %convert_element_type3A_79, %convert_element_type3A_56 : f32
    %add3A_81 = vector.broadcast %mul3A_80 : f32 to vector<176x128xf32>
    %add3A_82 = arith.addf %add3A_73, %add3A_81 : vector<176x128xf32>
    %get3A_83 = arith.index_cast %arg0 : i32 to index
    %get3A_84 = arith.constant 1 : index
    %get3A_85 = arith.constant 0 : index
    %get3A_86 = memref.load %arg2[%get3A_83, %get3A_84, %get3A_85] : memref<6x3x3xf32, #tpu.memory_space<smem>>
    %convert_element_type3A_87 = arith.truncf %get3A_86 : f32 to bf16
    %convert_element_type3A_88 = arith.extf %convert_element_type3A_87 : bf16 to f32
    %mul3A_89 = vector.broadcast %convert_element_type3A_88 : f32 to vector<176x128xf32>
    %mul3A_90 = arith.mulf %mul3A_89, %convert_element_type3A_52 : vector<176x128xf32>
    %get3A_91 = arith.index_cast %arg0 : i32 to index
    %get3A_92 = arith.constant 1 : index
    %get3A_93 = arith.constant 1 : index
    %get3A_94 = memref.load %arg2[%get3A_91, %get3A_92, %get3A_93] : memref<6x3x3xf32, #tpu.memory_space<smem>>
    %convert_element_type3A_95 = arith.truncf %get3A_94 : f32 to bf16
    %convert_element_type3A_96 = arith.extf %convert_element_type3A_95 : bf16 to f32
    %mul3A_97 = vector.broadcast %convert_element_type3A_96 : f32 to vector<176x128xf32>
    %mul3A_98 = arith.mulf %mul3A_97, %convert_element_type3A_54 : vector<176x128xf32>
    %add3A_99 = arith.addf %mul3A_90, %mul3A_98 : vector<176x128xf32>
    %get3A_100 = arith.index_cast %arg0 : i32 to index
    %get3A_101 = arith.constant 1 : index
    %get3A_102 = arith.constant 2 : index
    %get3A_103 = memref.load %arg2[%get3A_100, %get3A_101, %get3A_102] : memref<6x3x3xf32, #tpu.memory_space<smem>>
    %convert_element_type3A_104 = arith.truncf %get3A_103 : f32 to bf16
    %convert_element_type3A_105 = arith.extf %convert_element_type3A_104 : bf16 to f32
    %mul3A_106 = arith.mulf %convert_element_type3A_105, %convert_element_type3A_56 : f32
    %add3A_107 = vector.broadcast %mul3A_106 : f32 to vector<176x128xf32>
    %add3A_108 = arith.addf %add3A_99, %add3A_107 : vector<176x128xf32>
    %get3A_109 = arith.index_cast %arg0 : i32 to index
    %get3A_110 = arith.constant 2 : index
    %get3A_111 = arith.constant 0 : index
    %get3A_112 = memref.load %arg2[%get3A_109, %get3A_110, %get3A_111] : memref<6x3x3xf32, #tpu.memory_space<smem>>
    %convert_element_type3A_113 = arith.truncf %get3A_112 : f32 to bf16
    %convert_element_type3A_114 = arith.extf %convert_element_type3A_113 : bf16 to f32
    %mul3A_115 = vector.broadcast %convert_element_type3A_114 : f32 to vector<176x128xf32>
    %mul3A_116 = arith.mulf %mul3A_115, %convert_element_type3A_52 : vector<176x128xf32>
    %get3A_117 = arith.index_cast %arg0 : i32 to index
    %get3A_118 = arith.constant 2 : index
    %get3A_119 = arith.constant 1 : index
    %get3A_120 = memref.load %arg2[%get3A_117, %get3A_118, %get3A_119] : memref<6x3x3xf32, #tpu.memory_space<smem>>
    %convert_element_type3A_121 = arith.truncf %get3A_120 : f32 to bf16
    %convert_element_type3A_122 = arith.extf %convert_element_type3A_121 : bf16 to f32
    %mul3A_123 = vector.broadcast %convert_element_type3A_122 : f32 to vector<176x128xf32>
    %mul3A_124 = arith.mulf %mul3A_123, %convert_element_type3A_54 : vector<176x128xf32>
    %add3A_125 = arith.addf %mul3A_116, %mul3A_124 : vector<176x128xf32>
    %get3A_126 = arith.index_cast %arg0 : i32 to index
    %get3A_127 = arith.constant 2 : index
    %get3A_128 = arith.constant 2 : index
    %get3A_129 = memref.load %arg2[%get3A_126, %get3A_127, %get3A_128] : memref<6x3x3xf32, #tpu.memory_space<smem>>
    %convert_element_type3A_130 = arith.truncf %get3A_129 : f32 to bf16
    %convert_element_type3A_131 = arith.extf %convert_element_type3A_130 : bf16 to f32
    %mul3A_132 = arith.mulf %convert_element_type3A_131, %convert_element_type3A_56 : f32
    %add3A_133 = vector.broadcast %mul3A_132 : f32 to vector<176x128xf32>
    %add3A_134 = arith.addf %add3A_125, %add3A_133 : vector<176x128xf32>
    %convert_element_type3A_135 = arith.sitofp %sub3A : vector<176x128xi32> to vector<176x128xf32>
    %mul3A_136 = arith.constant 5.000000e-01 : f32
    %mul3A_137 = vector.broadcast %mul3A_136 : f32 to vector<176x128xf32>
    %mul3A_138 = arith.mulf %mul3A_137, %convert_element_type3A_135 : vector<176x128xf32>
    %add3A_139 = arith.constant 1.000000e+00 : f32
    %add3A_140 = vector.broadcast %add3A_139 : f32 to vector<176x128xf32>
    %add3A_141 = arith.addf %add3A_140, %mul3A_138 : vector<176x128xf32>
    %mul3A_142 = arith.mulf %add3A_82, %add3A_141 : vector<176x128xf32>
    %convert_element_type3A_143 = arith.truncf %mul3A_142 : vector<176x128xf32> to vector<176x128xbf16>
    %convert_element_type3A_144 = arith.extf %convert_element_type3A_143 : vector<176x128xbf16> to vector<176x128xf32>
    %mul3A_145 = arith.mulf %add3A_108, %add3A_141 : vector<176x128xf32>
    %convert_element_type3A_146 = arith.truncf %mul3A_145 : vector<176x128xf32> to vector<176x128xbf16>
    %convert_element_type3A_147 = arith.extf %convert_element_type3A_146 : vector<176x128xbf16> to vector<176x128xf32>
    %mul3A_148 = arith.mulf %add3A_134, %add3A_141 : vector<176x128xf32>
    %convert_element_type3A_149 = arith.truncf %mul3A_148 : vector<176x128xf32> to vector<176x128xbf16>
    %convert_element_type3A_150 = arith.extf %convert_element_type3A_149 : vector<176x128xbf16> to vector<176x128xf32>
    %get3A_151 = arith.index_cast %arg0 : i32 to index
    %get3A_152 = arith.constant 0 : index
    %get3A_153 = arith.constant 0 : index
    %get3A_154 = memref.load %arg3[%get3A_151, %get3A_152, %get3A_153] : memref<6x3x3xf32, #tpu.memory_space<smem>>
    %convert_element_type3A_155 = arith.truncf %get3A_154 : f32 to bf16
    %convert_element_type3A_156 = arith.extf %convert_element_type3A_155 : bf16 to f32
    %mul3A_157 = vector.broadcast %convert_element_type3A_156 : f32 to vector<176x128xf32>
    %mul3A_158 = arith.mulf %mul3A_157, %convert_element_type3A_144 : vector<176x128xf32>
    %get3A_159 = arith.index_cast %arg0 : i32 to index
    %get3A_160 = arith.constant 0 : index
    %get3A_161 = arith.constant 1 : index
    %get3A_162 = memref.load %arg3[%get3A_159, %get3A_160, %get3A_161] : memref<6x3x3xf32, #tpu.memory_space<smem>>
    %convert_element_type3A_163 = arith.truncf %get3A_162 : f32 to bf16
    %convert_element_type3A_164 = arith.extf %convert_element_type3A_163 : bf16 to f32
    %mul3A_165 = vector.broadcast %convert_element_type3A_164 : f32 to vector<176x128xf32>
    %mul3A_166 = arith.mulf %mul3A_165, %convert_element_type3A_147 : vector<176x128xf32>
    %add3A_167 = arith.addf %mul3A_158, %mul3A_166 : vector<176x128xf32>
    %get3A_168 = arith.index_cast %arg0 : i32 to index
    %get3A_169 = arith.constant 0 : index
    %get3A_170 = arith.constant 2 : index
    %get3A_171 = memref.load %arg3[%get3A_168, %get3A_169, %get3A_170] : memref<6x3x3xf32, #tpu.memory_space<smem>>
    %convert_element_type3A_172 = arith.truncf %get3A_171 : f32 to bf16
    %convert_element_type3A_173 = arith.extf %convert_element_type3A_172 : bf16 to f32
    %mul3A_174 = vector.broadcast %convert_element_type3A_173 : f32 to vector<176x128xf32>
    %mul3A_175 = arith.mulf %mul3A_174, %convert_element_type3A_150 : vector<176x128xf32>
    %add3A_176 = arith.addf %add3A_167, %mul3A_175 : vector<176x128xf32>
    %get3A_177 = arith.index_cast %arg0 : i32 to index
    %get3A_178 = arith.constant 1 : index
    %get3A_179 = arith.constant 0 : index
    %get3A_180 = memref.load %arg3[%get3A_177, %get3A_178, %get3A_179] : memref<6x3x3xf32, #tpu.memory_space<smem>>
    %convert_element_type3A_181 = arith.truncf %get3A_180 : f32 to bf16
    %convert_element_type3A_182 = arith.extf %convert_element_type3A_181 : bf16 to f32
    %mul3A_183 = vector.broadcast %convert_element_type3A_182 : f32 to vector<176x128xf32>
    %mul3A_184 = arith.mulf %mul3A_183, %convert_element_type3A_144 : vector<176x128xf32>
    %get3A_185 = arith.index_cast %arg0 : i32 to index
    %get3A_186 = arith.constant 1 : index
    %get3A_187 = arith.constant 1 : index
    %get3A_188 = memref.load %arg3[%get3A_185, %get3A_186, %get3A_187] : memref<6x3x3xf32, #tpu.memory_space<smem>>
    %convert_element_type3A_189 = arith.truncf %get3A_188 : f32 to bf16
    %convert_element_type3A_190 = arith.extf %convert_element_type3A_189 : bf16 to f32
    %mul3A_191 = vector.broadcast %convert_element_type3A_190 : f32 to vector<176x128xf32>
    %mul3A_192 = arith.mulf %mul3A_191, %convert_element_type3A_147 : vector<176x128xf32>
    %add3A_193 = arith.addf %mul3A_184, %mul3A_192 : vector<176x128xf32>
    %get3A_194 = arith.index_cast %arg0 : i32 to index
    %get3A_195 = arith.constant 1 : index
    %get3A_196 = arith.constant 2 : index
    %get3A_197 = memref.load %arg3[%get3A_194, %get3A_195, %get3A_196] : memref<6x3x3xf32, #tpu.memory_space<smem>>
    %convert_element_type3A_198 = arith.truncf %get3A_197 : f32 to bf16
    %convert_element_type3A_199 = arith.extf %convert_element_type3A_198 : bf16 to f32
    %mul3A_200 = vector.broadcast %convert_element_type3A_199 : f32 to vector<176x128xf32>
    %mul3A_201 = arith.mulf %mul3A_200, %convert_element_type3A_150 : vector<176x128xf32>
    %add3A_202 = arith.addf %add3A_193, %mul3A_201 : vector<176x128xf32>
    %get3A_203 = arith.index_cast %arg0 : i32 to index
    %get3A_204 = arith.constant 2 : index
    %get3A_205 = arith.constant 0 : index
    %get3A_206 = memref.load %arg3[%get3A_203, %get3A_204, %get3A_205] : memref<6x3x3xf32, #tpu.memory_space<smem>>
    %convert_element_type3A_207 = arith.truncf %get3A_206 : f32 to bf16
    %convert_element_type3A_208 = arith.extf %convert_element_type3A_207 : bf16 to f32
    %mul3A_209 = vector.broadcast %convert_element_type3A_208 : f32 to vector<176x128xf32>
    %mul3A_210 = arith.mulf %mul3A_209, %convert_element_type3A_144 : vector<176x128xf32>
    %get3A_211 = arith.index_cast %arg0 : i32 to index
    %get3A_212 = arith.constant 2 : index
    %get3A_213 = arith.constant 1 : index
    %get3A_214 = memref.load %arg3[%get3A_211, %get3A_212, %get3A_213] : memref<6x3x3xf32, #tpu.memory_space<smem>>
    %convert_element_type3A_215 = arith.truncf %get3A_214 : f32 to bf16
    %convert_element_type3A_216 = arith.extf %convert_element_type3A_215 : bf16 to f32
    %mul3A_217 = vector.broadcast %convert_element_type3A_216 : f32 to vector<176x128xf32>
    %mul3A_218 = arith.mulf %mul3A_217, %convert_element_type3A_147 : vector<176x128xf32>
    %add3A_219 = arith.addf %mul3A_210, %mul3A_218 : vector<176x128xf32>
    %get3A_220 = arith.index_cast %arg0 : i32 to index
    %get3A_221 = arith.constant 2 : index
    %get3A_222 = arith.constant 2 : index
    %get3A_223 = memref.load %arg3[%get3A_220, %get3A_221, %get3A_222] : memref<6x3x3xf32, #tpu.memory_space<smem>>
    %convert_element_type3A_224 = arith.truncf %get3A_223 : f32 to bf16
    %convert_element_type3A_225 = arith.extf %convert_element_type3A_224 : bf16 to f32
    %mul3A_226 = vector.broadcast %convert_element_type3A_225 : f32 to vector<176x128xf32>
    %mul3A_227 = arith.mulf %mul3A_226, %convert_element_type3A_150 : vector<176x128xf32>
    %add3A_228 = arith.addf %add3A_219, %mul3A_227 : vector<176x128xf32>
    %convert_element_type3A_229 = arith.truncf %add3A_176 : vector<176x128xf32> to vector<176x128xbf16>
    %convert_element_type3A_230 = arith.extf %convert_element_type3A_229 : vector<176x128xbf16> to vector<176x128xf32>
    %convert_element_type3A_231 = arith.truncf %add3A_202 : vector<176x128xf32> to vector<176x128xbf16>
    %convert_element_type3A_232 = arith.extf %convert_element_type3A_231 : vector<176x128xbf16> to vector<176x128xf32>
    %convert_element_type3A_233 = arith.truncf %add3A_228 : vector<176x128xf32> to vector<176x128xbf16>
    %convert_element_type3A_234 = arith.extf %convert_element_type3A_233 : vector<176x128xbf16> to vector<176x128xf32>
    %get3A_235 = arith.index_cast %arg0 : i32 to index
    %get3A_236 = arith.constant 0 : index
    %get3A_237 = arith.constant 0 : index
    %get3A_238 = memref.load %arg4[%get3A_235, %get3A_236, %get3A_237] : memref<6x3x3xf32, #tpu.memory_space<smem>>
    %convert_element_type3A_239 = arith.truncf %get3A_238 : f32 to bf16
    %convert_element_type3A_240 = arith.extf %convert_element_type3A_239 : bf16 to f32
    %mul3A_241 = vector.broadcast %convert_element_type3A_240 : f32 to vector<176x128xf32>
    %mul3A_242 = arith.mulf %mul3A_241, %convert_element_type3A_230 : vector<176x128xf32>
    %get3A_243 = arith.index_cast %arg0 : i32 to index
    %get3A_244 = arith.constant 0 : index
    %get3A_245 = arith.constant 1 : index
    %get3A_246 = memref.load %arg4[%get3A_243, %get3A_244, %get3A_245] : memref<6x3x3xf32, #tpu.memory_space<smem>>
    %convert_element_type3A_247 = arith.truncf %get3A_246 : f32 to bf16
    %convert_element_type3A_248 = arith.extf %convert_element_type3A_247 : bf16 to f32
    %mul3A_249 = vector.broadcast %convert_element_type3A_248 : f32 to vector<176x128xf32>
    %mul3A_250 = arith.mulf %mul3A_249, %convert_element_type3A_232 : vector<176x128xf32>
    %add3A_251 = arith.addf %mul3A_242, %mul3A_250 : vector<176x128xf32>
    %get3A_252 = arith.index_cast %arg0 : i32 to index
    %get3A_253 = arith.constant 0 : index
    %get3A_254 = arith.constant 2 : index
    %get3A_255 = memref.load %arg4[%get3A_252, %get3A_253, %get3A_254] : memref<6x3x3xf32, #tpu.memory_space<smem>>
    %convert_element_type3A_256 = arith.truncf %get3A_255 : f32 to bf16
    %convert_element_type3A_257 = arith.extf %convert_element_type3A_256 : bf16 to f32
    %mul3A_258 = vector.broadcast %convert_element_type3A_257 : f32 to vector<176x128xf32>
    %mul3A_259 = arith.mulf %mul3A_258, %convert_element_type3A_234 : vector<176x128xf32>
    %add3A_260 = arith.addf %add3A_251, %mul3A_259 : vector<176x128xf32>
    %get3A_261 = arith.index_cast %arg0 : i32 to index
    %get3A_262 = arith.constant 0 : index
    %get3A_263 = memref.load %arg6[%get3A_261, %get3A_262] : memref<6x3xf32, #tpu.memory_space<smem>>
    %add3A_264 = vector.broadcast %get3A_263 : f32 to vector<176x128xf32>
    %add3A_265 = arith.addf %add3A_260, %add3A_264 : vector<176x128xf32>
    %get3A_266 = arith.index_cast %arg0 : i32 to index
    %get3A_267 = arith.constant 1 : index
    %get3A_268 = arith.constant 0 : index
    %get3A_269 = memref.load %arg4[%get3A_266, %get3A_267, %get3A_268] : memref<6x3x3xf32, #tpu.memory_space<smem>>
    %convert_element_type3A_270 = arith.truncf %get3A_269 : f32 to bf16
    %convert_element_type3A_271 = arith.extf %convert_element_type3A_270 : bf16 to f32
    %mul3A_272 = vector.broadcast %convert_element_type3A_271 : f32 to vector<176x128xf32>
    %mul3A_273 = arith.mulf %mul3A_272, %convert_element_type3A_230 : vector<176x128xf32>
    %get3A_274 = arith.index_cast %arg0 : i32 to index
    %get3A_275 = arith.constant 1 : index
    %get3A_276 = arith.constant 1 : index
    %get3A_277 = memref.load %arg4[%get3A_274, %get3A_275, %get3A_276] : memref<6x3x3xf32, #tpu.memory_space<smem>>
    %convert_element_type3A_278 = arith.truncf %get3A_277 : f32 to bf16
    %convert_element_type3A_279 = arith.extf %convert_element_type3A_278 : bf16 to f32
    %mul3A_280 = vector.broadcast %convert_element_type3A_279 : f32 to vector<176x128xf32>
    %mul3A_281 = arith.mulf %mul3A_280, %convert_element_type3A_232 : vector<176x128xf32>
    %add3A_282 = arith.addf %mul3A_273, %mul3A_281 : vector<176x128xf32>
    %get3A_283 = arith.index_cast %arg0 : i32 to index
    %get3A_284 = arith.constant 1 : index
    %get3A_285 = arith.constant 2 : index
    %get3A_286 = memref.load %arg4[%get3A_283, %get3A_284, %get3A_285] : memref<6x3x3xf32, #tpu.memory_space<smem>>
    %convert_element_type3A_287 = arith.truncf %get3A_286 : f32 to bf16
    %convert_element_type3A_288 = arith.extf %convert_element_type3A_287 : bf16 to f32
    %mul3A_289 = vector.broadcast %convert_element_type3A_288 : f32 to vector<176x128xf32>
    %mul3A_290 = arith.mulf %mul3A_289, %convert_element_type3A_234 : vector<176x128xf32>
    %add3A_291 = arith.addf %add3A_282, %mul3A_290 : vector<176x128xf32>
    %get3A_292 = arith.index_cast %arg0 : i32 to index
    %get3A_293 = arith.constant 1 : index
    %get3A_294 = memref.load %arg6[%get3A_292, %get3A_293] : memref<6x3xf32, #tpu.memory_space<smem>>
    %add3A_295 = vector.broadcast %get3A_294 : f32 to vector<176x128xf32>
    %add3A_296 = arith.addf %add3A_291, %add3A_295 : vector<176x128xf32>
    %get3A_297 = arith.index_cast %arg0 : i32 to index
    %get3A_298 = arith.constant 2 : index
    %get3A_299 = arith.constant 0 : index
    %get3A_300 = memref.load %arg4[%get3A_297, %get3A_298, %get3A_299] : memref<6x3x3xf32, #tpu.memory_space<smem>>
    %convert_element_type3A_301 = arith.truncf %get3A_300 : f32 to bf16
    %convert_element_type3A_302 = arith.extf %convert_element_type3A_301 : bf16 to f32
    %mul3A_303 = vector.broadcast %convert_element_type3A_302 : f32 to vector<176x128xf32>
    %mul3A_304 = arith.mulf %mul3A_303, %convert_element_type3A_230 : vector<176x128xf32>
    %get3A_305 = arith.index_cast %arg0 : i32 to index
    %get3A_306 = arith.constant 2 : index
    %get3A_307 = arith.constant 1 : index
    %get3A_308 = memref.load %arg4[%get3A_305, %get3A_306, %get3A_307] : memref<6x3x3xf32, #tpu.memory_space<smem>>
    %convert_element_type3A_309 = arith.truncf %get3A_308 : f32 to bf16
    %convert_element_type3A_310 = arith.extf %convert_element_type3A_309 : bf16 to f32
    %mul3A_311 = vector.broadcast %convert_element_type3A_310 : f32 to vector<176x128xf32>
    %mul3A_312 = arith.mulf %mul3A_311, %convert_element_type3A_232 : vector<176x128xf32>
    %add3A_313 = arith.addf %mul3A_304, %mul3A_312 : vector<176x128xf32>
    %get3A_314 = arith.index_cast %arg0 : i32 to index
    %get3A_315 = arith.constant 2 : index
    %get3A_316 = arith.constant 2 : index
    %get3A_317 = memref.load %arg4[%get3A_314, %get3A_315, %get3A_316] : memref<6x3x3xf32, #tpu.memory_space<smem>>
    %convert_element_type3A_318 = arith.truncf %get3A_317 : f32 to bf16
    %convert_element_type3A_319 = arith.extf %convert_element_type3A_318 : bf16 to f32
    %mul3A_320 = vector.broadcast %convert_element_type3A_319 : f32 to vector<176x128xf32>
    %mul3A_321 = arith.mulf %mul3A_320, %convert_element_type3A_234 : vector<176x128xf32>
    %add3A_322 = arith.addf %add3A_313, %mul3A_321 : vector<176x128xf32>
    %get3A_323 = arith.index_cast %arg0 : i32 to index
    %get3A_324 = arith.constant 2 : index
    %get3A_325 = memref.load %arg6[%get3A_323, %get3A_324] : memref<6x3xf32, #tpu.memory_space<smem>>
    %add3A_326 = vector.broadcast %get3A_325 : f32 to vector<176x128xf32>
    %add3A_327 = arith.addf %add3A_322, %add3A_326 : vector<176x128xf32>
    %mul3A_328 = arith.constant 2.500000e+00 : f32
    %mul3A_329 = vector.broadcast %mul3A_328 : f32 to vector<176x128xf32>
    %mul3A_330 = arith.mulf %add3A_265, %mul3A_329 : vector<176x128xf32>
    %add3A_331 = arith.constant 1.000000e+02 : f32
    %add3A_332 = vector.broadcast %add3A_331 : f32 to vector<176x128xf32>
    %add3A_333 = arith.addf %mul3A_330, %add3A_332 : vector<176x128xf32>
    %div3A = arith.constant 2.000000e+02 : f32
    %div3A_334 = vector.broadcast %div3A : f32 to vector<176x128xf32>
    %div3A_335 = arith.divf %add3A_333, %div3A_334 : vector<176x128xf32>
    %mul3A_336 = arith.constant 2.000000e+00 : f32
    %mul3A_337 = vector.broadcast %mul3A_336 : f32 to vector<176x128xf32>
    %mul3A_338 = arith.mulf %div3A_335, %mul3A_337 : vector<176x128xf32>
    %sub3A_339 = arith.constant 1.000000e+00 : f32
    %sub3A_340 = vector.broadcast %sub3A_339 : f32 to vector<176x128xf32>
    %sub3A_341 = arith.subf %mul3A_338, %sub3A_340 : vector<176x128xf32>
    %mul3A_342 = arith.constant 2.500000e+00 : f32
    %mul3A_343 = vector.broadcast %mul3A_342 : f32 to vector<176x128xf32>
    %mul3A_344 = arith.mulf %add3A_296, %mul3A_343 : vector<176x128xf32>
    %add3A_345 = arith.constant 1.000000e+02 : f32
    %add3A_346 = vector.broadcast %add3A_345 : f32 to vector<176x128xf32>
    %add3A_347 = arith.addf %mul3A_344, %add3A_346 : vector<176x128xf32>
    %div3A_348 = arith.constant 2.000000e+02 : f32
    %div3A_349 = vector.broadcast %div3A_348 : f32 to vector<176x128xf32>
    %div3A_350 = arith.divf %add3A_347, %div3A_349 : vector<176x128xf32>
    %mul3A_351 = arith.constant 2.000000e+00 : f32
    %mul3A_352 = vector.broadcast %mul3A_351 : f32 to vector<176x128xf32>
    %mul3A_353 = arith.mulf %div3A_350, %mul3A_352 : vector<176x128xf32>
    %sub3A_354 = arith.constant 1.000000e+00 : f32
    %sub3A_355 = vector.broadcast %sub3A_354 : f32 to vector<176x128xf32>
    %sub3A_356 = arith.subf %mul3A_353, %sub3A_355 : vector<176x128xf32>
    %mul3A_357 = arith.constant 2.500000e+00 : f32
    %mul3A_358 = vector.broadcast %mul3A_357 : f32 to vector<176x128xf32>
    %mul3A_359 = arith.mulf %add3A_327, %mul3A_358 : vector<176x128xf32>
    %add3A_360 = arith.constant 3.000000e+00 : f32
    %add3A_361 = vector.broadcast %add3A_360 : f32 to vector<176x128xf32>
    %add3A_362 = arith.addf %mul3A_359, %add3A_361 : vector<176x128xf32>
    %div3A_363 = arith.constant 1.600000e+01 : f32
    %div3A_364 = vector.broadcast %div3A_363 : f32 to vector<176x128xf32>
    %div3A_365 = arith.divf %add3A_362, %div3A_364 : vector<176x128xf32>
    %mul3A_366 = arith.constant 2.000000e+00 : f32
    %mul3A_367 = vector.broadcast %mul3A_366 : f32 to vector<176x128xf32>
    %mul3A_368 = arith.mulf %div3A_365, %mul3A_367 : vector<176x128xf32>
    %sub3A_369 = arith.constant 1.000000e+00 : f32
    %sub3A_370 = vector.broadcast %sub3A_369 : f32 to vector<176x128xf32>
    %sub3A_371 = arith.subf %mul3A_368, %sub3A_370 : vector<176x128xf32>
    %swap3A = arith.constant 0 : index
    %swap3A_372 = arith.constant 0 : index
    %swap3A_373 = arith.constant 0 : index
    %swap3A_374 = arith.constant 0 : index
    %swap3A_375 = vector.load %arg7[%swap3A, %swap3A_372, %swap3A_373, %swap3A_374] : memref<1x3x176x128xf32, #tpu.memory_space<vmem>>, vector<1x1x176x128xf32>
    %swap3A_376 = vector.shape_cast %swap3A_375 : vector<1x1x176x128xf32> to vector<176x128xf32>
    %swap3A_377 = vector.shape_cast %sub3A_341 : vector<176x128xf32> to vector<1x1x176x128xf32>
    tpu.vector_store %arg7[%swap3A, %swap3A_372, %swap3A_373, %swap3A_374], %swap3A_377 {strides = array<i32>} : memref<1x3x176x128xf32, #tpu.memory_space<vmem>>, vector<1x1x176x128xf32>,
    %swap3A_378 = arith.constant 0 : index
    %swap3A_379 = arith.constant 1 : index
    %swap3A_380 = arith.constant 0 : index
    %swap3A_381 = arith.constant 0 : index
    %swap3A_382 = vector.load %arg7[%swap3A_378, %swap3A_379, %swap3A_380, %swap3A_381] : memref<1x3x176x128xf32, #tpu.memory_space<vmem>>, vector<1x1x176x128xf32>
    %swap3A_383 = vector.shape_cast %swap3A_382 : vector<1x1x176x128xf32> to vector<176x128xf32>
    %swap3A_384 = vector.shape_cast %sub3A_356 : vector<176x128xf32> to vector<1x1x176x128xf32>
    tpu.vector_store %arg7[%swap3A_378, %swap3A_379, %swap3A_380, %swap3A_381], %swap3A_384 {strides = array<i32>} : memref<1x3x176x128xf32, #tpu.memory_space<vmem>>, vector<1x1x176x128xf32>,
    %swap3A_385 = arith.constant 0 : index
    %swap3A_386 = arith.constant 2 : index
    %swap3A_387 = arith.constant 0 : index
    %swap3A_388 = arith.constant 0 : index
    %swap3A_389 = vector.load %arg7[%swap3A_385, %swap3A_386, %swap3A_387, %swap3A_388] : memref<1x3x176x128xf32, #tpu.memory_space<vmem>>, vector<1x1x176x128xf32>
    %swap3A_390 = vector.shape_cast %swap3A_389 : vector<1x1x176x128xf32> to vector<176x128xf32>
    %swap3A_391 = vector.shape_cast %sub3A_371 : vector<176x128xf32> to vector<1x1x176x128xf32>
    tpu.vector_store %arg7[%swap3A_385, %swap3A_386, %swap3A_387, %swap3A_388], %swap3A_391 {strides = array<i32>} : memref<1x3x176x128xf32, #tpu.memory_space<vmem>>, vector<1x1x176x128xf32>,
    %ge3A = arith.constant -1.000000e+00 : f32
    %ge3A_392 = vector.broadcast %ge3A : f32 to vector<176x128xf32>
    %ge3A_393 = arith.cmpf oge, %sub3A_341, %ge3A_392 : vector<176x128xf32>
    %le3A = arith.constant 1.000000e+00 : f32
    %le3A_394 = vector.broadcast %le3A : f32 to vector<176x128xf32>
    %le3A_395 = arith.cmpf ole, %sub3A_341, %le3A_394 : vector<176x128xf32>
    %and3A = arith.andi %ge3A_393, %le3A_395 : vector<176x128xi1>
    %ge3A_396 = arith.constant -1.000000e+00 : f32
    %ge3A_397 = vector.broadcast %ge3A_396 : f32 to vector<176x128xf32>
    %ge3A_398 = arith.cmpf oge, %sub3A_356, %ge3A_397 : vector<176x128xf32>
    %and3A_399 = arith.andi %and3A, %ge3A_398 : vector<176x128xi1>
    %le3A_400 = arith.constant 1.000000e+00 : f32
    %le3A_401 = vector.broadcast %le3A_400 : f32 to vector<176x128xf32>
    %le3A_402 = arith.cmpf ole, %sub3A_356, %le3A_401 : vector<176x128xf32>
    %and3A_403 = arith.andi %and3A_399, %le3A_402 : vector<176x128xi1>
    %ge3A_404 = arith.constant -1.000000e+00 : f32
    %ge3A_405 = vector.broadcast %ge3A_404 : f32 to vector<176x128xf32>
    %ge3A_406 = arith.cmpf oge, %sub3A_371, %ge3A_405 : vector<176x128xf32>
    %and3A_407 = arith.andi %and3A_403, %ge3A_406 : vector<176x128xi1>
    %le3A_408 = arith.constant 1.000000e+00 : f32
    %le3A_409 = vector.broadcast %le3A_408 : f32 to vector<176x128xf32>
    %le3A_410 = arith.cmpf ole, %sub3A_371, %le3A_409 : vector<176x128xf32>
    %and3A_411 = arith.andi %and3A_407, %le3A_410 : vector<176x128xi1>
    %swap3A_412 = arith.constant 0 : index
    %swap3A_413 = arith.constant 0 : index
    %swap3A_414 = arith.constant 0 : index
    %swap3A_415 = vector.load %arg8[%swap3A_412, %swap3A_413, %swap3A_414] : memref<1x176x128xi32, #tpu.memory_space<vmem>>, vector<1x176x128xi32>
    %swap3A_416 = arith.extui %and3A_411 : vector<176x128xi1> to vector<176x128xi32>
    %swap3A_417 = vector.shape_cast %swap3A_415 : vector<1x176x128xi32> to vector<176x128xi32>
    %swap3A_418 = vector.shape_cast %swap3A_416 : vector<176x128xi32> to vector<1x176x128xi32>
    %swap3A_419 = arith.constant dense<0> : vector<176x128xi32>
    %swap3A_420 = arith.cmpi ne, %swap3A_417, %swap3A_419 : vector<176x128xi32>
    tpu.vector_store %arg8[%swap3A_412, %swap3A_413, %swap3A_414], %swap3A_418 {strides = array<i32>} : memref<1x176x128xi32, #tpu.memory_space<vmem>>, vector<1x176x128xi32>,
    return
  }
  func.func @transform_0(%arg0: i32, %arg1: i32) -> (i32, i32, i32) {
    %c0_i32 = arith.constant 0 : i32
    %c0_i32_0 = arith.constant 0 : i32
    %c0_i32_1 = arith.constant 0 : i32
    %c0_i32_2 = arith.constant 0 : i32
    return %c0_i32, %c0_i32_0, %c0_i32_1 : i32, i32, i32
  }
  func.func @transform_1(%arg0: i32, %arg1: i32) -> (i32, i32, i32) {
    %c0_i32 = arith.constant 0 : i32
    %c0_i32_0 = arith.constant 0 : i32
    %c0_i32_1 = arith.constant 0 : i32
    %c0_i32_2 = arith.constant 0 : i32
    return %c0_i32, %c0_i32_0, %c0_i32_1 : i32, i32, i32
  }
  func.func @transform_2(%arg0: i32, %arg1: i32) -> (i32, i32, i32) {
    %c0_i32 = arith.constant 0 : i32
    %c0_i32_0 = arith.constant 0 : i32
    %c0_i32_1 = arith.constant 0 : i32
    %c0_i32_2 = arith.constant 0 : i32
    return %c0_i32, %c0_i32_0, %c0_i32_1 : i32, i32, i32
  }
  func.func @transform_3(%arg0: i32, %arg1: i32) -> (i32, i32) {
    %c0_i32 = arith.constant 0 : i32
    %c0_i32_0 = arith.constant 0 : i32
    %c0_i32_1 = arith.constant 0 : i32
    return %c0_i32, %c0_i32_0 : i32, i32
  }
  func.func @transform_4(%arg0: i32, %arg1: i32) -> (i32, i32) {
    %c0_i32 = arith.constant 0 : i32
    %c0_i32_0 = arith.constant 0 : i32
    %c0_i32_1 = arith.constant 0 : i32
    return %c0_i32, %c0_i32_0 : i32, i32
  }
  func.func @transform_5(%arg0: i32, %arg1: i32) -> (i32, i32, i32, i32) {
    %c0_i32 = arith.constant 0 : i32
    %c0_i32_0 = arith.constant 0 : i32
    %c0_i32_1 = arith.constant 0 : i32
    return %arg0, %c0_i32, %arg1, %c0_i32_0 : i32, i32, i32, i32
  }
  func.func @transform_6(%arg0: i32, %arg1: i32) -> (i32, i32, i32) {
    %c0_i32 = arith.constant 0 : i32
    %c0_i32_0 = arith.constant 0 : i32
    return %arg0, %arg1, %c0_i32 : i32, i32, i32
  }
}

</mosaic_0001>

<sc_bundles>
// kernel: kernel.4.cloned.1.call-start
scs
__scs_entry_jumppad:
0x0: {  	(pc) =	sbr.rel $0x88, $3  }
0x1: {  	(tag) =	ssettag $0x0;
	lr =	simm.s32 $0x1  }
0x2: {  	[smem:$0x3F9B] =	sst lr;
	_ =	strace $0xD0000000  }
0x3: {  	_ = 	snop  }
0x4: {  	_ = 	snop  }
0x5: {  	_ = 	snop  }
0x6: {  	_ = 	snop  }
0x7: {  	_ = 	snop  }
__scs_overlays_trampoline_lowered:
0x8: {  	[smem:$0x3FAA] =	sst s0  }
0x9: {  	[smem:$0x3FAB] =	sst s1  }
0xa: {  	[smem:$0x3FAC] =	sst s2  }
0xb: {  	[smem:$0x3FAD] =	sst s3  }
0xc: {  	[smem:$0x3FAE] =	sst s4  }
0xd: {  	[smem:$0x3FAF] =	sst s5  }
0xe: {  	[smem:$0x3FB0] =	sst s6  }
0xf: {  	[smem:$0x3FB1] =	sst s7  }
0x10: {  	[smem:$0x3FB2] =	sst s8  }
0x11: {  	[smem:$0x3FB3] =	sst s9;
	s0 =	simm.s32 @!p0 $0x0  }
0x12: {  	s1 =	sld [smem:$0x3F99];
	s0 =	simm.s32 @p0 $0x1  }
0x13: {  	[smem:$0x3FB4] =	sst s0;
	s0 =	simm.s32 @!p1 $0x0  }
0x14: {  	s2 =	sld [smem:$0x3F98];
	s0 =	simm.s32 @p1 $0x1  }
0x15: {  	[smem:$0x3FB5] =	sst s0;
	s0 =	simm.s32 @!p2 $0x0  }
0x16: {  	s3 =	sld [smem:$0x3FDB];
	s0 =	simm.s32 @p2 $0x1  }
0x17: {  	s4 =	simm.s32 $0x1BF5;
	[smem:$0x3FB7] =	sst s0  }
0x18: {  	s0 =	sld [smem:$0x3F9A];
	_ =	swait.ge [sflag:s4], $0x0  }
0x19: {  	s7 =	sld [smem:$0x3F9B]  }
0x1a: {  	s8 =	sadd.s32 $0xFFFFE003, lr  }
0x1b: {  	s9 =	sadd.s32 $0xFFFFFEF7, lr;
	s5 =	simm.s32 $0xFFFFFFFF;
	p2 =	slt.u32 s8, $0xFFFFF086  }
0x1c: {  	p1 =	slt.u32 s9, $0xF7A;
	s5 =	simm.s32 @!p2 $0x0  }
0x1d: {  	s5 =	simm.s32 @p1 $0x1;
	p0 =	seq.s32 s7, s2  }
0x1e: {  	s7 =	smul.u32 @!p0 $0xF7A, s2;
	p2 =	seq.s32 @!p0 s5, $0x0  }
0x1f: {  	s9 =	smul.u32 $0xF7A, s1;
	s8 =	simm.s32 @!p0 $0x1BF5;
	p2 =	por !p2, p0  }
0x20: {  	[sflag:s8] =	ssyncset.s32 @!p0 $0xFFFFF086;
	s6 =	sadd.s32 @!p0 s3, s7;
	s7 =	simm.s32 @!p0 $0x108  }
0x21: {  	s3 =	sadd.s32 s3, s9;
	s6 =	sadd.s32 @!p0 $0x88, s6;
	s7 =	simm.s32 @p2 $0x1082  }
0x22: {  	[simem:s7], [sflag:s8] =	dma.local @!p0 [hbm:s6], $0xF7A  }
0x23: {  	s9 =	sor.u32 $0xD0000000, s2;
	s6 =	simm.s32 $0x108;
	_ =	swait.ge @!p0 [sflag:s8], $0x0  }
0x24: {  	s3 =	sadd.s32 $0x88, s3;
	s6 =	simm.s32 @!p1 $0x1082;
	[sflag:s4] =	ssyncset.s32 $0xFFFFF086  }
0x25: {  	[simem:s6], [sflag:s4] =	dma.local [hbm:s3], $0xF7A  }
0x26: {  	[smem:$0x3F9B] =	sst s1;
	(tag) =	ssettag s2;
	_ =	strace s9  }
0x27: {  	s1 =	sld [smem:$0x3FAB]  }
0x28: {  	s2 =	sld [smem:$0x3FAC]  }
0x29: {  	s4 =	sld [smem:$0x3FAE]  }
0x2a: {  	p0 =	seq.s32 s5, $0x0;
	s5 =	sld [smem:$0x3FAF]  }
0x2b: {  	s6 =	sld [smem:$0x3FB0]  }
0x2c: {  	s7 =	sld [smem:$0x3FB1]  }
0x2d: {  	s3 =	simm.s32 $0x108;
	s8 =	sld [smem:$0x3FB2]  }
0x2e: {  	s3 =	simm.s32 @!p0 $0x1082;
	s9 =	sld [smem:$0x3FB3]  }
0x2f: {  	lr =	sadd.s32 s0, s3;
	s0 =	sld [smem:$0x3FAA]  }
0x30: {  	s3 =	sld [smem:$0x3FAD]  }
0x31: {  	[smem:$0x3FB6] =	sst s10  }
0x32: {  	s10 =	sld [smem:$0x3FB4];
	_ =	sdelay $0x3  }
0x33: {  	p0 =	seq.s32 s10, $0x1;
	s10 =	sld [smem:$0x3FB6];
	_ =	sdelay $0x3  }
0x34: {  	[smem:$0x3FB6] =	sst s10  }
0x35: {  	s10 =	sld [smem:$0x3FB5];
	_ =	sdelay $0x3  }
0x36: {  	p1 =	seq.s32 s10, $0x1;
	s10 =	sld [smem:$0x3FB6];
	_ =	sdelay $0x3  }
0x37: {  	[smem:$0x3FB6] =	sst s10  }
0x38: {  	s10 =	sld [smem:$0x3FB7]  }
0x39: {  	_ = 	snop;
	(pc) =	sbr.ind lr, $3  }
0x3a: {  	_ = 	snop  }
0x3b: {  	_ = 	snop  }
0x3c: {  	p2 =	seq.s32 s10, $0x1;
	s10 =	sld [smem:$0x3FB6]  }
0x3d: {  	_ =	shalt  }
0x3e: {  	_ =	shalt  }
0x3f: {  	_ =	shalt  }
0x40: {  	_ =	shalt  }
0x41: {  	_ =	shalt  }
0x42: {  	_ =	shalt  }
0x43: {  	_ =	shalt  }
0x44: {  	_ =	shalt  }
0x45: {  	_ =	shalt  }
0x46: {  	_ =	shalt  }
0x47: {  	_ =	shalt  }
0x48: {  	_ =	shalt  }
0x49: {  	_ =	shalt  }
0x4a: {  	_ =	shalt  }
0x4b: {  	_ =	shalt  }
0x4c: {  	_ =	shalt  }
0x4d: {  	_ =	shalt  }
0x4e: {  	_ =	shalt  }
0x4f: {  	_ =	shalt  }
0x50: {  	_ =	shalt  }
0x51: {  	_ =	shalt  }
0x52: {  	_ =	shalt  }
0x53: {  	_ =	shalt  }
0x54: {  	_ =	shalt  }
0x55: {  	_ =	shalt  }
0x56: {  	_ =	shalt  }
0x57: {  	_ =	shalt  }
0x58: {  	_ =	shalt  }
0x59: {  	_ =	shalt  }
0x5a: {  	_ =	shalt  }
0x5b: {  	_ =	shalt  }
0x5c: {  	_ =	shalt  }
0x5d: {  	_ =	shalt  }
0x5e: {  	_ =	shalt  }
0x5f: {  	_ =	shalt  }
0x60: {  	_ =	shalt  }
0x61: {  	_ =	shalt  }
0x62: {  	_ =	shalt  }
0x63: {  	_ =	shalt  }
0x64: {  	_ =	shalt  }
0x65: {  	_ =	shalt  }
0x66: {  	_ =	shalt  }
0x67: {  	_ =	shalt  }
0x68: {  	_ =	shalt  }
0x69: {  	_ =	shalt  }
0x6a: {  	_ =	shalt  }
0x6b: {  	_ =	shalt  }
0x6c: {  	_ =	shalt  }
0x6d: {  	_ =	shalt  }
0x6e: {  	_ =	shalt  }
0x6f: {  	_ =	shalt  }
0x70: {  	_ =	shalt  }
0x71: {  	_ =	shalt  }
0x72: {  	_ =	shalt  }
0x73: {  	_ =	shalt  }
0x74: {  	_ =	shalt  }
0x75: {  	_ =	shalt  }
0x76: {  	_ =	shalt  }
0x77: {  	_ =	shalt  }
0x78: {  	_ =	shalt  }
0x79: {  	_ =	shalt  }
0x7a: {  	_ =	shalt  }
0x7b: {  	_ =	shalt  }
0x7c: {  	_ =	shalt  }
0x7d: {  	_ =	shalt  }
0x7e: {  	_ =	shalt  }
0x7f: {  	_ =	shalt  }
0x80: {  	_ =	shalt  }
0x81: {  	_ =	shalt  }
0x82: {  	_ =	shalt  }
0x83: {  	_ =	shalt  }
0x84: {  	_ =	shalt  }
0x85: {  	_ =	shalt  }
0x86: {  	_ =	shalt  }
0x87: {  	_ =	shalt  }
.Lfunc_end0:
.L_simem_size_0:
called_computation_lowered:
.L_overlay_start_0:
0x88: {  	s2 =	sld [smem:$0x3FD9]  }
0x89: {  	s3 =	sld [smem:$0x3FFE];
	_ =	sdelay $0x1  }
0x8a: {  	s1 =	srdreg.scid  }
0x8b: {  	s0 =	sand.u32 $0x1, s1  }
0x8c: {  	s14 =	sshll.u32 s0, $0xA;
	s2 =	sadd.s32 s3, s2  }
0x8d: {  	s2 =	sadd.s32 s2, s14  }
0x8e: {  	[smem:$0x3FC2] =	sst s2  }
0x8f: {  	_ = 	snop  }
0x90: {  	s2 =	sld [smem:$0x3FD0];
	_ =	sdelay $0x2  }
0x91: {  	s15 =	simm.s32 $0xA;
	s4 =	simm.s32 $0x10  }
0x92: {  	[smem:s4], [sflag:s15] =	dma.local [hbm:s2], $0x1  }
0x93: {  	_ =	swait.eq [sflag:s15], $0x1  }
0x94: {  	[sflag:s15] =	ssyncset.done $0x0  }
0x95: {  	s16 =	sld [smem:$0x10];
	[sflag:s15] =	ssyncadd.s32 $0xFFFFFFFF  }
0x96: {  	s17 =	sld [smem:$0x11];
	(tm) =	ssettm $0x1  }
0x97: {  	s18 =	sld [smem:$0x3FFB];
	_ =	sdelay $0x3  }
0x98: {  	_ =	strace s18  }
0x99: {  	s4 =	sld [smem:$0x3FFC];
	_ =	sdelay $0x3  }
0x9a: {  	_ =	strace s4  }
0x9b: {  	s4 =	sld [smem:$0x3FFD];
	_ =	sdelay $0x3  }
0x9c: {  	_ =	strace s4  }
0x9d: {  	_ =	strace $0x8FFFFFFF  }
0x9e: {  	s19 =	sld [smem:$0x3FDB];
	_ =	sdelay $0x1  }
0x9f: {  	s5 =	simm.s32 $_scs_section_size  }
0xa0: {  	s6 =	simm.s32 $_size__tile_overlayer_lowered;
	s7 =	simm.s32 $_tile_overlayer_lowered  }
0xa1: {  	s22 =	simm.s32 $0x1BFF;
	s21 =	sshll.u32 s7, $0x1;
	s4 =	sadd.s32 s5, s19  }
0xa2: {  	s8 =	simm.s32 $0x0;
	s20 =	sshll.u32 s6, $0x1;
	s6 =	sadd.s32 s21, s4  }
0xa3: {  	[timem:s8], [sflag:s22] =	dma.local [hbm:s6], s20  }
0xa4: {  	_ =	swait.ge [sflag:s22], s20  }
0xa5: {  	s5 =	ssub.s32 $0x0, s20;
	[sflag:s22] =	ssyncset.done $0x0  }
0xa6: {  	[sflag:s22] =	ssyncadd.s32 s5;
	_ =	sdelay $0x1  }
0xa7: {  	s23 =	simm.s32 $0x1B8B  }
0xa8: {  	_ =	swait.ge [sflag:s23], $0x1  }
0xa9: {  	[sflag:s23] =	ssyncset.done $0x0  }
0xaa: {  	s25 =	simm.s32 $0x1B8E;
	s24 =	sld [smem:$0x3FFE];
	[sflag:s23] =	ssyncadd.s32 $0xFFFFFFFF  }
0xab: {  	s26 =	simm.s32 $execute0_lowered;
	[smem:$0x3FD2] =	sst s25  }
0xac: {  	s6 =	sshll.u32 s26, $0x1;
	_ =	strace $0x80000046;
	[dreg:$0x1] =	wrdreg $0xFFFFFFFF  }
0xad: {  	s28 =	simm.s32 $_size_execute0_lowered;
	s4 =	sadd.s32 s4, s6;
	[dreg:$0x0] =	wrdreg $0x0  }
0xae: {  	s6 =	sshll.u32 s28, $0x1;
	[dreg:$0x2] =	wrdreg s4  }
0xaf: {  	[dreg:$0x3] =	wrdreg s6  }
0xb0: {  	[dreg:$0x4] =	wrdreg $0xC0  }
0xb1: {  	_ =	task [dreg:s8], $0x5FFFF  }
0xb2: {  	[dreg:$0x1] =	wrdreg $0xFFFFFFFF  }
0xb3: {  	[dreg:$0x0] =	wrdreg $0x60  }
0xb4: {  	[dreg:$0x2] =	wrdreg s16  }
0xb5: {  	[dreg:$0x3] =	wrdreg s24  }
0xb6: {  	[dreg:$0x4] =	wrdreg s17  }
0xb7: {  	[dreg:$0x5] =	wrdreg $0x17000  }
0xb8: {  	[dreg:$0x6] =	wrdreg $0x9  }
0xb9: {  	_ =	task.clear_ibuf [dreg:s8], $0x7FFFF;
	_ =	strace $0x90000046  }
0xba: {  	s29 =	simm.s32 $0x9;
	_ =	strace $0x80000048  }
0xbb: {  	_ =	swait.ge [sflag:s29], $0x1  }
0xbc: {  	[sflag:s29] =	ssyncadd.s32 $0xFFFFFFFF  }
0xbd: {  	_ =	strace $0x90000048  }
0xbe: {  	_ =	sfence  }
0xbf: {  	s30 =	sld [smem:$0x0];
	_ =	sdelay $0x2  }
0xc0: {  	s31 =	sshll.u32 s1, $0xD;
	s1 =	sshrl.u32 s1, $0x2  }
0xc1: {  	s3 =	sand.u32 $0x4000, s31;
	s1 =	sadd.s32 s1, s30  }
0xc2: {  	s0 =	sor.u32 s3, s0;
	s1 =	sshll.u32 s1, $0x11  }
0xc3: {  	s0 =	sor.u32 s1, s0  }
0xc4: {  	s0 =	sadd.s32 $0x8F2B, s0  }
0xc5: {  	[sflag:s0] =	ssyncadd.remote.s32 $0x1  }
0xc6: {  	_ =	sfence.sel $0xFFFF  }
0xc7: {  	[dreg:$0x0] =	wrdreg $0xFFFFFFFF;
	(pc) =	sbr.abs _section_cstart, $3  }
0xc8: {  	[dreg:$0x1] =	wrdreg $0xFFFFFFFF  }
0xc9: {  	_ =	task.clear_ibuf [dreg:s8], $0x2FFFF;
	_ =	strace $0x9FFFFFFF  }
0xca: {  	(tm) =	ssettm $0x7FFFFFFF  }
0xcb: {  	_ =	shalt  }
tec
execute0_lowered:
.L_overlay_start_1:
0x0: {  	(tag) =	ssettag $0x1  }
0x1: {  	s0 =	rddreg [dreg:$0x1]  }
0x2: {  	s1 =	rddreg [dreg:$0x2]  }
0x3: {  	s3 =	rddreg [dreg:$0x3]  }
0x4: {  	s6 =	stileid.u32;
	s2 =	srdreg.scid  }
0x5: {  	s4 =	simm.s32 $0x0;
	s11 =	simm.s32 $0x2;
	s12 =	simm.s32 $0xB340  }
0x6: {  	s13 =	simm.s32 $0xC80;
	s14 =	simm.s32 $0xD00;
	s15 =	simm.s32 $0xD80  }
0x7: {  	s16 =	simm.s32 $0xE00;
	s17 =	simm.s32 $0xE80;
	s18 =	simm.s32 $0xF00  }
0x8: {  	s19 =	simm.s32 $0xF80;
	s20 =	simm.s32 $0x1000;
	s21 =	simm.s32 $0x1  }
0x9: {  	s24 =	simm.s32 $0x0;
	s2 =	sand.u32 $0x1, s2;
	s5 =	sshll.u32 s6, $0x1  }
0xa: {  	s6 =	smul.u32 $0x9C40, s6;
	[smem:$0x7FF] =	sst s4;
	s7 =	sor.u32 s2, s5  }
.Ltmp0:
0xb: {  	_ =	strace $0x80000047;
	s2 =	ssub.s32 $0x2, s2;
	(pc) =	sbr.rel .LBB2_1-.Ltmp0, $4  }
0xc: {  	s8 =	smul.u32 $0x42, s7;
	s31 =	sshrl.u32 s6, $0x3;
	s9 =	sshrl.u32 s2, $0x1  }
0xd: {  	s6 =	sadd.s32 s6, s3;
	s7 =	smul.u32 $0x210, s7;
	s5 =	sadd.s32 s31, s0  }
0xe: {  	s2 =	ssub.s32 s2, s9;
	s0 =	sadd.s32 s8, s0;
	s5 =	sadd.s32 $0x1200, s5  }
0xf: {  	v0 =	vlaneseq.u32;
	v1 =	vimm.s32 $0x0;
	vm0 =	vmmov $0xffff;
	s8 =	sadd.s32 s1, s8;
	s10 =	smax.u32 s2, $0x1;
	s9 =	sadd.s32 $0x14C00, s0  }
.LBB2_7:
0x10: {  	s0 =	simm.s32 $0x1080  }
0x11: {  	[hbm4b:s8+s4] =	stream.linear.scatter [tilespmem:s0], [sflag:$0x2], $0x210, $0x38;
	[tilespmem:$0x14FC0] =	vst v63  }
0x12: {  	s24 =	sadd.s32 $0x1, s24;
	_ =	swait.ge [sflag:s11], $0x210  }
0x13: {  	p0 =	sne.s32 s24, s10;
	[sflag:s11] =	ssyncset.done $0x0  }
.Ltmp1:
0x14: {  	s31 =	simm.s32 $0x1300;
	[sflag:s11] =	ssyncadd.s32 $0xFFFFFDF0;
	(pc) =	sbr.rel @!p0 .LBB2_8-.Ltmp1, $4  }
0x15: {  	[hbm4b:s9+s4] =	stream.linear.scatter [tilespmem:s31], [sflag:$0x2], $0x210, $0x38;
	[tilespmem:$0x14FC0] =	vst v63  }
0x16: {  	_ =	swait.ge [sflag:s11], $0x210  }
0x17: {  	[sflag:s11] =	ssyncset.done $0x0  }
0x18: {  	[sflag:s11] =	ssyncadd.s32 $0xFFFFFDF0  }
.LBB2_1:
0x19: {  	s0 =	rddreg [dreg:$0x0]  }
0x1a: {  	[tilespmem:s4], [sflag:$0x2] =	stream.linear.gather [hbm4b:s0+s4], $0xC80, $0x38;
	[tilespmem:$0x14FC0] =	vst v63  }
0x1b: {  	_ =	swait.ge [sflag:s11], $0xC80  }
0x1c: {  	[sflag:s11] =	ssyncset.done $0x0  }
0x1d: {  	[sflag:s11] =	ssyncadd.s32 $0xFFFFF380  }
0x1e: {  	[tilespmem:s12], [sflag:$0x2] =	stream.linear.gather [hbm4b:s5+s4], $0x9C40, $0x38;
	[tilespmem:$0x14FC0] =	vst v63  }
0x1f: {  	_ =	swait.ge [sflag:s11], $0x9C40  }
0x20: {  	[sflag:s11] =	ssyncset.done $0x0  }
0x21: {  	[sflag:s11] =	ssyncadd.s32 $0xFFFF63C0  }
0x22: {  	[spmem:s6] =	stream.linear.scatter [tilespmem:s12], [sflag:$0x2], $0x9C40, $0x38;
	[tilespmem:$0x14FC0] =	vst v63  }
.Ltmp2:
0x23: {  	_ =	swait.ge [sflag:s11], $0x9C40;
	(pc) =	sbr.rel .LBB2_2-.Ltmp2, $4  }
0x24: {  	[sflag:s11] =	ssyncset.done $0x0  }
0x25: {  	[sflag:s11] =	ssyncadd.s32 $0xFFFF63C0  }
0x26: {  	[bflag:$0x0] =	sbarrier.arrive $0xFFFF  }
0x27: {  	s25 =	simm.s32 $0x0  }
.LBB2_6:
0x28: {  	v2 =	vld [tilespmem:$0x1580]  }
0x29: {  	v3 =	vld [tilespmem:$0x1600];
	_ =	sdelay $0x3  }
0x2a: {  	vm1 =	veq.s32 v2, $0x0  }
0x2b: {  	v2 =	vld [tilespmem:$0x1680];
	v3 =	vsel vm1, $0x0, v3  }
0x2c: {  	s25 =	sadd.s32 $0x1, s25;
	v3 =	vcvt.s32.f32 v3  }
0x2d: {  	p0 =	sne.s32 s25, $0x21  }
.Ltmp3:
0x2e: {  	v3 =	vmul.f32 $5.000000000e-01, v3;
	(pc) =	sbr.rel @!p0 .LBB2_7-.Ltmp3, $4  }
0x2f: {  	_ = 	snop  }
0x30: {  	v2 =	vsel vm1, $0x9, v2;
	v3 =	vadd.f32 $1.000000000e+00, v3  }
0x31: {  	[tilespmem:s26+$0x1080] =	vst v2  }
0x32: {  	[tilespmem:s26+$0x1300] =	vst v3  }
.LBB2_2:
0x33: {  	s26 =	sshll.u32 s25, $0x4  }
0x34: {  	s0 =	sadd.s32 s7, s26  }
0x35: {  	s1 =	sshrl.u32 s0, $0x8  }
0x36: {  	s1 =	smul.u32 $0x5E, s1;
	_ =	sdelay $0x1  }
0x37: {  	s1 =	sshrl.u32 s1, $0xA  }
0x38: {  	s2 =	smul.u32 $0xFFFFF500, s1;
	_ =	sdelay $0x1  }
0x39: {  	s0 =	sadd.s32 s0, s2  }
0x3a: {  	v2 =	vor.u32 s0, v0  }
0x3b: {  	v3 =	vcvt.s32.f32 v2;
	_ =	sdelay $0x1  }
0x3c: {  	v3 =	vmul.f32 $1.136363670e-02, v3;
	_ =	sdelay $0x1  }
0x3d: {  	v3 =	vtrunc.f32 v3  }
0x3e: {  	v4 =	vcvt.f32.s32 v3;
	_ =	sdelay $0x1  }
0x3f: {  	v4 =	vmul.u32 $0xFFFFFFA8, v4;
	_ =	sdelay $0x1  }
0x40: {  	s31 =	smul.u32 $0x210, s1;
	v2 =	vadd.s32 v2, v4  }
0x41: {  	v2 =	vcvt.s32.f32 v2  }
0x42: {  	v4 =	vld [tilespmem:s31+$0x1B0]  }
0x43: {  	v5 =	vld [tilespmem:s31+$0x1C0];
	v2 =	vadd.f32 $5.000000000e-01, v2  }
0x44: {  	v3 =	vadd.f32 $5.000000000e-01, v3  }
0x45: {  	v6 =	vld [tilespmem:s31+$0x1D0];
	v2 =	vmul.f32 $8.000000000e+00, v2  }
0x46: {  	v7 =	vld [tilespmem:s31+$0x0];
	v3 =	vmul.f32 $8.000000000e+00, v3  }
0x47: {  	v2 =	vsub.f32 v2, v4;
	v4 =	vld [tilespmem:s31+$0x10]  }
0x48: {  	v3 =	vsub.f32 v3, v5  }
0x49: {  	v8 =	vld [tilespmem:s31+$0x20];
	v5 =	vmul.f32 $6.553700000e+04, v2  }
0x4a: {  	v9 =	vmul.f32 $6.553700000e+04, v3  }
0x4b: {  	v6 =	vsub.f32 $1.000000000e+00, v6;
	v10 =	vmul.f32 $6.553700000e+04, v7;
	v2 =	vsub.f32 v5, v2  }
0x4c: {  	v3 =	vsub.f32 v9, v3;
	v11 =	vmul.f32 $6.553700000e+04, v4  }
0x4d: {  	v7 =	vsub.f32 v10, v7;
	v5 =	vsub.f32 v5, v2;
	v2 =	vmul.f32 $6.553700000e+04, v6  }
0x4e: {  	v12 =	vld [tilespmem:s31+$0x30];
	v3 =	vsub.f32 v9, v3;
	v9 =	vmul.f32 $6.553700000e+04, v8;
	v4 =	vsub.f32 v11, v4  }
0x4f: {  	v7 =	vsub.f32 v10, v7;
	v10 =	vld [tilespmem:s31+$0x40];
	v6 =	vsub.f32 v2, v6  }
0x50: {  	v8 =	vsub.f32 v9, v8;
	v4 =	vsub.f32 v11, v4;
	v11 =	vld [tilespmem:s31+$0x60]  }
0x51: {  	v13 =	vld [tilespmem:s31+$0x70];
	v6 =	vsub.f32 v2, v6  }
0x52: {  	v2 =	vmul.f32 v7, v5;
	v7 =	vsub.f32 v9, v8;
	v8 =	vld [tilespmem:s31+$0x50];
	v4 =	vmul.f32 v4, v3  }
0x53: {  	v14 =	vld [tilespmem:s31+$0x80];
	v9 =	vmul.f32 $6.553700000e+04, v12  }
0x54: {  	v2 =	vadd.f32 v4, v2;
	v4 =	vmul.f32 v7, v6;
	v7 =	vmul.f32 $6.553700000e+04, v10  }
0x55: {  	v12 =	vsub.f32 v9, v12;
	v15 =	vmul.f32 $6.553700000e+04, v11  }
0x56: {  	v2 =	vadd.f32 v4, v2;
	v4 =	vsub.f32 v7, v10;
	v10 =	vmul.f32 $6.553700000e+04, v13  }
0x57: {  	v9 =	vsub.f32 v9, v12;
	v12 =	vmul.f32 $6.553700000e+04, v8;
	v11 =	vsub.f32 v15, v11  }
0x58: {  	v16 =	vld [tilespmem:s31+$0x90];
	v4 =	vsub.f32 v7, v4;
	v7 =	vsub.f32 v10, v13;
	v13 =	vmul.f32 $6.553700000e+04, v14  }
0x59: {  	v8 =	vsub.f32 v12, v8;
	v11 =	vsub.f32 v15, v11;
	v15 =	vld [tilespmem:s31+$0xA0]  }
0x5a: {  	v7 =	vsub.f32 v10, v7;
	v10 =	vsub.f32 v13, v14;
	v14 =	vld [tilespmem:s31+$0xB0]  }
0x5b: {  	v9 =	vmul.f32 v9, v5;
	v4 =	vmul.f32 v4, v3;
	v8 =	vsub.f32 v12, v8;
	v12 =	vld [tilespmem:s31+$0xC0]  }
0x5c: {  	v5 =	vmul.f32 v11, v5;
	v11 =	vld [tilespmem:s31+$0xE0];
	v3 =	vmul.f32 v7, v3;
	v7 =	vsub.f32 v13, v10  }
0x5d: {  	v10 =	vld [tilespmem:s31+$0xD0];
	v4 =	vadd.f32 v4, v9;
	v8 =	vmul.f32 v8, v6;
	v9 =	vmul.f32 $6.553700000e+04, v16  }
0x5e: {  	v13 =	vld [tilespmem:s31+$0xF0];
	v5 =	vadd.f32 v3, v5;
	v6 =	vmul.f32 v7, v6;
	v7 =	vmul.f32 $6.553700000e+04, v15  }
0x5f: {  	v17 =	vld [tilespmem:s31+$0x100];
	v3 =	vadd.f32 v8, v4;
	v8 =	vsub.f32 v9, v16;
	v16 =	vmul.f32 $6.553700000e+04, v14  }
0x60: {  	v18 =	vld [tilespmem:s31+$0x110];
	v4 =	vadd.f32 v6, v5;
	v6 =	vsub.f32 v7, v15  }
0x61: {  	v20 =	vld [tilespmem:s31+$0x130];
	v15 =	vmul.f32 $6.553700000e+04, v12;
	v5 =	vsub.f32 v9, v8;
	v8 =	vsub.f32 v16, v14  }
0x62: {  	v19 =	vmul.f32 $6.553700000e+04, v11;
	v9 =	vmul.f32 $6.553700000e+04, v10;
	v14 =	vld [tilespmem:s31+$0x120];
	v6 =	vsub.f32 v7, v6  }
0x63: {  	v22 =	vld [tilespmem:s31+$0x150];
	v12 =	vsub.f32 v15, v12;
	v7 =	vsub.f32 v16, v8;
	v16 =	vmul.f32 $6.553700000e+04, v13  }
0x64: {  	v21 =	vld [tilespmem:s31+$0x140];
	v11 =	vsub.f32 v19, v11;
	v10 =	vsub.f32 v9, v10  }
0x65: {  	v23 =	vld [tilespmem:s31+$0x160];
	v8 =	vsub.f32 v15, v12;
	v12 =	vmul.f32 $6.553700000e+04, v17;
	v13 =	vsub.f32 v16, v13  }
0x66: {  	v25 =	vld [tilespmem:s31+$0x180];
	v15 =	vmul.f32 $6.553700000e+04, v18;
	v9 =	vsub.f32 v9, v10;
	v10 =	vsub.f32 v19, v11  }
0x67: {  	v26 =	vld [tilespmem:s31+$0x190];
	v17 =	vsub.f32 v12, v17;
	v19 =	vmul.f32 $6.553700000e+04, v14;
	v11 =	vsub.f32 v16, v13  }
0x68: {  	v24 =	vld [tilespmem:s31+$0x170];
	v13 =	vsub.f32 v15, v18;
	v16 =	vmul.f32 $6.553700000e+04, v20;
	v18 =	vmul.f32 $6.553700000e+04, v22  }
0x69: {  	v27 =	vld [tilespmem:s31+$0x1A0];
	v12 =	vsub.f32 v12, v17;
	v14 =	vsub.f32 v19, v14;
	v17 =	vmul.f32 $6.553700000e+04, v21  }
0x6a: {  	v13 =	vsub.f32 v15, v13;
	v15 =	vsub.f32 v16, v20;
	v20 =	vmul.f32 $6.553700000e+04, v23  }
0x6b: {  	v28 =	vmul.f32 $6.553700000e+04, v25;
	v14 =	vsub.f32 v19, v14;
	v19 =	vsub.f32 v17, v21  }
0x6c: {  	v29 =	vmul.f32 $6.553700000e+04, v26;
	v21 =	vsub.f32 v18, v22;
	v22 =	vsub.f32 v20, v23  }
0x6d: {  	v15 =	vsub.f32 v16, v15;
	v23 =	vmul.f32 $6.553700000e+04, v24;
	v16 =	vsub.f32 v17, v19  }
.Ltmp4:
0x6e: {  	v30 =	vmul.f32 $6.553700000e+04, v27;
	v17 =	vld [tilespmem:s31+$0x1E0];
	v18 =	vsub.f32 v18, v21;
	v20 =	vsub.f32 v20, v22;
	(pc) =	sbr.rel .LBB2_3-.Ltmp4, $4  }
0x6f: {  	v19 =	vld [tilespmem:s31+$0x1F0];
	v22 =	vsub.f32 v23, v24;
	v24 =	vsub.f32 v28, v25  }
0x70: {  	v21 =	vld [tilespmem:s31+$0x200];
	[tilespmem:$0x1580] =	vst v1;
	v25 =	vsub.f32 v29, v26;
	v26 =	vsub.f32 v30, v27  }
0x71: {  	[tilespmem:$0x1600] =	vst v1;
	v22 =	vsub.f32 v23, v22;
	v23 =	vsub.f32 v28, v24  }
0x72: {  	s28 =	simm.s32 $0x0;
	s0 =	simm.s32 $0x0;
	[tilespmem:$0x1680] =	vst v1;
	v24 =	vsub.f32 v29, v25;
	v25 =	vsub.f32 v30, v26  }
.LBB2_5:
0x73: {  	s28 =	sadd.s32 $0x8, s28  }
0x74: {  	p0 =	sne.s32 s28, $0x58  }
.Ltmp5:
0x75: {  	_ = 	snop;
	(pc) =	sbr.rel @!p0 .LBB2_6-.Ltmp5, $1  }
0x76: {  	_ =	sdelay $0x3  }
.LBB2_3:
0x77: {  	p0 =	sne.s32 s0, $0x0  }
.Ltmp6:
0x78: {  	_ = 	snop;
	(pc) =	sbr.rel @p0 .LBB2_5-.Ltmp6, $2  }
0x79: {  	_ =	sdelay $0x2  }
0x7a: {  	s0 =	simm.s32 $0x1  }
0x7b: {  	s0 =	scvt.s32.f32 s28;
	_ =	sdelay $0x1  }
0x7c: {  	s0 =	smul.f32 $5.000000000e-01, s0;
	_ =	sdelay $0x1  }
0x7d: {  	s0 =	sadd.f32 $1.000000000e+00, s0;
	_ =	sdelay $0x1  }
0x7e: {  	v26 =	vmul.f32 s0, v2;
	v27 =	vmul.f32 s0, v3;
	_ =	sdelay $0x1  }
0x7f: {  	v28 =	vmul.f32 $6.553700000e+04, v26;
	v29 =	vmul.f32 $6.553700000e+04, v27  }
0x80: {  	v30 =	vmul.f32 s0, v4  }
0x81: {  	v26 =	vsub.f32 v28, v26;
	v27 =	vsub.f32 v29, v27  }
0x82: {  	v31 =	vmul.f32 $6.553700000e+04, v30  }
0x83: {  	v26 =	vsub.f32 v28, v26;
	v27 =	vsub.f32 v29, v27  }
0x84: {  	v59 =	vsub.f32 v31, v30  }
0x85: {  	v60 =	vmul.f32 v26, v5;
	v61 =	vmul.f32 v27, v6  }
0x86: {  	v28 =	vsub.f32 v31, v59;
	v62 =	vmul.f32 v26, v8;
	v32 =	vmul.f32 v27, v9  }
0x87: {  	v26 =	vmul.f32 v26, v11;
	v27 =	vmul.f32 v27, v12  }
0x88: {  	s29 =	sadd.s32 $0x1, s28;
	v63 =	vmul.f32 v28, v7;
	v33 =	vmul.f32 v28, v10;
	v29 =	vadd.f32 v61, v60  }
0x89: {  	s2 =	scvt.s32.f32 s29;
	v31 =	vadd.f32 v32, v62;
	v26 =	vadd.f32 v27, v26;
	v27 =	vmul.f32 v28, v13  }
0x8a: {  	v29 =	vadd.f32 v29, v63  }
0x8b: {  	s0 =	smul.f32 $5.000000000e-01, s2;
	v33 =	vadd.f32 v31, v33;
	v26 =	vadd.f32 v26, v27  }
0x8c: {  	v34 =	vmul.f32 $6.553700000e+04, v29  }
0x8d: {  	s0 =	sadd.f32 $1.000000000e+00, s0;
	v27 =	vmul.f32 $6.553700000e+04, v33;
	v35 =	vmul.f32 $6.553700000e+04, v26  }
0x8e: {  	v29 =	vsub.f32 v34, v29  }
0x8f: {  	v40 =	vmul.f32 s0, v2;
	v30 =	vsub.f32 v27, v33;
	v26 =	vsub.f32 v35, v26  }
0x90: {  	v42 =	vmul.f32 s0, v4;
	v28 =	vsub.f32 v34, v29  }
0x91: {  	v41 =	vmul.f32 $6.553700000e+04, v40;
	v27 =	vsub.f32 v27, v30;
	v26 =	vsub.f32 v35, v26  }
0x92: {  	v34 =	vmul.f32 s0, v3;
	v29 =	vmul.f32 v28, v14  }
0x93: {  	s30 =	sadd.s32 $0x2, s28;
	v33 =	vsub.f32 v41, v40;
	v30 =	vmul.f32 v27, v15;
	v36 =	vmul.f32 v26, v16  }
0x94: {  	s22 =	scvt.s32.f32 s30;
	v37 =	vmul.f32 v28, v18;
	v38 =	vmul.f32 v27, v20  }
0x95: {  	v31 =	vsub.f32 v41, v33;
	v39 =	vmul.f32 v26, v22;
	v28 =	vmul.f32 v28, v23  }
0x96: {  	s0 =	smul.f32 $5.000000000e-01, s22;
	v27 =	vmul.f32 v27, v24;
	v35 =	vmul.f32 $6.553700000e+04, v34  }
0x97: {  	v26 =	vmul.f32 v26, v25;
	v33 =	vmul.f32 v31, v5  }
0x98: {  	v44 =	vmul.f32 v31, v8;
	s0 =	sadd.f32 $1.000000000e+00, s0;
	v29 =	vadd.f32 v30, v29;
	v30 =	vadd.f32 v38, v37  }
0x99: {  	v31 =	vmul.f32 v31, v11;
	v27 =	vadd.f32 v27, v28;
	v34 =	vsub.f32 v35, v34  }
0x9a: {  	v56 =	vmul.f32 s0, v2;
	v57 =	vmul.f32 s0, v3;
	v29 =	vadd.f32 v29, v36  }
0x9b: {  	v30 =	vadd.f32 v30, v39;
	v26 =	vadd.f32 v27, v26;
	v27 =	vmul.f32 $6.553700000e+04, v42  }
0x9c: {  	v43 =	vsub.f32 v35, v34;
	v58 =	vmul.f32 $6.553700000e+04, v56;
	v59 =	vmul.f32 $6.553700000e+04, v57  }
0x9d: {  	s31 =	sadd.s32 $0x3, s28;
	v36 =	vmul.f32 s0, v4;
	v29 =	vadd.f32 v29, v17;
	v30 =	vadd.f32 v30, v19  }
0x9e: {  	s23 =	scvt.s32.f32 s31;
	v28 =	vsub.f32 v27, v42;
	v34 =	vmul.f32 v43, v6;
	v35 =	vmul.f32 v43, v9  }
0x9f: {  	v26 =	vadd.f32 v26, v21;
	v32 =	vmul.f32 v43, v12;
	v37 =	vmul.f32 $6.553700000e+04, v36  }
0xa0: {  	s0 =	smul.f32 $5.000000000e-01, s23;
	v27 =	vsub.f32 v27, v28;
	v33 =	vadd.f32 v34, v33;
	v29 =	vmul.f32 $2.500000000e+00, v29  }
0xa1: {  	v28 =	vadd.f32 v35, v44;
	v30 =	vmul.f32 $2.500000000e+00, v30;
	v26 =	vmul.f32 $2.500000000e+00, v26  }
0xa2: {  	s0 =	sadd.f32 $1.000000000e+00, s0;
	v31 =	vadd.f32 v32, v31;
	v45 =	vmul.f32 v27, v7;
	v46 =	vmul.f32 v27, v10  }
0xa3: {  	v27 =	vmul.f32 v27, v13;
	v29 =	vadd.f32 $1.000000000e+02, v29;
	v30 =	vadd.f32 $1.000000000e+02, v30  }
0xa4: {  	v39 =	vmul.f32 s0, v4;
	v26 =	vadd.f32 $3.000000000e+00, v26;
	v47 =	vadd.f32 v33, v45  }
0xa5: {  	v28 =	vadd.f32 v28, v46;
	v27 =	vadd.f32 v31, v27;
	v29 =	vmax.f32 v29, $0.0e+00  }
0xa6: {  	v30 =	vmax.f32 v30, $0.0e+00;
	v26 =	vmax.f32 v26, $0.0e+00;
	v29 =	vmin.f32 v29, $1.990000000e+02  }
0xa7: {  	v30 =	vmin.f32 v30, $1.990000000e+02;
	v48 =	vmul.f32 $6.553700000e+04, v47;
	v49 =	vmul.f32 $6.553700000e+04, v28  }
0xa8: {  	v26 =	vmin.f32 v26, $1.500000000e+01;
	v50 =	vmul.f32 $6.553700000e+04, v27;
	v29 =	vtrunc.f32 v29  }
0xa9: {  	v30 =	vtrunc.f32 v30;
	v32 =	vsub.f32 v48, v47;
	v28 =	vsub.f32 v49, v28  }
0xaa: {  	v26 =	vtrunc.f32 v26;
	v29 =	vcvt.f32.s32 v29;
	v27 =	vsub.f32 v50, v27  }
0xab: {  	v30 =	vcvt.f32.s32 v30;
	v31 =	vsub.f32 v48, v32;
	v28 =	vsub.f32 v49, v28  }
0xac: {  	v26 =	vcvt.f32.s32 v26;
	v27 =	vsub.f32 v50, v27;
	v50 =	vmul.f32 s0, v2  }
0xad: {  	v32 =	vmul.f32 v31, v14;
	v33 =	vmul.f32 v28, v15  }
0xae: {  	v60 =	vsub.f32 v37, v36;
	v51 =	vmul.f32 v31, v18;
	v52 =	vmul.f32 v28, v20  }
0xaf: {  	v29 =	vmul.u32 $0xC8, v29;
	v31 =	vmul.f32 v31, v23;
	v28 =	vmul.f32 v28, v24  }
0xb0: {  	v34 =	vmul.f32 v27, v16;
	v53 =	vmul.f32 v27, v22;
	v32 =	vadd.f32 v33, v32  }
0xb1: {  	v27 =	vmul.f32 v27, v25;
	v33 =	vadd.f32 v52, v51;
	v28 =	vadd.f32 v28, v31  }
0xb2: {  	v29 =	vadd.s32 v30, v29;
	v30 =	vsub.f32 v37, v60;
	v32 =	vadd.f32 v32, v34  }
0xb3: {  	v38 =	vmul.f32 $6.553700000e+04, v50;
	v55 =	vadd.f32 v33, v53;
	v27 =	vadd.f32 v28, v27  }
0xb4: {  	v63 =	vmul.f32 v30, v7;
	v28 =	vsub.f32 v58, v56;
	v33 =	vsub.f32 v59, v57  }
0xb5: {  	v40 =	vmul.f32 v30, v10;
	v54 =	vadd.f32 v32, v17;
	v32 =	vadd.f32 v55, v19  }
0xb6: {  	v52 =	vmul.f32 s0, v3;
	v27 =	vadd.f32 v27, v21;
	v28 =	vsub.f32 v58, v28  }
0xb7: {  	v33 =	vsub.f32 v59, v33;
	v31 =	vmul.f32 $2.500000000e+00, v54;
	v32 =	vmul.f32 $2.500000000e+00, v32  }
0xb8: {  	v27 =	vmul.f32 $2.500000000e+00, v27;
	v34 =	vmul.f32 v28, v5  }
0xb9: {  	v35 =	vmul.f32 v33, v6;
	v61 =	vmul.f32 v28, v8  }
0xba: {  	s0 =	sadd.s32 $0x4, s28;
	v62 =	vmul.f32 v33, v9;
	v28 =	vmul.f32 v28, v11;
	v31 =	vadd.f32 $1.000000000e+02, v31  }
0xbb: {  	s1 =	scvt.s32.f32 s0;
	v33 =	vmul.f32 v33, v12;
	v32 =	vadd.f32 $1.000000000e+02, v32;
	v27 =	vadd.f32 $3.000000000e+00, v27  }
0xbc: {  	v30 =	vmul.f32 v30, v13;
	v34 =	vadd.f32 v35, v34;
	v36 =	vadd.f32 v62, v61  }
0xbd: {  	s1 =	smul.f32 $5.000000000e-01, s1;
	v54 =	vmul.f32 $6.553700000e+04, v52;
	v28 =	vadd.f32 v33, v28;
	v35 =	vsub.f32 v38, v50  }
0xbe: {  	v31 =	vmax.f32 v31, $0.0e+00;
	v41 =	vadd.f32 v34, v63;
	v42 =	vadd.f32 v36, v40  }
0xbf: {  	s1 =	sadd.f32 $1.000000000e+00, s1;
	v32 =	vmax.f32 v32, $0.0e+00;
	v28 =	vadd.f32 v28, v30;
	v27 =	vmax.f32 v27, $0.0e+00  }
0xc0: {  	v36 =	vsub.f32 v54, v52;
	v40 =	vmul.f32 $6.553700000e+04, v39;
	v31 =	vmin.f32 v31, $1.990000000e+02  }
0xc1: {  	v57 =	vsub.f32 v38, v35;
	v52 =	vmul.f32 s1, v2;
	v31 =	vtrunc.f32 v31  }
0xc2: {  	v43 =	vmin.f32 v32, $1.990000000e+02;
	v44 =	vmul.f32 $6.553700000e+04, v41;
	v45 =	vmul.f32 $6.553700000e+04, v42  }
0xc3: {  	v27 =	vmin.f32 v27, $1.500000000e+01;
	v30 =	vtrunc.f32 v43;
	v46 =	vmul.f32 $6.553700000e+04, v28  }
0xc4: {  	v27 =	vtrunc.f32 v27;
	v59 =	vmul.f32 v57, v5  }
0xc5: {  	v58 =	vsub.f32 v40, v39;
	v61 =	vmul.f32 v57, v8;
	v31 =	vcvt.f32.s32 v31  }
0xc6: {  	v30 =	vcvt.f32.s32 v30;
	v33 =	vsub.f32 v44, v41;
	v34 =	vsub.f32 v45, v42  }
0xc7: {  	v27 =	vcvt.f32.s32 v27;
	v28 =	vsub.f32 v46, v28;
	v35 =	vsub.f32 v40, v58  }
0xc8: {  	v58 =	vmul.f32 s1, v4;
	v31 =	vmul.u32 $0xC8, v31;
	v32 =	vsub.f32 v44, v33  }
0xc9: {  	v47 =	vsub.f32 v45, v34;
	v28 =	vsub.f32 v46, v28;
	v63 =	vmul.f32 v35, v7  }
0xca: {  	v42 =	vmul.f32 v35, v10;
	v44 =	vmul.f32 v35, v13;
	v30 =	vadd.s32 v30, v31  }
0xcb: {  	v31 =	vsub.f32 v54, v36;
	v54 =	vmul.f32 s1, v3;
	v48 =	vmul.f32 v32, v14  }
0xcc: {  	v34 =	vmul.f32 v47, v15;
	v49 =	vmul.f32 v28, v16  }
0xcd: {  	v29 =	vshll.u32 v29, $0x4;
	v51 =	vmul.f32 v32, v18;
	v53 =	vmul.f32 v47, v20  }
0xce: {  	v26 =	vadd.s32 v26, v29;
	v55 =	vmul.f32 v28, v22;
	v32 =	vmul.f32 v32, v23  }
0xcf: {  	v30 =	vshll.u32 v30, $0x4;
	v33 =	vmul.f32 v47, v24;
	v60 =	vmul.f32 v31, v6  }
0xd0: {  	v62 =	vmul.f32 v31, v9;
	v29 =	vadd.f32 v34, v48;
	v34 =	vadd.f32 v53, v51  }
0xd1: {  	v28 =	vmul.f32 v28, v25;
	v32 =	vadd.f32 v33, v32;
	v36 =	vadd.f32 v60, v59  }
0xd2: {  	s1 =	sadd.s32 $0x5, s28;
	v31 =	vmul.f32 v31, v12;
	v33 =	vadd.f32 v62, v61;
	v29 =	vadd.f32 v29, v49  }
0xd3: {  	s2 =	scvt.s32.f32 s1;
	v59 =	vmul.f32 $6.553700000e+04, v58;
	v56 =	vadd.f32 v34, v55;
	v28 =	vadd.f32 v32, v28  }
0xd4: {  	v34 =	vmul.f32 v57, v11;
	v43 =	vadd.f32 v36, v63;
	v33 =	vadd.f32 v33, v42  }
0xd5: {  	s2 =	smul.f32 $5.000000000e-01, s2;
	v57 =	vmul.f32 $6.553700000e+04, v54;
	v61 =	vsub.f32 v59, v58;
	v29 =	vadd.f32 v29, v17  }
0xd6: {  	v27 =	vadd.s32 v27, v30;
	v30 =	vadd.f32 v56, v19;
	v31 =	vadd.f32 v31, v34  }
0xd7: {  	s2 =	sadd.f32 $1.000000000e+00, s2;
	v28 =	vadd.f32 v28, v21;
	v56 =	vmul.f32 $6.553700000e+04, v52;
	v37 =	vsub.f32 v57, v54  }
0xd8: {  	v45 =	vmul.f32 $6.553700000e+04, v43;
	v46 =	vmul.f32 $6.553700000e+04, v33;
	v63 =	vsub.f32 v59, v61  }
0xd9: {  	v59 =	vmul.f32 s2, v2;
	v29 =	vmul.f32 $2.500000000e+00, v29;
	v31 =	vadd.f32 v31, v44  }
0xda: {  	v30 =	vmul.f32 $2.500000000e+00, v30;
	v36 =	vsub.f32 v56, v52;
	v35 =	vsub.f32 v57, v37  }
0xdb: {  	v28 =	vmul.f32 $2.500000000e+00, v28;
	v32 =	vsub.f32 v45, v43;
	v33 =	vsub.f32 v46, v33  }
0xdc: {  	v29 =	vadd.f32 $1.000000000e+02, v29;
	v30 =	vadd.f32 $1.000000000e+02, v30;
	v47 =	vmul.f32 $6.553700000e+04, v31  }
0xdd: {  	v28 =	vadd.f32 $3.000000000e+00, v28;
	v60 =	vsub.f32 v56, v36;
	v37 =	vmul.f32 v35, v6  }
0xde: {  	v32 =	vsub.f32 v45, v32;
	v33 =	vsub.f32 v46, v33;
	v45 =	vmul.f32 v35, v9  }
0xdf: {  	v46 =	vmul.f32 v63, v7;
	v35 =	vmul.f32 v35, v12;
	v29 =	vmax.f32 v29, $0.0e+00  }
0xe0: {  	v30 =	vmax.f32 v30, $0.0e+00;
	v31 =	vsub.f32 v47, v31;
	v43 =	vmul.f32 v60, v5  }
0xe1: {  	v28 =	vmax.f32 v28, $0.0e+00;
	v44 =	vmul.f32 v60, v8;
	v48 =	vmul.f32 v32, v14  }
0xe2: {  	v29 =	vmin.f32 v29, $1.990000000e+02;
	v49 =	vmul.f32 v33, v15;
	v51 =	vmul.f32 v32, v18  }
0xe3: {  	v30 =	vmin.f32 v30, $1.990000000e+02;
	v53 =	vmul.f32 v33, v20;
	v32 =	vmul.f32 v32, v23  }
0xe4: {  	v28 =	vmin.f32 v28, $1.500000000e+01;
	v33 =	vmul.f32 v33, v24;
	v29 =	vtrunc.f32 v29  }
0xe5: {  	v31 =	vsub.f32 v47, v31;
	v30 =	vtrunc.f32 v30;
	v28 =	vtrunc.f32 v28  }
0xe6: {  	v36 =	vadd.f32 v37, v43;
	v47 =	vmul.f32 v63, v10;
	v43 =	vmul.f32 s2, v4  }
0xe7: {  	v29 =	vcvt.f32.s32 v29;
	v30 =	vcvt.f32.s32 v30  }
0xe8: {  	v28 =	vcvt.f32.s32 v28;
	v32 =	vadd.f32 v33, v32;
	v33 =	vmul.f32 v60, v11  }
0xe9: {  	v38 =	vadd.f32 v45, v44;
	v60 =	vmul.f32 s2, v3;
	v50 =	vmul.f32 v31, v16  }
0xea: {  	v34 =	vadd.f32 v49, v48;
	v55 =	vmul.f32 v31, v22;
	v31 =	vmul.f32 v31, v25  }
0xeb: {  	v36 =	vadd.f32 v36, v46;
	v48 =	vadd.f32 v38, v47;
	v46 =	vmul.f32 $6.553700000e+04, v43  }
0xec: {  	v29 =	vmul.u32 $0xC8, v29;
	v33 =	vadd.f32 v35, v33;
	v34 =	vadd.f32 v34, v50  }
0xed: {  	v31 =	vadd.f32 v32, v31;
	v49 =	vmul.f32 $6.553700000e+04, v36;
	v50 =	vmul.f32 $6.553700000e+04, v48  }
0xee: {  	v29 =	vadd.s32 v30, v29;
	v30 =	vadd.f32 v53, v51;
	v34 =	vadd.f32 v34, v17  }
0xef: {  	v29 =	vshll.u32 v29, $0x4;
	v31 =	vadd.f32 v31, v21;
	v36 =	vsub.f32 v49, v36  }
0xf0: {  	v37 =	vsub.f32 v50, v48;
	v30 =	vadd.f32 v30, v55;
	v62 =	vmul.f32 $2.500000000e+00, v34  }
0xf1: {  	v34 =	vmul.f32 v63, v13;
	v31 =	vmul.f32 $2.500000000e+00, v31;
	v35 =	vsub.f32 v49, v36  }
0xf2: {  	v28 =	vadd.s32 v28, v29;
	v30 =	vadd.f32 v30, v19;
	v32 =	vadd.f32 $1.000000000e+02, v62  }
0xf3: {  	v63 =	vmul.f32 $6.553700000e+04, v60;
	v33 =	vadd.f32 v33, v34;
	v31 =	vadd.f32 $3.000000000e+00, v31  }
0xf4: {  	v34 =	vsub.f32 v50, v37;
	v36 =	vmul.f32 v35, v14;
	v56 =	vmul.f32 v35, v18  }
0xf5: {  	v35 =	vmul.f32 v35, v23;
	v62 =	vmul.f32 $6.553700000e+04, v59;
	v45 =	vsub.f32 v63, v60  }
0xf6: {  	v30 =	vmul.f32 $2.500000000e+00, v30;
	v32 =	vmax.f32 v32, $0.0e+00;
	v51 =	vmul.f32 $6.553700000e+04, v33  }
0xf7: {  	v31 =	vmax.f32 v31, $0.0e+00;
	v37 =	vmul.f32 v34, v15;
	v57 =	vmul.f32 v34, v20  }
0xf8: {  	v34 =	vmul.f32 v34, v24;
	v44 =	vsub.f32 v62, v59;
	v47 =	vsub.f32 v63, v45  }
0xf9: {  	s2 =	sadd.s32 $0x6, s28;
	v30 =	vadd.f32 $1.000000000e+02, v30;
	v32 =	vmin.f32 v32, $1.990000000e+02;
	v31 =	vmin.f32 v31, $1.500000000e+01  }
0xfa: {  	s22 =	scvt.s32.f32 s2;
	v32 =	vtrunc.f32 v32;
	v33 =	vsub.f32 v51, v33;
	v53 =	vtrunc.f32 v31  }
0xfb: {  	v54 =	vadd.f32 v37, v36;
	v34 =	vadd.f32 v34, v35;
	v49 =	vmul.f32 v47, v6  }
0xfc: {  	s22 =	smul.f32 $5.000000000e-01, s22;
	v40 =	vmul.f32 v47, v9;
	v30 =	vmax.f32 v30, $0.0e+00;
	v33 =	vsub.f32 v51, v33  }
0xfd: {  	v35 =	vmul.f32 v47, v12;
	v32 =	vcvt.f32.s32 v32;
	v30 =	vmin.f32 v30, $1.990000000e+02  }
0xfe: {  	s22 =	sadd.f32 $1.000000000e+00, s22;
	v58 =	vadd.f32 v57, v56;
	v30 =	vtrunc.f32 v30;
	v55 =	vmul.f32 v33, v16  }
0xff: {  	v32 =	vmul.u32 $0xC8, v32;
	v52 =	vcvt.f32.s32 v30;
	v61 =	vmul.f32 v33, v22  }
0x100: {  	v47 =	vmul.f32 s22, v3;
	v33 =	vmul.f32 v33, v25;
	v31 =	vadd.f32 v54, v55  }
0x101: {  	v36 =	vadd.f32 v58, v61;
	v29 =	vadd.s32 v52, v32;
	v32 =	vsub.f32 v62, v44  }
0x102: {  	v30 =	vcvt.f32.s32 v53;
	v33 =	vadd.f32 v34, v33;
	v34 =	vsub.f32 v46, v43  }
0x103: {  	v31 =	vadd.f32 v31, v17;
	v36 =	vadd.f32 v36, v19;
	v48 =	vmul.f32 v32, v5  }
0x104: {  	v33 =	vadd.f32 v33, v21;
	v50 =	vmul.f32 v32, v8;
	v32 =	vmul.f32 v32, v11  }
0x105: {  	v34 =	vsub.f32 v46, v34;
	v46 =	vmul.f32 s22, v2;
	v31 =	vmul.f32 $2.500000000e+00, v31  }
0x106: {  	v36 =	vmul.f32 $2.500000000e+00, v36;
	v33 =	vmul.f32 $2.500000000e+00, v33  }
0x107: {  	v37 =	vadd.f32 v49, v48;
	v51 =	vmul.f32 v34, v7;
	v38 =	vadd.f32 v40, v50  }
0x108: {  	v52 =	vmul.f32 v34, v10;
	v32 =	vadd.f32 v35, v32;
	v34 =	vmul.f32 v34, v13  }
0x109: {  	v48 =	vmul.f32 s22, v4;
	v31 =	vadd.f32 $1.000000000e+02, v31;
	v36 =	vadd.f32 $1.000000000e+02, v36  }
0x10a: {  	v49 =	vmul.f32 $6.553700000e+04, v46;
	v33 =	vadd.f32 $3.000000000e+00, v33;
	v53 =	vadd.f32 v37, v51  }
0x10b: {  	v50 =	vmul.f32 $6.553700000e+04, v47;
	v54 =	vadd.f32 v38, v52;
	v32 =	vadd.f32 v32, v34  }
0x10c: {  	s22 =	sadd.s32 $0x7, s28;
	v41 =	vmul.f32 $6.553700000e+04, v48;
	v31 =	vmax.f32 v31, $0.0e+00;
	v56 =	vmul.f32 $6.553700000e+04, v53  }
0x10d: {  	s23 =	scvt.s32.f32 s22;
	v55 =	vmax.f32 v36, $0.0e+00;
	v38 =	vmul.f32 $6.553700000e+04, v54;
	v57 =	vmul.f32 $6.553700000e+04, v32  }
0x10e: {  	v33 =	vmax.f32 v33, $0.0e+00;
	v31 =	vmin.f32 v31, $1.990000000e+02;
	v34 =	vmin.f32 v55, $1.990000000e+02  }
0x10f: {  	s23 =	smul.f32 $5.000000000e-01, s23;
	v33 =	vmin.f32 v33, $1.500000000e+01;
	v31 =	vtrunc.f32 v31;
	v35 =	vsub.f32 v56, v53  }
0x110: {  	v34 =	vtrunc.f32 v34;
	v37 =	vsub.f32 v38, v54;
	v32 =	vsub.f32 v57, v32  }
0x111: {  	s23 =	sadd.f32 $1.000000000e+00, s23;
	v33 =	vtrunc.f32 v33;
	v53 =	vsub.f32 v49, v46;
	v31 =	vcvt.f32.s32 v31  }
0x112: {  	v34 =	vcvt.f32.s32 v34;
	v33 =	vcvt.f32.s32 v33;
	v35 =	vsub.f32 v56, v35  }
0x113: {  	v46 =	vmul.f32 s23, v2;
	v58 =	vsub.f32 v38, v37;
	v32 =	vsub.f32 v57, v32  }
0x114: {  	v43 =	vmul.f32 s23, v4;
	v59 =	vmul.f32 v35, v14  }
0x115: {  	v29 =	vshll.u32 v29, $0x4;
	v60 =	vmul.f32 v58, v15;
	v61 =	vmul.f32 v32, v16  }
0x116: {  	v29 =	vadd.s32 v30, v29;
	v62 =	vmul.f32 v35, v18;
	v63 =	vmul.f32 v58, v20  }
0x117: {  	v31 =	vmul.u32 $0xC8, v31;
	v35 =	vmul.f32 v35, v23;
	v36 =	vmul.f32 v58, v24  }
0x118: {  	v54 =	vsub.f32 v50, v47;
	v45 =	vmul.f32 v32, v22;
	v32 =	vmul.f32 v32, v25  }
0x119: {  	v31 =	vadd.s32 v34, v31;
	v30 =	vadd.f32 v60, v59;
	v44 =	vadd.f32 v63, v62  }
0x11a: {  	v35 =	vadd.f32 v36, v35;
	v52 =	vshll.u32 v31, $0x4;
	v31 =	vsub.f32 v49, v53  }
0x11b: {  	v36 =	vsub.f32 v50, v54;
	v53 =	vmul.f32 $6.553700000e+04, v43;
	v30 =	vadd.f32 v30, v61  }
0x11c: {  	v34 =	vadd.f32 v44, v45;
	v32 =	vadd.f32 v35, v32;
	v56 =	vmul.f32 v31, v5  }
0x11d: {  	v35 =	vsub.f32 v41, v48;
	v57 =	vmul.f32 v36, v6;
	v59 =	vmul.f32 v31, v8  }
0x11e: {  	v60 =	vmul.f32 v36, v9;
	v31 =	vmul.f32 v31, v11;
	v30 =	vadd.f32 v30, v17  }
0x11f: {  	v36 =	vmul.f32 v36, v12;
	v34 =	vadd.f32 v34, v19;
	v32 =	vadd.f32 v32, v21  }
0x120: {  	v48 =	vmul.f32 s23, v3;
	v35 =	vsub.f32 v41, v35;
	v37 =	vadd.f32 v57, v56  }
0x121: {  	v49 =	vmul.f32 $6.553700000e+04, v46;
	v38 =	vadd.f32 v60, v59;
	v31 =	vadd.f32 v36, v31  }
0x122: {  	v42 =	vmul.f32 $6.553700000e+04, v48;
	v57 =	vsub.f32 v53, v43;
	v51 =	vmul.f32 $2.500000000e+00, v30  }
0x123: {  	v30 =	vadd.s32 v33, v52;
	v34 =	vmul.f32 $2.500000000e+00, v34;
	v58 =	vmul.f32 v35, v7  }
0x124: {  	v61 =	vmul.f32 v35, v10;
	v52 =	vsub.f32 v42, v48;
	v39 =	vsub.f32 v53, v57  }
0x125: {  	v35 =	vmul.f32 v35, v13;
	v55 =	vadd.f32 $1.000000000e+02, v51;
	v34 =	vadd.f32 $1.000000000e+02, v34  }
0x126: {  	v32 =	vmul.f32 $2.500000000e+00, v32;
	v37 =	vadd.f32 v37, v58;
	v62 =	vadd.f32 v38, v61  }
0x127: {  	v31 =	vadd.f32 v31, v35;
	v51 =	vsub.f32 v49, v46;
	v46 =	vmul.f32 v39, v13  }
0x128: {  	v33 =	vmax.f32 v55, $0.0e+00;
	v34 =	vmax.f32 v34, $0.0e+00;
	v63 =	vmul.f32 $6.553700000e+04, v37  }
0x129: {  	v45 =	vmul.f32 $6.553700000e+04, v62;
	v47 =	vmul.f32 $6.553700000e+04, v31;
	v33 =	vmin.f32 v33, $1.990000000e+02  }
0x12a: {  	v34 =	vmin.f32 v34, $1.990000000e+02;
	v33 =	vtrunc.f32 v33;
	v44 =	vsub.f32 v63, v37  }
0x12b: {  	v34 =	vtrunc.f32 v34;
	v36 =	vsub.f32 v45, v62;
	v31 =	vsub.f32 v47, v31  }
0x12c: {  	v37 =	vsub.f32 v42, v52;
	v62 =	vmul.f32 v39, v7;
	v33 =	vcvt.f32.s32 v33  }
0x12d: {  	v34 =	vcvt.f32.s32 v34;
	v35 =	vsub.f32 v63, v44;
	v50 =	vsub.f32 v45, v36  }
0x12e: {  	v31 =	vsub.f32 v47, v31;
	v44 =	vmul.f32 v37, v6;
	v45 =	vmul.f32 v37, v9  }
0x12f: {  	v37 =	vmul.f32 v37, v12;
	v54 =	vmul.f32 v35, v14  }
0x130: {  	v36 =	vsub.f32 v49, v51;
	v55 =	vmul.f32 v50, v15;
	v56 =	vmul.f32 v31, v16  }
0x131: {  	v32 =	vadd.f32 $3.000000000e+00, v32;
	v58 =	vmul.f32 v35, v18;
	v59 =	vmul.f32 v50, v20  }
0x132: {  	v33 =	vmul.u32 $0xC8, v33;
	v60 =	vmul.f32 v36, v5;
	v61 =	vmul.f32 v36, v8  }
0x133: {  	v32 =	vmax.f32 v32, $0.0e+00;
	v36 =	vmul.f32 v36, v11;
	v35 =	vmul.f32 v35, v23  }
0x134: {  	v33 =	vadd.s32 v34, v33;
	v40 =	vadd.f32 v55, v54;
	v41 =	vadd.f32 v59, v58  }
0x135: {  	v34 =	vmul.f32 v50, v24;
	v42 =	vadd.f32 v44, v60;
	v36 =	vadd.f32 v37, v36  }
0x136: {  	v63 =	vmul.f32 v39, v10;
	v38 =	vadd.f32 v40, v56;
	v40 =	vadd.f32 v45, v61  }
0x137: {  	v34 =	vadd.f32 v34, v35;
	v42 =	vadd.f32 v42, v62;
	v45 =	vmul.f32 v31, v22  }
0x138: {  	v32 =	vmin.f32 v32, $1.500000000e+01;
	v36 =	vadd.f32 v36, v46;
	v40 =	vadd.f32 v40, v63  }
0x139: {  	v31 =	vmul.f32 v31, v25;
	v47 =	vmul.f32 $6.553700000e+04, v42;
	v41 =	vadd.f32 v41, v45  }
0x13a: {  	v52 =	vmul.f32 $6.553700000e+04, v36;
	v38 =	vadd.f32 v38, v17;
	v49 =	vmul.f32 $6.553700000e+04, v40  }
0x13b: {  	v32 =	vtrunc.f32 v32;
	v31 =	vadd.f32 v34, v31;
	v48 =	vsub.f32 v47, v42  }
0x13c: {  	v32 =	vcvt.f32.s32 v32;
	v36 =	vsub.f32 v52, v36;
	v51 =	vsub.f32 v49, v40  }
0x13d: {  	v33 =	vshll.u32 v33, $0x4;
	v53 =	vadd.f32 v41, v19;
	v31 =	vadd.f32 v31, v21  }
0x13e: {  	v54 =	vmul.f32 $2.500000000e+00, v38;
	v50 =	vsub.f32 v47, v48;
	v37 =	vsub.f32 v49, v51  }
0x13f: {  	v36 =	vsub.f32 v52, v36;
	v57 =	vmul.f32 $2.500000000e+00, v53;
	v31 =	vmul.f32 $2.500000000e+00, v31  }
0x140: {  	v32 =	vadd.s32 v32, v33;
	v55 =	vmul.f32 v50, v14;
	v56 =	vmul.f32 v37, v15  }
0x141: {  	v34 =	vadd.f32 $1.000000000e+02, v54;
	v58 =	vmul.f32 v36, v16;
	v59 =	vmul.f32 v50, v18  }
0x142: {  	v61 =	vmul.f32 v36, v22;
	v60 =	vmul.f32 v37, v20;
	v38 =	vadd.f32 v56, v55  }
0x143: {  	v33 =	vadd.f32 $1.000000000e+02, v57;
	v35 =	vmul.f32 v50, v23;
	v37 =	vmul.f32 v37, v24  }
0x144: {  	v34 =	vmax.f32 v34, $0.0e+00;
	v40 =	vadd.f32 v60, v59;
	v38 =	vadd.f32 v38, v58  }
0x145: {  	v36 =	vmul.f32 v36, v25;
	v31 =	vadd.f32 $3.000000000e+00, v31;
	v35 =	vadd.f32 v37, v35  }
0x146: {  	v34 =	vmin.f32 v34, $1.990000000e+02;
	v39 =	vadd.f32 v40, v61;
	v38 =	vadd.f32 v38, v17  }
0x147: {  	v33 =	vmax.f32 v33, $0.0e+00;
	v34 =	vtrunc.f32 v34;
	v31 =	vmax.f32 v31, $0.0e+00  }
0x148: {  	v35 =	vadd.f32 v35, v36;
	v62 =	vadd.f32 v39, v19;
	v63 =	vmul.f32 $2.500000000e+00, v38  }
0x149: {  	v33 =	vmin.f32 v33, $1.990000000e+02;
	v34 =	vcvt.f32.s32 v34;
	v31 =	vmin.f32 v31, $1.500000000e+01  }
0x14a: {  	v35 =	vadd.f32 v35, v21;
	v37 =	vmul.f32 $2.500000000e+00, v62;
	v36 =	vadd.f32 $1.000000000e+02, v63  }
0x14b: {  	v33 =	vtrunc.f32 v33;
	v31 =	vtrunc.f32 v31  }
0x14c: {  	[tilespmem:s13], [sflag:$0x1] =	stream.indirect_vreg.gather [spmem:s3], $0x1, v26, vm0, $0xb8;
	v35 =	vmul.f32 $2.500000000e+00, v35;
	v26 =	vadd.f32 $1.000000000e+02, v37;
	v36 =	vmax.f32 v36, $0.0e+00;
	[tilespmem:$0x14FC0] =	vst v63  }
0x14d: {  	v33 =	vcvt.f32.s32 v33;
	v34 =	vmul.u32 $0xC8, v34;
	v36 =	vmin.f32 v36, $1.990000000e+02  }
0x14e: {  	[tilespmem:s14], [sflag:$0x1] =	stream.indirect_vreg.gather [spmem:s3], $0x1, v27, vm0, $0xb8;
	v27 =	vadd.f32 $3.000000000e+00, v35;
	v26 =	vmax.f32 v26, $0.0e+00;
	v38 =	vtrunc.f32 v36;
	[tilespmem:$0x14FC0] =	vst v63  }
0x14f: {  	v31 =	vcvt.f32.s32 v31;
	v26 =	vmin.f32 v26, $1.990000000e+02;
	v35 =	vcvt.f32.s32 v38  }
0x150: {  	[tilespmem:s15], [sflag:$0x1] =	stream.indirect_vreg.gather [spmem:s3], $0x1, v28, vm0, $0xb8;
	v39 =	vadd.s32 v33, v34;
	v27 =	vmax.f32 v27, $0.0e+00;
	v26 =	vtrunc.f32 v26;
	[tilespmem:$0x14FC0] =	vst v63  }
0x151: {  	v27 =	vmin.f32 v27, $1.500000000e+01;
	v26 =	vcvt.f32.s32 v26;
	v40 =	vmul.u32 $0xC8, v35  }
0x152: {  	[tilespmem:s16], [sflag:$0x1] =	stream.indirect_vreg.gather [spmem:s3], $0x1, v29, vm0, $0xb8;
	v28 =	vshll.u32 v39, $0x4;
	v27 =	vtrunc.f32 v27;
	[tilespmem:$0x14FC0] =	vst v63  }
0x153: {  	v28 =	vadd.s32 v31, v28;
	v27 =	vcvt.f32.s32 v27;
	v26 =	vadd.s32 v26, v40  }
0x154: {  	[tilespmem:s17], [sflag:$0x1] =	stream.indirect_vreg.gather [spmem:s3], $0x1, v30, vm0, $0xb8;
	v26 =	vshll.u32 v26, $0x4;
	[tilespmem:$0x14FC0] =	vst v63  }
0x155: {  	v26 =	vadd.s32 v27, v26  }
0x156: {  	[tilespmem:s18], [sflag:$0x1] =	stream.indirect_vreg.gather [spmem:s3], $0x1, v32, vm0, $0xb8;
	[tilespmem:$0x14FC0] =	vst v63  }
0x157: {  	_ = 	snop  }
0x158: {  	[tilespmem:s19], [sflag:$0x1] =	stream.indirect_vreg.gather [spmem:s3], $0x1, v28, vm0, $0xb8;
	[tilespmem:$0x14FC0] =	vst v63  }
0x159: {  	_ = 	snop  }
0x15a: {  	[tilespmem:s20], [sflag:$0x1] =	stream.indirect_vreg.gather [spmem:s3], $0x1, v26, vm0, $0xb8;
	[tilespmem:$0x14FC0] =	vst v63  }
0x15b: {  	_ =	swait.ge [sflag:s21], $0x10  }
0x15c: {  	[sflag:s21] =	ssyncset.done $0x0  }
0x15d: {  	[sflag:s21] =	ssyncadd.s32 $0xFFFFFFF0  }
0x15e: {  	_ =	swait.ge [sflag:s21], $0x10  }
0x15f: {  	[sflag:s21] =	ssyncset.done $0x0  }
0x160: {  	[sflag:s21] =	ssyncadd.s32 $0xFFFFFFF0  }
0x161: {  	_ =	swait.ge [sflag:s21], $0x10  }
0x162: {  	[sflag:s21] =	ssyncset.done $0x0  }
0x163: {  	[sflag:s21] =	ssyncadd.s32 $0xFFFFFFF0  }
0x164: {  	_ =	swait.ge [sflag:s21], $0x10  }
0x165: {  	[sflag:s21] =	ssyncset.done $0x0  }
0x166: {  	[sflag:s21] =	ssyncadd.s32 $0xFFFFFFF0  }
0x167: {  	_ =	swait.ge [sflag:s21], $0x10  }
0x168: {  	[sflag:s21] =	ssyncset.done $0x0  }
0x169: {  	[sflag:s21] =	ssyncadd.s32 $0xFFFFFFF0  }
0x16a: {  	_ =	swait.ge [sflag:s21], $0x10  }
0x16b: {  	[sflag:s21] =	ssyncset.done $0x0  }
0x16c: {  	[sflag:s21] =	ssyncadd.s32 $0xFFFFFFF0  }
0x16d: {  	_ =	swait.ge [sflag:s21], $0x10  }
0x16e: {  	[sflag:s21] =	ssyncset.done $0x0  }
0x16f: {  	[sflag:s21] =	ssyncadd.s32 $0xFFFFFFF0  }
0x170: {  	_ =	swait.ge [sflag:s21], $0x10  }
0x171: {  	[sflag:s21] =	ssyncset.done $0x0  }
0x172: {  	[sflag:s21] =	ssyncadd.s32 $0xFFFFFFF0  }
0x173: {  	v26 =	vld [tilespmem:$0xC80]  }
0x174: {  	v27 =	vld [tilespmem:$0x1580];
	_ =	sdelay $0x2  }
0x175: {  	v41 =	vld [tilespmem:$0xD00]  }
0x176: {  	v42 =	vld [tilespmem:$0x1600]  }
0x177: {  	v43 =	vld [tilespmem:$0x1680];
	vm1 =	veq.s32 v27, $0x0;
	vm2 =	vne.s32 v26, $0x9  }
0x178: {  	v44 =	vld [tilespmem:$0xD80];
	vm1 =	vmand vm2, vm1  }
0x179: {  	v27 =	vsel vm1, $0x1, v27  }
0x17a: {  	vm3 =	vne.s32 v41, $0x9;
	vm2 =	veq.s32 v27, $0x0  }
0x17b: {  	v45 =	vld [tilespmem:$0xE00];
	vm2 =	vmand vm2, vm3  }
0x17c: {  	v29 =	vsel vm1, s28, v42;
	v46 =	vsel vm2, $0x1, v27  }
0x17d: {  	v26 =	vsel vm1, v26, v43;
	[tilespmem:$0x1600] =	vst v29;
	vm3 =	vne.s32 v44, $0x9;
	vm1 =	veq.s32 v46, $0x0  }
0x17e: {  	[tilespmem:$0x1680] =	vst v26;
	v26 =	vld [tilespmem:$0xE80];
	vm1 =	vmand vm1, vm3  }
0x17f: {  	v47 =	vld [tilespmem:$0x1600];
	v49 =	vsel vm1, $0x1, v46  }
0x180: {  	vm4 =	vne.s32 v45, $0x9;
	v48 =	vld [tilespmem:$0x1680];
	vm3 =	veq.s32 v49, $0x0  }
0x181: {  	v50 =	vld [tilespmem:$0xF00];
	vm5 =	vmand vm3, vm4  }
0x182: {  	v51 =	vsel vm5, $0x1, v49  }
0x183: {  	vm14 =	vne.s32 v26, $0x9;
	vm3 =	veq.s32 v51, $0x0  }
0x184: {  	v52 =	vld [tilespmem:$0xF80];
	v30 =	vsel vm2, s29, v47;
	vm4 =	vmand vm3, vm14  }
0x185: {  	v56 =	vld [tilespmem:$0x1000];
	v28 =	vsel vm2, v41, v48;
	[tilespmem:$0x1600] =	vst v30;
	v54 =	vsel vm4, $0x1, v51  }
0x186: {  	[tilespmem:$0x1680] =	vst v28;
	v53 =	vld [tilespmem:$0x1600];
	vm3 =	vne.s32 v50, $0x9;
	vm2 =	veq.s32 v54, $0x0  }
0x187: {  	v55 =	vld [tilespmem:$0x1680];
	vm3 =	vmand vm2, vm3  }
0x188: {  	v57 =	vsel vm3, $0x1, v54  }
0x189: {  	vm6 =	vne.s32 v52, $0x9;
	vm2 =	veq.s32 v57, $0x0  }
0x18a: {  	vm2 =	vmand vm2, vm6  }
0x18b: {  	v28 =	vsel vm1, s30, v53;
	v59 =	vsel vm2, $0x1, v57  }
0x18c: {  	vm15 =	vne.s32 v56, $0x9;
	v58 =	vsel vm1, v44, v55;
	[tilespmem:$0x1600] =	vst v28;
	vm1 =	veq.s32 v59, $0x0  }
0x18d: {  	[tilespmem:$0x1680] =	vst v58;
	v60 =	vld [tilespmem:$0x1600];
	vm1 =	vmand vm1, vm15  }
0x18e: {  	v61 =	vld [tilespmem:$0x1680];
	v62 =	vsel vm1, $0x1, v59  }
0x18f: {  	(v2sf) =	vpush v62, $0x0  }
0x190: {  	(v2sf) =	vpush v62, $0x1  }
0x191: {  	(v2sf) =	vpush v62, $0x2  }
0x192: {  	v28 =	vsel vm5, s31, v60;
	(v2sf) =	vpush v62, $0x3  }
0x193: {  	v32 =	vsel vm5, v45, v61;
	[tilespmem:$0x1600] =	vst v28;
	(v2sf) =	vpush v62, $0x4  }
0x194: {  	[tilespmem:$0x1680] =	vst v32;
	v28 =	vld [tilespmem:$0x1600];
	(v2sf) =	vpush v62, $0x5  }
0x195: {  	v32 =	vld [tilespmem:$0x1680];
	(v2sf) =	vpush v62, $0x6  }
0x196: {  	(v2sf) =	vpush v62, $0x7  }
0x197: {  	(v2sf) =	vpush v62, $0x8  }
0x198: {  	(v2sf) =	vpush v62, $0x9  }
0x199: {  	v28 =	vsel vm4, s0, v28;
	(v2sf) =	vpush v62, $0xA  }
0x19a: {  	v26 =	vsel vm4, v26, v32;
	[tilespmem:$0x1600] =	vst v28;
	(v2sf) =	vpush v62, $0xB  }
0x19b: {  	[tilespmem:$0x1680] =	vst v26;
	v26 =	vld [tilespmem:$0x1600];
	(v2sf) =	vpush v62, $0xC  }
0x19c: {  	v63 =	vld [tilespmem:$0x1680];
	(v2sf) =	vpush v62, $0xD  }
0x19d: {  	(v2sf) =	vpush v62, $0xE  }
0x19e: {  	s29 =	spop (v2sf);
	(v2sf) =	vpush v62, $0xF  }
0x19f: {  	s30 =	spop (v2sf)  }
0x1a0: {  	v26 =	vsel vm3, s1, v26;
	s31 =	spop (v2sf);
	s0 =	sadd.s32 s30, s29  }
0x1a1: {  	v28 =	vsel vm3, v50, v63;
	[tilespmem:$0x1600] =	vst v26;
	s29 =	spop (v2sf);
	s0 =	sadd.s32 s31, s0  }
0x1a2: {  	[tilespmem:$0x1680] =	vst v28;
	v26 =	vld [tilespmem:$0x1600];
	s30 =	spop (v2sf);
	s0 =	sadd.s32 s29, s0  }
0x1a3: {  	v28 =	vld [tilespmem:$0x1680];
	s31 =	spop (v2sf);
	s0 =	sadd.s32 s30, s0  }
0x1a4: {  	s29 =	spop (v2sf);
	s0 =	sadd.s32 s31, s0  }
0x1a5: {  	[tilespmem:$0x1580] =	vst v27;
	s30 =	spop (v2sf);
	s0 =	sadd.s32 s29, s0  }
0x1a6: {  	[tilespmem:$0x1580] =	vst v46;
	s31 =	spop (v2sf);
	s0 =	sadd.s32 s30, s0  }
0x1a7: {  	[tilespmem:$0x1580] =	vst v49;
	v26 =	vsel vm2, s2, v26;
	s29 =	spop (v2sf);
	s0 =	sadd.s32 s31, s0  }
0x1a8: {  	[tilespmem:$0x1600] =	vst v26;
	v26 =	vsel vm2, v52, v28;
	s30 =	spop (v2sf);
	s0 =	sadd.s32 s29, s0  }
0x1a9: {  	[tilespmem:$0x1680] =	vst v26;
	v26 =	vld [tilespmem:$0x1600];
	s31 =	spop (v2sf);
	s0 =	sadd.s32 s30, s0  }
0x1aa: {  	[tilespmem:$0x1580] =	vst v51;
	v27 =	vld [tilespmem:$0x1680];
	s23 =	spop (v2sf);
	s0 =	sadd.s32 s31, s0  }
0x1ab: {  	[tilespmem:$0x1580] =	vst v54;
	s29 =	spop (v2sf);
	s0 =	sadd.s32 s23, s0  }
.Ltmp7:
0x1ac: {  	[tilespmem:$0x1580] =	vst v57;
	s30 =	spop (v2sf);
	s0 =	sadd.s32 s29, s0;
	(pc) =	sbr.rel .LBB2_5-.Ltmp7, $4  }
0x1ad: {  	[tilespmem:$0x1580] =	vst v59;
	s0 =	sadd.s32 s30, s0;
	s31 =	spop (v2sf)  }
0x1ae: {  	[tilespmem:$0x1580] =	vst v62;
	v26 =	vsel vm1, s22, v26;
	s0 =	sadd.s32 s31, s0  }
0x1af: {  	[tilespmem:$0x1600] =	vst v26;
	v26 =	vsel vm1, v56, v27;
	p0 =	sgt.s32 s0, $0xF;
	s0 =	simm.s32 $0x1  }
0x1b0: {  	[tilespmem:$0x1680] =	vst v26;
	s0 =	simm.s32 @!p0 $0x0  }
.LBB2_8:
0x1b1: {  	_ =	sfence.sel $0x180000  }
0x1b2: {  	[bflag:$0x0] =	sbarrier.arrive $0xFFFF  }
0x1b3: {  	_ =	strace $0x90000047  }
0x1b4: {  	s0 =	stileid.u32;
	[bflag:$0x2] =	sbarrier.arrive $0xFFFF  }
0x1b5: {  	p0 =	sne.s32 s0, $0x0;
	s0 =	rddreg [dreg:$0x4]  }
0x1b6: {  	s0 =	sadd.s32 @!p0 $0x100000, s0  }
0x1b7: {  	[sflag:s0] =	ssyncadd.tile.s32 @!p0 $0x1;
	_ =	shalt  }
.Lfunc_end2:
_tile_overlayer_lowered:
.L_overlay_start_2:
0x1b8: {  	(tag) =	ssettag $0x2  }
0x1b9: {  	s0 =	rddreg [dreg:$0x0];
	s2 =	stileid.u32  }
0x1ba: {  	s1 =	rddreg [dreg:$0x1];
	p0 =	sne.s32 s2, $0x0  }
0x1bb: {  	s3 =	rddreg [dreg:$0x2];
	[bflag:$0x3] =	sbarrier.arrive $0xFFFF;
	s2 =	simm.s32 @!p0 $0x1C02  }
0x1bc: {  	[timem:s3], [sflag:s2] =	dma.local @!p0 [hbm:s0], s1  }
0x1bd: {  	s0 =	simm.s32 @!p0 $0x2  }
0x1be: {  	_ =	swait.ge @!p0 [sflag:s0], s1  }
0x1bf: {  	s1 =	ssub.s32 @!p0 $0x0, s1;
	[sflag:s0] =	ssyncset.done @!p0 $0x0  }
0x1c0: {  	[sflag:s0] =	ssyncadd.s32 @!p0 s1  }
0x1c1: {  	[bflag:$0x3] =	sbarrier.arrive $0xFFFF  }
0x1c2: {  	_ =	shalt  }

</sc_bundles>
